<compile_context>
chip_gen: v7x
topology: tpu7x:2x2x1
jax: 0.10.2.dev20260603
libtpu: 0.0.44.dev20260713+nightly
codegen_flags: <defaults>
</compile_context>

<pallas_src>
import functools

import jax
import jax.numpy as jnp
from jax import lax
from jax.experimental import pallas as pl
from jax.experimental.pallas import tpu as pltpu
from jax.experimental.pallas import tpu_sc as plsc

B = 8
N = 8192
G = 512
K = 32

NC = 2
NS = 16
NW = NC * NS
QPW = (B * G) // NW
WPB = G // QPW
NCHUNK = N // 16
NGROUP = NCHUNK // 16


def _fps_body(xs_ref, ys_ref, zs_ref, idx_ref, cx_ref, cy_ref, cz_ref, dists_ref):
    xs = xs_ref[...]
    ys = ys_ref[...]
    zs = zs_ref[...]
    lanes = lax.broadcasted_iota(jnp.int32, (B, N), 1)
    glanes = lax.broadcasted_iota(jnp.int32, (B, G), 1)
    dists_ref[...] = jnp.full((B, N), jnp.inf, dtype=jnp.float32)
    idx_ref[...] = jnp.zeros((B, G), jnp.int32)
    cx_ref[...] = jnp.zeros((B, G), jnp.float32)
    cy_ref[...] = jnp.zeros((B, G), jnp.float32)
    cz_ref[...] = jnp.zeros((B, G), jnp.float32)

    def step(i, farthest):
        onehot = lanes == farthest
        cx = jnp.sum(jnp.where(onehot, xs, 0.0), axis=1, keepdims=True)
        cy = jnp.sum(jnp.where(onehot, ys, 0.0), axis=1, keepdims=True)
        cz = jnp.sum(jnp.where(onehot, zs, 0.0), axis=1, keepdims=True)
        slot = glanes == i
        slot_i = slot.astype(jnp.int32)
        slot_f = slot.astype(jnp.float32)
        idx_ref[...] = idx_ref[...] + slot_i * farthest
        cx_ref[...] = cx_ref[...] + slot_f * cx
        cy_ref[...] = cy_ref[...] + slot_f * cy
        cz_ref[...] = cz_ref[...] + slot_f * cz
        dx = xs - cx
        dy = ys - cy
        dz = zs - cz
        d = (dx * dx + dy * dy) + dz * dz
        dists = jnp.minimum(dists_ref[...], d)
        dists_ref[...] = dists
        m = jnp.max(dists, axis=1, keepdims=True)
        far_new = jnp.min(jnp.where(dists == m, lanes, N), axis=1, keepdims=True)
        return far_new

    lax.fori_loop(0, G, step, jnp.zeros((B, 1), jnp.int32))


def _fps_call(xs, ys, zs, interpret=False):
    return pl.pallas_call(
        _fps_body,
        out_shape=(
            jax.ShapeDtypeStruct((B, G), jnp.int32),
            jax.ShapeDtypeStruct((B, G), jnp.float32),
            jax.ShapeDtypeStruct((B, G), jnp.float32),
            jax.ShapeDtypeStruct((B, G), jnp.float32),
        ),
        scratch_shapes=[pltpu.VMEM((B, N), jnp.float32)],
        interpret=interpret,
    )(xs, ys, zs)


def _knn_sc_body(xs_hbm, ys_hbm, zs_hbm, cx_hbm, cy_hbm, cz_hbm,
                 idx_out, ngx_out, ngy_out, ngz_out,
                 xs_t, ys_t, zs_t, xr_t, yr_t, zr_t, r2_t, d_t,
                 cx_t, cy_t, cz_t, q2_t,
                 colmin_t, idx_st, ngx_st, ngy_st, ngz_st):
    wid = lax.axis_index("s") * NC + lax.axis_index("c")
    b = wid // WPB
    qb = (wid % WPB) * QPW
    pltpu.sync_copy(xs_hbm.at[b], xs_t)
    pltpu.sync_copy(ys_hbm.at[b], ys_t)
    pltpu.sync_copy(zs_hbm.at[b], zs_t)
    pltpu.sync_copy(cx_hbm.at[b, pl.ds(qb, QPW)], cx_t)
    pltpu.sync_copy(cy_hbm.at[b, pl.ds(qb, QPW)], cy_t)
    pltpu.sync_copy(cz_hbm.at[b, pl.ds(qb, QPW)], cz_t)

    iota = lax.broadcasted_iota(jnp.int32, (16,), 0)
    INF = jnp.float32(jnp.inf)
    BIG = jnp.int32(1 << 30)

    _gdn = lax.GatherDimensionNumbers(
        offset_dims=(), collapsed_slice_dims=(0,), start_index_map=(0,))

    def _shuf(v, idx):
        return lax.gather(v, idx[:, None], dimension_numbers=_gdn,
                          slice_sizes=(1,),
                          mode=lax.GatherScatterMode.PROMISE_IN_BOUNDS)

    def _bmin(v):
        for s in (1, 2, 4, 8):
            v = jnp.minimum(v, _shuf(v, iota ^ s))
        return v

    def _pick(ref, qi):
        v = ref[pl.ds((qi // 16) * 16, 16)]
        return _shuf(v, iota * 0 + (qi % 16))

    def _bf16r(v):
        C = jnp.float32(65537.0)
        x = C * v
        y = x - v
        return x - y

    def r2_chunk(j, _):
        for u in range(4):
            off = j * 64 + u * 16
            px = xs_t[pl.ds(off, 16)]
            py = ys_t[pl.ds(off, 16)]
            pz = zs_t[pl.ds(off, 16)]
            r2_t[pl.ds(off, 16)] = (px * px + py * py) + pz * pz
            xr_t[pl.ds(off, 16)] = _bf16r(px)
            yr_t[pl.ds(off, 16)] = _bf16r(py)
            zr_t[pl.ds(off, 16)] = _bf16r(pz)
        return 0
    lax.fori_loop(0, NCHUNK // 4, r2_chunk, 0)

    def q2_chunk(j, _):
        cxv = cx_t[pl.ds(j * 16, 16)]
        cyv = cy_t[pl.ds(j * 16, 16)]
        czv = cz_t[pl.ds(j * 16, 16)]
        q2_t[pl.ds(j * 16, 16)] = (cxv * cxv + cyv * cyv) + czv * czv
        return 0
    lax.fori_loop(0, QPW // 16, q2_chunk, 0)

    def per_query(qi, _):
        cxq = _pick(cx_t, qi)
        cyq = _pick(cy_t, qi)
        czq = _pick(cz_t, qi)
        q2 = _pick(q2_t, qi)
        cxr = _bf16r(cxq)
        cyr = _bf16r(cyq)
        czr = _bf16r(czq)

        def dist_group(g, _):
            rmin = iota.astype(jnp.float32) * 0 + INF
            for u in range(16):
                off = g * 256 + u * 16
                px = xr_t[pl.ds(off, 16)]
                py = yr_t[pl.ds(off, 16)]
                pz = zr_t[pl.ds(off, 16)]
                dot = (cxr * px + cyr * py) + czr * pz
                d = (q2 + r2_t[pl.ds(off, 16)]) - 2.0 * dot
                d_t[pl.ds(off, 16)] = d
                rmin = jnp.minimum(rmin, d)
            colmin_t[pl.ds(g * 16, 16)] = rmin
            return 0
        lax.fori_loop(0, NGROUP, dist_group, 0)

        def sel(k, carry):
            na0, na1, nx0, nx1, ny0, ny1, nz0, nz1 = carry

            def scan(jj, c2):
                acc, idxa = c2
                for u in range(2):
                    p = jj * 2 + u
                    v = colmin_t[pl.ds(p * 16, 16)]
                    m = v < acc
                    acc = jnp.where(m, v, acc)
                    idxa = jnp.where(m, iota * 0 + p, idxa)
                return (acc, idxa)
            acc, idxa = lax.fori_loop(0, NGROUP // 2, scan,
                                      (iota.astype(jnp.float32) * 0 + INF, iota * 0))
            gm = _bmin(acc)
            pos = _bmin(jnp.where(acc == gm, idxa * 16 + iota, BIG))
            gg_s = pos[0] >> 4

            nacc = iota * 0 + BIG
            rmin = iota.astype(jnp.float32) * 0 + INF
            for c16 in range(16):
                off = gg_s * 256 + c16 * 16
                dc = d_t[pl.ds(off, 16)]
                hit = dc == gm
                gidx = (gg_s * 16 + c16) * 16 + iota
                nacc = jnp.minimum(nacc, jnp.where(hit, gidx, BIG))
                upd = jnp.where(hit, INF, dc)
                d_t[pl.ds(off, 16)] = upd
                rmin = jnp.minimum(rmin, upd)
            colmin_t[pl.ds(gg_s * 16, 16)] = rmin
            n = _bmin(nacc)
            n_s = n[0]

            lane = n & 15
            coff = (n_s >> 4) * 16
            gx = _shuf(xs_t[pl.ds(coff, 16)], lane) - cxq
            gy = _shuf(ys_t[pl.ds(coff, 16)], lane) - cyq
            gz = _shuf(zs_t[pl.ds(coff, 16)], lane) - czq
            in0 = iota == k
            in1 = iota == (k - 16)
            na0 = jnp.where(in0, n, na0)
            na1 = jnp.where(in1, n, na1)
            nx0 = jnp.where(in0, gx, nx0)
            nx1 = jnp.where(in1, gx, nx1)
            ny0 = jnp.where(in0, gy, ny0)
            ny1 = jnp.where(in1, gy, ny1)
            nz0 = jnp.where(in0, gz, nz0)
            nz1 = jnp.where(in1, gz, nz1)
            return (na0, na1, nx0, nx1, ny0, ny1, nz0, nz1)

        zf = iota.astype(jnp.float32) * 0
        na0, na1, nx0, nx1, ny0, ny1, nz0, nz1 = lax.fori_loop(
            0, K, sel, (iota * 0, iota * 0, zf, zf, zf, zf, zf, zf))

        qoff = qi * K
        idx_st[pl.ds(qoff, 16)] = na0
        idx_st[pl.ds(qoff + 16, 16)] = na1
        ngx_st[pl.ds(qoff, 16)] = nx0
        ngx_st[pl.ds(qoff + 16, 16)] = nx1
        ngy_st[pl.ds(qoff, 16)] = ny0
        ngy_st[pl.ds(qoff + 16, 16)] = ny1
        ngz_st[pl.ds(qoff, 16)] = nz0
        ngz_st[pl.ds(qoff + 16, 16)] = nz1
        return 0
    lax.fori_loop(0, QPW, per_query, 0)

    pltpu.sync_copy(idx_st, idx_out.at[b, pl.ds(qb * K, QPW * K)])
    pltpu.sync_copy(ngx_st, ngx_out.at[b, pl.ds(qb * K, QPW * K)])
    pltpu.sync_copy(ngy_st, ngy_out.at[b, pl.ds(qb * K, QPW * K)])
    pltpu.sync_copy(ngz_st, ngz_out.at[b, pl.ds(qb * K, QPW * K)])


def _knn_sc_call(xs, ys, zs, cx, cy, cz, interpret=False):
    mesh = plsc.VectorSubcoreMesh(core_axis_name="c", subcore_axis_name="s")
    f = pl.kernel(
        _knn_sc_body,
        out_type=(
            jax.ShapeDtypeStruct((B, G * K), jnp.int32),
            jax.ShapeDtypeStruct((B, G * K), jnp.float32),
            jax.ShapeDtypeStruct((B, G * K), jnp.float32),
            jax.ShapeDtypeStruct((B, G * K), jnp.float32),
        ),
        mesh=mesh,
        scratch_types=[
            pltpu.VMEM((N,), jnp.float32),
            pltpu.VMEM((N,), jnp.float32),
            pltpu.VMEM((N,), jnp.float32),
            pltpu.VMEM((N,), jnp.float32),
            pltpu.VMEM((N,), jnp.float32),
            pltpu.VMEM((N,), jnp.float32),
            pltpu.VMEM((N,), jnp.float32),
            pltpu.VMEM((N,), jnp.float32),
            pltpu.VMEM((QPW,), jnp.float32),
            pltpu.VMEM((QPW,), jnp.float32),
            pltpu.VMEM((QPW,), jnp.float32),
            pltpu.VMEM((QPW,), jnp.float32),
            pltpu.VMEM((NCHUNK,), jnp.float32),
            pltpu.VMEM((QPW * K,), jnp.int32),
            pltpu.VMEM((QPW * K,), jnp.float32),
            pltpu.VMEM((QPW * K,), jnp.float32),
            pltpu.VMEM((QPW * K,), jnp.float32),
        ],
        interpret=interpret,
    )
    idx_flat, ngx, ngy, ngz = f(xs, ys, zs, cx, cy, cz)
    idx = idx_flat.reshape(B, G, K)
    ngh = jnp.stack([ngx.reshape(B, G, K), ngy.reshape(B, G, K),
                     ngz.reshape(B, G, K)], axis=-1)
    return idx, ngh


def kernel(xyz):
    xs = xyz[:, :, 0]
    ys = xyz[:, :, 1]
    zs = xyz[:, :, 2]
    fps_idx, cx, cy, cz = _fps_call(xs, ys, zs)
    idx, neighborhood = _knn_sc_call(xs, ys, zs, cx, cy, cz)
    center = jnp.stack([cx, cy, cz], axis=-1)
    return neighborhood, center, idx

# --- scband reference (transcript-rebuilt; emitter-appended) ---
"""Pipeline reference for scband-patched-group-42348377538666 (READ-ONLY COPY).

The authoritative reference and input builder live on the scoring server;
editing this copy changes nothing except your own understanding.
"""

import jax, jax.numpy as jnp
import numpy as np

NUM_GROUP = 512
GROUP_SIZE = 32


def _fps_indices(data, number):
    # data: [B, N, 3] -> indices [B, number] (furthest point sampling, start at idx 0)
    B, N, _ = data.shape

    def body(i, state):
        dists, farthest, idxs = state
        idxs = idxs.at[:, i].set(farthest)
        centroid = jnp.take_along_axis(data, farthest[:, None, None].astype(jnp.int32), axis=1)  # [B,1,3]
        d = jnp.sum((data - centroid) ** 2, axis=-1)  # [B,N]
        dists = jnp.minimum(dists, d)
        farthest = jnp.argmax(dists, axis=-1).astype(jnp.int32)
        return (dists, farthest, idxs)

    dists0 = jnp.full((B, N), jnp.inf, dtype=data.dtype)
    farthest0 = jnp.zeros((B,), dtype=jnp.int32)
    idxs0 = jnp.zeros((B, number), dtype=jnp.int32)
    _, _, idxs = jax.lax.fori_loop(0, number, body, (dists0, farthest0, idxs0))
    return idxs


def _forward(xyz):
    B, N, C = xyz.shape
    xyz_only = xyz[:, :, :3]
    # FPS centers
    fps_idx = _fps_indices(jax.lax.stop_gradient(xyz_only), NUM_GROUP)  # [B,G]
    center = jnp.take_along_axis(xyz_only, fps_idx[:, :, None], axis=1)  # [B,G,3]
    # KNN: squared distances center->points via ||q||^2 + ||r||^2 - 2 q.r
    q2 = jnp.sum(center ** 2, axis=-1)[:, :, None]           # [B,G,1]
    r2 = jnp.sum(xyz_only ** 2, axis=-1)[:, None, :]          # [B,1,N]
    d2 = q2 + r2 - 2.0 * jnp.einsum('bgc,bnc->bgn', center, xyz_only)  # [B,G,N]
    _, idx = jax.lax.top_k(-d2, GROUP_SIZE)                   # [B,G,K]
    idx_rel = idx
    idx_base = (jnp.arange(B, dtype=idx.dtype)[:, None, None]) * N
    idx_flat = (idx + idx_base).reshape(-1)
    neigh_xyz = xyz_only.reshape(B * N, 3)[idx_flat, :].reshape(B, NUM_GROUP, GROUP_SIZE, 3)
    neighborhood = neigh_xyz - center[:, :, None, :]
    return neighborhood, center, idx_rel


def setup_inputs(seed: int = 0) -> dict:
    key = jax.random.key(seed)
    xyz = jax.random.uniform(key, (8, 8192, 3), dtype=jnp.float32)
    return {"xyz": xyz}


def reference(xyz):
    return _forward(xyz)

if __name__ == "__main__":
    import jax
    _d = setup_inputs()
    print(jax.jit(kernel)(*tuple(_d.values())))

</pallas_src>

<mosaic_0001>
#map = affine_map<(d0, d1) -> (0, 0)>
module attributes {stable_mosaic.version = 14 : i64} {
  func.func @_knn_sc_body(%arg0: i32, %arg1: i32, %arg2: memref<8x8192xf32, #tpu.memory_space<hbm>>, %arg3: memref<8x8192xf32, #tpu.memory_space<hbm>>, %arg4: memref<8x8192xf32, #tpu.memory_space<hbm>>, %arg5: memref<8x512xf32, #tpu.memory_space<hbm>>, %arg6: memref<8x512xf32, #tpu.memory_space<hbm>>, %arg7: memref<8x512xf32, #tpu.memory_space<hbm>>, %arg8: memref<8x16384xi32, #tpu.memory_space<hbm>>, %arg9: memref<8x16384xf32, #tpu.memory_space<hbm>>, %arg10: memref<8x16384xf32, #tpu.memory_space<hbm>>, %arg11: memref<8x16384xf32, #tpu.memory_space<hbm>>, %arg12: memref<8192xf32, #tpu.memory_space<vmem>>, %arg13: memref<8192xf32, #tpu.memory_space<vmem>>, %arg14: memref<8192xf32, #tpu.memory_space<vmem>>, %arg15: memref<8192xf32, #tpu.memory_space<vmem>>, %arg16: memref<8192xf32, #tpu.memory_space<vmem>>, %arg17: memref<8192xf32, #tpu.memory_space<vmem>>, %arg18: memref<8192xf32, #tpu.memory_space<vmem>>, %arg19: memref<8192xf32, #tpu.memory_space<vmem>>, %arg20: memref<128xf32, #tpu.memory_space<vmem>>, %arg21: memref<128xf32, #tpu.memory_space<vmem>>, %arg22: memref<128xf32, #tpu.memory_space<vmem>>, %arg23: memref<128xf32, #tpu.memory_space<vmem>>, %arg24: memref<512xf32, #tpu.memory_space<vmem>>, %arg25: memref<4096xi32, #tpu.memory_space<vmem>>, %arg26: memref<4096xf32, #tpu.memory_space<vmem>>, %arg27: memref<4096xf32, #tpu.memory_space<vmem>>, %arg28: memref<4096xf32, #tpu.memory_space<vmem>>) attributes {dimension_semantics = [#tpu.dimension_semantics<core_parallel>, #tpu.dimension_semantics<subcore_parallel>], iteration_bounds = array<i64: 2, 16>, scalar_prefetch = 0 : i64, scratch_operands = 17 : i64, tpu.core_type = #tpu.core_type<sc_vector_subcore>, window_params = [{transform_indices = #map}, {transform_indices = #map}, {transform_indices = #map}, {transform_indices = #map}, {transform_indices = #map}, {transform_indices = #map}, {transform_indices = #map}, {transform_indices = #map}, {transform_indices = #map}, {transform_indices = #map}]} {
    %mul3A = arith.constant 2 : i32
    %mul3A_0 = arith.muli %arg1, %mul3A : i32
    %add3A = arith.addi %mul3A_0, %arg0 : i32
    %jit3A = arith.constant 4 : i32
    %div3A = arith.divsi %add3A, %jit3A : i32
    %sign3A = arith.constant 0 : i32
    %sign3A_1 = arith.cmpi sgt, %add3A, %sign3A : i32
    %sign3A_2 = arith.extui %sign3A_1 : i1 to i32
    %sign3A_3 = arith.constant 0 : i32
    %sign3A_4 = arith.cmpi slt, %add3A, %sign3A_3 : i32
    %sign3A_5 = arith.extui %sign3A_4 : i1 to i32
    %sign3A_6 = arith.subi %sign3A_2, %sign3A_5 : i32
    %sign3A_7 = arith.constant 0 : i32
    %sign3A_8 = arith.cmpi sgt, %jit3A, %sign3A_7 : i32
    %sign3A_9 = arith.extui %sign3A_8 : i1 to i32
    %sign3A_10 = arith.constant 0 : i32
    %sign3A_11 = arith.cmpi slt, %jit3A, %sign3A_10 : i32
    %sign3A_12 = arith.extui %sign3A_11 : i1 to i32
    %sign3A_13 = arith.subi %sign3A_9, %sign3A_12 : i32
    %ne3A = arith.cmpi ne, %sign3A_6, %sign3A_13 : i32
    %rem3A = arith.remsi %add3A, %jit3A : i32
    %ne3A_14 = arith.constant 0 : i32
    %ne3A_15 = arith.cmpi ne, %rem3A, %ne3A_14 : i32
    %and3A = arith.andi %ne3A, %ne3A_15 : i1
    %sub3A = arith.constant 1 : i32
    %sub3A_16 = arith.subi %div3A, %sub3A : i32
    %select_n3A = arith.select %and3A, %sub3A_16, %div3A : i32
    %jit3A_17 = arith.constant 4 : i32
    %eq3A = arith.constant 0 : i32
    %eq3A_18 = arith.cmpi eq, %jit3A_17, %eq3A : i32
    %jit3A_19 = arith.constant 1 : i32
    %select_n3A_20 = arith.select %eq3A_18, %jit3A_19, %jit3A_17 : i32
    %rem3A_21 = arith.remsi %add3A, %select_n3A_20 : i32
    %ne3A_22 = arith.constant 0 : i32
    %ne3A_23 = arith.cmpi ne, %rem3A_21, %ne3A_22 : i32
    %lt3A = arith.constant 0 : i32
    %lt3A_24 = arith.cmpi slt, %rem3A_21, %lt3A : i32
    %lt3A_25 = arith.constant 0 : i32
    %lt3A_26 = arith.cmpi slt, %select_n3A_20, %lt3A_25 : i32
    %ne3A_27 = arith.xori %lt3A_24, %lt3A_26 : i1
    %and3A_28 = arith.andi %ne3A_27, %ne3A_23 : i1
    %add3A_29 = arith.addi %rem3A_21, %select_n3A_20 : i32
    %select_n3A_30 = arith.select %and3A_28, %add3A_29, %rem3A_21 : i32
    %mul3A_31 = arith.constant 128 : i32
    %mul3A_32 = arith.muli %select_n3A_30, %mul3A_31 : i32
    "tpu.region"() ({
      %run_scoped3A = tpu.sem_alloc : memref<!tpu.dma_semaphore, #tpu.memory_space<semaphore_mem>>
      %dma_start3A = arith.constant 0 : i32
      %dma_start3A_63 = tpu.memref_slice %arg2[%select_n3A, %dma_start3A] : memref<8x8192xf32, #tpu.memory_space<hbm>> -> memref<1x8192xf32, #tpu.memory_space<hbm>>
      %dma_start3A_64 = tpu.memref_squeeze %dma_start3A_63 : memref<1x8192xf32, #tpu.memory_space<hbm>> -> memref<8192xf32, #tpu.memory_space<hbm>>
      %dma_start3A_65 = arith.constant 0 : i32
      %dma_start3A_66 = tpu.memref_slice %arg2[%select_n3A, %dma_start3A_65] : memref<8x8192xf32, #tpu.memory_space<hbm>> -> memref<1x8192xf32, #tpu.memory_space<hbm>>
      %dma_start3A_67 = tpu.memref_squeeze %dma_start3A_66 : memref<1x8192xf32, #tpu.memory_space<hbm>> -> memref<8192xf32, #tpu.memory_space<hbm>>
      tpu.enqueue_dma source(%dma_start3A_67 : memref<8192xf32, #tpu.memory_space<hbm>>) target(%arg12 : memref<8192xf32, #tpu.memory_space<vmem>>) target_semaphore(%run_scoped3A : memref<!tpu.dma_semaphore, #tpu.memory_space<semaphore_mem>>)
      %dma_wait3A = arith.constant 0 : i32
      %dma_wait3A_68 = tpu.memref_slice %arg2[%select_n3A, %dma_wait3A] : memref<8x8192xf32, #tpu.memory_space<hbm>> -> memref<1x8192xf32, #tpu.memory_space<hbm>>
      %dma_wait3A_69 = tpu.memref_squeeze %dma_wait3A_68 : memref<1x8192xf32, #tpu.memory_space<hbm>> -> memref<8192xf32, #tpu.memory_space<hbm>>
      %dma_wait3A_70 = arith.constant 0 : i32
      %dma_wait3A_71 = tpu.memref_slice %arg2[%select_n3A, %dma_wait3A_70] : memref<8x8192xf32, #tpu.memory_space<hbm>> -> memref<1x8192xf32, #tpu.memory_space<hbm>>
      %dma_wait3A_72 = tpu.memref_squeeze %dma_wait3A_71 : memref<1x8192xf32, #tpu.memory_space<hbm>> -> memref<8192xf32, #tpu.memory_space<hbm>>
      tpu.wait_dma2 semaphore(%run_scoped3A : memref<!tpu.dma_semaphore, #tpu.memory_space<semaphore_mem>>) src(%dma_wait3A_72 : memref<8192xf32, #tpu.memory_space<hbm>>) dst(%arg12 : memref<8192xf32, #tpu.memory_space<vmem>>)
      tpu.yield
    }) : () -> ()
    "tpu.region"() ({
      %run_scoped3A = tpu.sem_alloc : memref<!tpu.dma_semaphore, #tpu.memory_space<semaphore_mem>>
      %dma_start3A = arith.constant 0 : i32
      %dma_start3A_63 = tpu.memref_slice %arg3[%select_n3A, %dma_start3A] : memref<8x8192xf32, #tpu.memory_space<hbm>> -> memref<1x8192xf32, #tpu.memory_space<hbm>>
      %dma_start3A_64 = tpu.memref_squeeze %dma_start3A_63 : memref<1x8192xf32, #tpu.memory_space<hbm>> -> memref<8192xf32, #tpu.memory_space<hbm>>
      %dma_start3A_65 = arith.constant 0 : i32
      %dma_start3A_66 = tpu.memref_slice %arg3[%select_n3A, %dma_start3A_65] : memref<8x8192xf32, #tpu.memory_space<hbm>> -> memref<1x8192xf32, #tpu.memory_space<hbm>>
      %dma_start3A_67 = tpu.memref_squeeze %dma_start3A_66 : memref<1x8192xf32, #tpu.memory_space<hbm>> -> memref<8192xf32, #tpu.memory_space<hbm>>
      tpu.enqueue_dma source(%dma_start3A_67 : memref<8192xf32, #tpu.memory_space<hbm>>) target(%arg13 : memref<8192xf32, #tpu.memory_space<vmem>>) target_semaphore(%run_scoped3A : memref<!tpu.dma_semaphore, #tpu.memory_space<semaphore_mem>>)
      %dma_wait3A = arith.constant 0 : i32
      %dma_wait3A_68 = tpu.memref_slice %arg3[%select_n3A, %dma_wait3A] : memref<8x8192xf32, #tpu.memory_space<hbm>> -> memref<1x8192xf32, #tpu.memory_space<hbm>>
      %dma_wait3A_69 = tpu.memref_squeeze %dma_wait3A_68 : memref<1x8192xf32, #tpu.memory_space<hbm>> -> memref<8192xf32, #tpu.memory_space<hbm>>
      %dma_wait3A_70 = arith.constant 0 : i32
      %dma_wait3A_71 = tpu.memref_slice %arg3[%select_n3A, %dma_wait3A_70] : memref<8x8192xf32, #tpu.memory_space<hbm>> -> memref<1x8192xf32, #tpu.memory_space<hbm>>
      %dma_wait3A_72 = tpu.memref_squeeze %dma_wait3A_71 : memref<1x8192xf32, #tpu.memory_space<hbm>> -> memref<8192xf32, #tpu.memory_space<hbm>>
      tpu.wait_dma2 semaphore(%run_scoped3A : memref<!tpu.dma_semaphore, #tpu.memory_space<semaphore_mem>>) src(%dma_wait3A_72 : memref<8192xf32, #tpu.memory_space<hbm>>) dst(%arg13 : memref<8192xf32, #tpu.memory_space<vmem>>)
      tpu.yield
    }) : () -> ()
    "tpu.region"() ({
      %run_scoped3A = tpu.sem_alloc : memref<!tpu.dma_semaphore, #tpu.memory_space<semaphore_mem>>
      %dma_start3A = arith.constant 0 : i32
      %dma_start3A_63 = tpu.memref_slice %arg4[%select_n3A, %dma_start3A] : memref<8x8192xf32, #tpu.memory_space<hbm>> -> memref<1x8192xf32, #tpu.memory_space<hbm>>
      %dma_start3A_64 = tpu.memref_squeeze %dma_start3A_63 : memref<1x8192xf32, #tpu.memory_space<hbm>> -> memref<8192xf32, #tpu.memory_space<hbm>>
      %dma_start3A_65 = arith.constant 0 : i32
      %dma_start3A_66 = tpu.memref_slice %arg4[%select_n3A, %dma_start3A_65] : memref<8x8192xf32, #tpu.memory_space<hbm>> -> memref<1x8192xf32, #tpu.memory_space<hbm>>
      %dma_start3A_67 = tpu.memref_squeeze %dma_start3A_66 : memref<1x8192xf32, #tpu.memory_space<hbm>> -> memref<8192xf32, #tpu.memory_space<hbm>>
      tpu.enqueue_dma source(%dma_start3A_67 : memref<8192xf32, #tpu.memory_space<hbm>>) target(%arg14 : memref<8192xf32, #tpu.memory_space<vmem>>) target_semaphore(%run_scoped3A : memref<!tpu.dma_semaphore, #tpu.memory_space<semaphore_mem>>)
      %dma_wait3A = arith.constant 0 : i32
      %dma_wait3A_68 = tpu.memref_slice %arg4[%select_n3A, %dma_wait3A] : memref<8x8192xf32, #tpu.memory_space<hbm>> -> memref<1x8192xf32, #tpu.memory_space<hbm>>
      %dma_wait3A_69 = tpu.memref_squeeze %dma_wait3A_68 : memref<1x8192xf32, #tpu.memory_space<hbm>> -> memref<8192xf32, #tpu.memory_space<hbm>>
      %dma_wait3A_70 = arith.constant 0 : i32
      %dma_wait3A_71 = tpu.memref_slice %arg4[%select_n3A, %dma_wait3A_70] : memref<8x8192xf32, #tpu.memory_space<hbm>> -> memref<1x8192xf32, #tpu.memory_space<hbm>>
      %dma_wait3A_72 = tpu.memref_squeeze %dma_wait3A_71 : memref<1x8192xf32, #tpu.memory_space<hbm>> -> memref<8192xf32, #tpu.memory_space<hbm>>
      tpu.wait_dma2 semaphore(%run_scoped3A : memref<!tpu.dma_semaphore, #tpu.memory_space<semaphore_mem>>) src(%dma_wait3A_72 : memref<8192xf32, #tpu.memory_space<hbm>>) dst(%arg14 : memref<8192xf32, #tpu.memory_space<vmem>>)
      tpu.yield
    }) : () -> ()
    "tpu.region"() ({
      %run_scoped3A = tpu.sem_alloc : memref<!tpu.dma_semaphore, #tpu.memory_space<semaphore_mem>>
      %dma_start3A = tpu.memref_slice %arg5[%select_n3A, %mul3A_32] : memref<8x512xf32, #tpu.memory_space<hbm>> -> memref<1x128xf32, #tpu.memory_space<hbm>>
      %dma_start3A_63 = tpu.memref_squeeze %dma_start3A : memref<1x128xf32, #tpu.memory_space<hbm>> -> memref<128xf32, #tpu.memory_space<hbm>>
      %dma_start3A_64 = tpu.memref_slice %arg5[%select_n3A, %mul3A_32] : memref<8x512xf32, #tpu.memory_space<hbm>> -> memref<1x128xf32, #tpu.memory_space<hbm>>
      %dma_start3A_65 = tpu.memref_squeeze %dma_start3A_64 : memref<1x128xf32, #tpu.memory_space<hbm>> -> memref<128xf32, #tpu.memory_space<hbm>>
      tpu.enqueue_dma source(%dma_start3A_65 : memref<128xf32, #tpu.memory_space<hbm>>) target(%arg20 : memref<128xf32, #tpu.memory_space<vmem>>) target_semaphore(%run_scoped3A : memref<!tpu.dma_semaphore, #tpu.memory_space<semaphore_mem>>)
      %dma_wait3A = tpu.memref_slice %arg5[%select_n3A, %mul3A_32] : memref<8x512xf32, #tpu.memory_space<hbm>> -> memref<1x128xf32, #tpu.memory_space<hbm>>
      %dma_wait3A_66 = tpu.memref_squeeze %dma_wait3A : memref<1x128xf32, #tpu.memory_space<hbm>> -> memref<128xf32, #tpu.memory_space<hbm>>
      %dma_wait3A_67 = tpu.memref_slice %arg5[%select_n3A, %mul3A_32] : memref<8x512xf32, #tpu.memory_space<hbm>> -> memref<1x128xf32, #tpu.memory_space<hbm>>
      %dma_wait3A_68 = tpu.memref_squeeze %dma_wait3A_67 : memref<1x128xf32, #tpu.memory_space<hbm>> -> memref<128xf32, #tpu.memory_space<hbm>>
      tpu.wait_dma2 semaphore(%run_scoped3A : memref<!tpu.dma_semaphore, #tpu.memory_space<semaphore_mem>>) src(%dma_wait3A_68 : memref<128xf32, #tpu.memory_space<hbm>>) dst(%arg20 : memref<128xf32, #tpu.memory_space<vmem>>)
      tpu.yield
    }) : () -> ()
    "tpu.region"() ({
      %run_scoped3A = tpu.sem_alloc : memref<!tpu.dma_semaphore, #tpu.memory_space<semaphore_mem>>
      %dma_start3A = tpu.memref_slice %arg6[%select_n3A, %mul3A_32] : memref<8x512xf32, #tpu.memory_space<hbm>> -> memref<1x128xf32, #tpu.memory_space<hbm>>
      %dma_start3A_63 = tpu.memref_squeeze %dma_start3A : memref<1x128xf32, #tpu.memory_space<hbm>> -> memref<128xf32, #tpu.memory_space<hbm>>
      %dma_start3A_64 = tpu.memref_slice %arg6[%select_n3A, %mul3A_32] : memref<8x512xf32, #tpu.memory_space<hbm>> -> memref<1x128xf32, #tpu.memory_space<hbm>>
      %dma_start3A_65 = tpu.memref_squeeze %dma_start3A_64 : memref<1x128xf32, #tpu.memory_space<hbm>> -> memref<128xf32, #tpu.memory_space<hbm>>
      tpu.enqueue_dma source(%dma_start3A_65 : memref<128xf32, #tpu.memory_space<hbm>>) target(%arg21 : memref<128xf32, #tpu.memory_space<vmem>>) target_semaphore(%run_scoped3A : memref<!tpu.dma_semaphore, #tpu.memory_space<semaphore_mem>>)
      %dma_wait3A = tpu.memref_slice %arg6[%select_n3A, %mul3A_32] : memref<8x512xf32, #tpu.memory_space<hbm>> -> memref<1x128xf32, #tpu.memory_space<hbm>>
      %dma_wait3A_66 = tpu.memref_squeeze %dma_wait3A : memref<1x128xf32, #tpu.memory_space<hbm>> -> memref<128xf32, #tpu.memory_space<hbm>>
      %dma_wait3A_67 = tpu.memref_slice %arg6[%select_n3A, %mul3A_32] : memref<8x512xf32, #tpu.memory_space<hbm>> -> memref<1x128xf32, #tpu.memory_space<hbm>>
      %dma_wait3A_68 = tpu.memref_squeeze %dma_wait3A_67 : memref<1x128xf32, #tpu.memory_space<hbm>> -> memref<128xf32, #tpu.memory_space<hbm>>
      tpu.wait_dma2 semaphore(%run_scoped3A : memref<!tpu.dma_semaphore, #tpu.memory_space<semaphore_mem>>) src(%dma_wait3A_68 : memref<128xf32, #tpu.memory_space<hbm>>) dst(%arg21 : memref<128xf32, #tpu.memory_space<vmem>>)
      tpu.yield
    }) : () -> ()
    "tpu.region"() ({
      %run_scoped3A = tpu.sem_alloc : memref<!tpu.dma_semaphore, #tpu.memory_space<semaphore_mem>>
      %dma_start3A = tpu.memref_slice %arg7[%select_n3A, %mul3A_32] : memref<8x512xf32, #tpu.memory_space<hbm>> -> memref<1x128xf32, #tpu.memory_space<hbm>>
      %dma_start3A_63 = tpu.memref_squeeze %dma_start3A : memref<1x128xf32, #tpu.memory_space<hbm>> -> memref<128xf32, #tpu.memory_space<hbm>>
      %dma_start3A_64 = tpu.memref_slice %arg7[%select_n3A, %mul3A_32] : memref<8x512xf32, #tpu.memory_space<hbm>> -> memref<1x128xf32, #tpu.memory_space<hbm>>
      %dma_start3A_65 = tpu.memref_squeeze %dma_start3A_64 : memref<1x128xf32, #tpu.memory_space<hbm>> -> memref<128xf32, #tpu.memory_space<hbm>>
      tpu.enqueue_dma source(%dma_start3A_65 : memref<128xf32, #tpu.memory_space<hbm>>) target(%arg22 : memref<128xf32, #tpu.memory_space<vmem>>) target_semaphore(%run_scoped3A : memref<!tpu.dma_semaphore, #tpu.memory_space<semaphore_mem>>)
      %dma_wait3A = tpu.memref_slice %arg7[%select_n3A, %mul3A_32] : memref<8x512xf32, #tpu.memory_space<hbm>> -> memref<1x128xf32, #tpu.memory_space<hbm>>
      %dma_wait3A_66 = tpu.memref_squeeze %dma_wait3A : memref<1x128xf32, #tpu.memory_space<hbm>> -> memref<128xf32, #tpu.memory_space<hbm>>
      %dma_wait3A_67 = tpu.memref_slice %arg7[%select_n3A, %mul3A_32] : memref<8x512xf32, #tpu.memory_space<hbm>> -> memref<1x128xf32, #tpu.memory_space<hbm>>
      %dma_wait3A_68 = tpu.memref_squeeze %dma_wait3A_67 : memref<1x128xf32, #tpu.memory_space<hbm>> -> memref<128xf32, #tpu.memory_space<hbm>>
      tpu.wait_dma2 semaphore(%run_scoped3A : memref<!tpu.dma_semaphore, #tpu.memory_space<semaphore_mem>>) src(%dma_wait3A_68 : memref<128xf32, #tpu.memory_space<hbm>>) dst(%arg22 : memref<128xf32, #tpu.memory_space<vmem>>)
      tpu.yield
    }) : () -> ()
    %iota3A = tpu.iota {dimensions = array<i32: 0>} : vector<16xi32>
    %scan3A = arith.constant 0 : i32
    %scan3A_33 = arith.constant 0 : i32
    %scan3A_34 = arith.constant 128 : i32
    %scan3A_35 = arith.addi %scan3A_33, %scan3A_34 : i32
    %scan3A_36 = arith.constant 1 : i32
    %scan3A_37 = scf.for %scan3A_63 = %scan3A_33 to %scan3A_35 step %scan3A_36 iter_args(%scan3A_64 = %scan3A) -> (i32)  : i32 {
      %mul3A_65 = arith.constant 64 : i32
      %mul3A_66 = arith.muli %scan3A_63, %mul3A_65 : i32
      %add3A_67 = arith.constant 0 : i32
      %add3A_68 = arith.addi %mul3A_66, %add3A_67 : i32
      %get3A = arith.index_cast %add3A_68 : i32 to index
      %get3A_69 = tpu.vector_load %arg12[%get3A] {strides = array<i32>} : memref<8192xf32, #tpu.memory_space<vmem>>, vector<16xf32>,
      %get3A_70 = vector.shape_cast %get3A_69 : vector<16xf32> to vector<16xf32>
      %get3A_71 = arith.index_cast %add3A_68 : i32 to index
      %get3A_72 = tpu.vector_load %arg13[%get3A_71] {strides = array<i32>} : memref<8192xf32, #tpu.memory_space<vmem>>, vector<16xf32>,
      %get3A_73 = vector.shape_cast %get3A_72 : vector<16xf32> to vector<16xf32>
      %get3A_74 = arith.index_cast %add3A_68 : i32 to index
      %get3A_75 = tpu.vector_load %arg14[%get3A_74] {strides = array<i32>} : memref<8192xf32, #tpu.memory_space<vmem>>, vector<16xf32>,
      %get3A_76 = vector.shape_cast %get3A_75 : vector<16xf32> to vector<16xf32>
      %mul3A_77 = arith.mulf %get3A_70, %get3A_70 : vector<16xf32>
      %mul3A_78 = arith.mulf %get3A_73, %get3A_73 : vector<16xf32>
      %add3A_79 = arith.addf %mul3A_77, %mul3A_78 : vector<16xf32>
      %mul3A_80 = arith.mulf %get3A_76, %get3A_76 : vector<16xf32>
      %add3A_81 = arith.addf %add3A_79, %mul3A_80 : vector<16xf32>
      %swap3A = arith.index_cast %add3A_68 : i32 to index
      %swap3A_82 = tpu.vector_load %arg18[%swap3A] {strides = array<i32>} : memref<8192xf32, #tpu.memory_space<vmem>>, vector<16xf32>,
      %swap3A_83 = vector.shape_cast %swap3A_82 : vector<16xf32> to vector<16xf32>
      %swap3A_84 = vector.shape_cast %add3A_81 : vector<16xf32> to vector<16xf32>
      tpu.vector_store %arg18[%swap3A], %swap3A_84 {strides = array<i32>} : memref<8192xf32, #tpu.memory_space<vmem>>, vector<16xf32>,
      %mul3A_85 = arith.constant 6.553700e+04 : f32
      %mul3A_86 = vector.broadcast %mul3A_85 : f32 to vector<16xf32>
      %mul3A_87 = arith.mulf %mul3A_86, %get3A_70 : vector<16xf32>
      %sub3A_88 = arith.subf %mul3A_87, %get3A_70 : vector<16xf32>
      %sub3A_89 = arith.subf %mul3A_87, %sub3A_88 : vector<16xf32>
      %swap3A_90 = arith.index_cast %add3A_68 : i32 to index
      %swap3A_91 = tpu.vector_load %arg15[%swap3A_90] {strides = array<i32>} : memref<8192xf32, #tpu.memory_space<vmem>>, vector<16xf32>,
      %swap3A_92 = vector.shape_cast %swap3A_91 : vector<16xf32> to vector<16xf32>
      %swap3A_93 = vector.shape_cast %sub3A_89 : vector<16xf32> to vector<16xf32>
      tpu.vector_store %arg15[%swap3A_90], %swap3A_93 {strides = array<i32>} : memref<8192xf32, #tpu.memory_space<vmem>>, vector<16xf32>,
      %mul3A_94 = arith.constant 6.553700e+04 : f32
      %mul3A_95 = vector.broadcast %mul3A_94 : f32 to vector<16xf32>
      %mul3A_96 = arith.mulf %mul3A_95, %get3A_73 : vector<16xf32>
      %sub3A_97 = arith.subf %mul3A_96, %get3A_73 : vector<16xf32>
      %sub3A_98 = arith.subf %mul3A_96, %sub3A_97 : vector<16xf32>
      %swap3A_99 = arith.index_cast %add3A_68 : i32 to index
      %swap3A_100 = tpu.vector_load %arg16[%swap3A_99] {strides = array<i32>} : memref<8192xf32, #tpu.memory_space<vmem>>, vector<16xf32>,
      %swap3A_101 = vector.shape_cast %swap3A_100 : vector<16xf32> to vector<16xf32>
      %swap3A_102 = vector.shape_cast %sub3A_98 : vector<16xf32> to vector<16xf32>
      tpu.vector_store %arg16[%swap3A_99], %swap3A_102 {strides = array<i32>} : memref<8192xf32, #tpu.memory_space<vmem>>, vector<16xf32>,
      %mul3A_103 = arith.constant 6.553700e+04 : f32
      %mul3A_104 = vector.broadcast %mul3A_103 : f32 to vector<16xf32>
      %mul3A_105 = arith.mulf %mul3A_104, %get3A_76 : vector<16xf32>
      %sub3A_106 = arith.subf %mul3A_105, %get3A_76 : vector<16xf32>
      %sub3A_107 = arith.subf %mul3A_105, %sub3A_106 : vector<16xf32>
      %swap3A_108 = arith.index_cast %add3A_68 : i32 to index
      %swap3A_109 = tpu.vector_load %arg17[%swap3A_108] {strides = array<i32>} : memref<8192xf32, #tpu.memory_space<vmem>>, vector<16xf32>,
      %swap3A_110 = vector.shape_cast %swap3A_109 : vector<16xf32> to vector<16xf32>
      %swap3A_111 = vector.shape_cast %sub3A_107 : vector<16xf32> to vector<16xf32>
      tpu.vector_store %arg17[%swap3A_108], %swap3A_111 {strides = array<i32>} : memref<8192xf32, #tpu.memory_space<vmem>>, vector<16xf32>,
      %mul3A_112 = arith.constant 64 : i32
      %mul3A_113 = arith.muli %scan3A_63, %mul3A_112 : i32
      %add3A_114 = arith.constant 16 : i32
      %add3A_115 = arith.addi %mul3A_113, %add3A_114 : i32
      %get3A_116 = arith.index_cast %add3A_115 : i32 to index
      %get3A_117 = tpu.vector_load %arg12[%get3A_116] {strides = array<i32>} : memref<8192xf32, #tpu.memory_space<vmem>>, vector<16xf32>,
      %get3A_118 = vector.shape_cast %get3A_117 : vector<16xf32> to vector<16xf32>
      %get3A_119 = arith.index_cast %add3A_115 : i32 to index
      %get3A_120 = tpu.vector_load %arg13[%get3A_119] {strides = array<i32>} : memref<8192xf32, #tpu.memory_space<vmem>>, vector<16xf32>,
      %get3A_121 = vector.shape_cast %get3A_120 : vector<16xf32> to vector<16xf32>
      %get3A_122 = arith.index_cast %add3A_115 : i32 to index
      %get3A_123 = tpu.vector_load %arg14[%get3A_122] {strides = array<i32>} : memref<8192xf32, #tpu.memory_space<vmem>>, vector<16xf32>,
      %get3A_124 = vector.shape_cast %get3A_123 : vector<16xf32> to vector<16xf32>
      %mul3A_125 = arith.mulf %get3A_118, %get3A_118 : vector<16xf32>
      %mul3A_126 = arith.mulf %get3A_121, %get3A_121 : vector<16xf32>
      %add3A_127 = arith.addf %mul3A_125, %mul3A_126 : vector<16xf32>
      %mul3A_128 = arith.mulf %get3A_124, %get3A_124 : vector<16xf32>
      %add3A_129 = arith.addf %add3A_127, %mul3A_128 : vector<16xf32>
      %swap3A_130 = arith.index_cast %add3A_115 : i32 to index
      %swap3A_131 = tpu.vector_load %arg18[%swap3A_130] {strides = array<i32>} : memref<8192xf32, #tpu.memory_space<vmem>>, vector<16xf32>,
      %swap3A_132 = vector.shape_cast %swap3A_131 : vector<16xf32> to vector<16xf32>
      %swap3A_133 = vector.shape_cast %add3A_129 : vector<16xf32> to vector<16xf32>
      tpu.vector_store %arg18[%swap3A_130], %swap3A_133 {strides = array<i32>} : memref<8192xf32, #tpu.memory_space<vmem>>, vector<16xf32>,
      %mul3A_134 = arith.constant 6.553700e+04 : f32
      %mul3A_135 = vector.broadcast %mul3A_134 : f32 to vector<16xf32>
      %mul3A_136 = arith.mulf %mul3A_135, %get3A_118 : vector<16xf32>
      %sub3A_137 = arith.subf %mul3A_136, %get3A_118 : vector<16xf32>
      %sub3A_138 = arith.subf %mul3A_136, %sub3A_137 : vector<16xf32>
      %swap3A_139 = arith.index_cast %add3A_115 : i32 to index
      %swap3A_140 = tpu.vector_load %arg15[%swap3A_139] {strides = array<i32>} : memref<8192xf32, #tpu.memory_space<vmem>>, vector<16xf32>,
      %swap3A_141 = vector.shape_cast %swap3A_140 : vector<16xf32> to vector<16xf32>
      %swap3A_142 = vector.shape_cast %sub3A_138 : vector<16xf32> to vector<16xf32>
      tpu.vector_store %arg15[%swap3A_139], %swap3A_142 {strides = array<i32>} : memref<8192xf32, #tpu.memory_space<vmem>>, vector<16xf32>,
      %mul3A_143 = arith.constant 6.553700e+04 : f32
      %mul3A_144 = vector.broadcast %mul3A_143 : f32 to vector<16xf32>
      %mul3A_145 = arith.mulf %mul3A_144, %get3A_121 : vector<16xf32>
      %sub3A_146 = arith.subf %mul3A_145, %get3A_121 : vector<16xf32>
      %sub3A_147 = arith.subf %mul3A_145, %sub3A_146 : vector<16xf32>
      %swap3A_148 = arith.index_cast %add3A_115 : i32 to index
      %swap3A_149 = tpu.vector_load %arg16[%swap3A_148] {strides = array<i32>} : memref<8192xf32, #tpu.memory_space<vmem>>, vector<16xf32>,
      %swap3A_150 = vector.shape_cast %swap3A_149 : vector<16xf32> to vector<16xf32>
      %swap3A_151 = vector.shape_cast %sub3A_147 : vector<16xf32> to vector<16xf32>
      tpu.vector_store %arg16[%swap3A_148], %swap3A_151 {strides = array<i32>} : memref<8192xf32, #tpu.memory_space<vmem>>, vector<16xf32>,
      %mul3A_152 = arith.constant 6.553700e+04 : f32
      %mul3A_153 = vector.broadcast %mul3A_152 : f32 to vector<16xf32>
      %mul3A_154 = arith.mulf %mul3A_153, %get3A_124 : vector<16xf32>
      %sub3A_155 = arith.subf %mul3A_154, %get3A_124 : vector<16xf32>
      %sub3A_156 = arith.subf %mul3A_154, %sub3A_155 : vector<16xf32>
      %swap3A_157 = arith.index_cast %add3A_115 : i32 to index
      %swap3A_158 = tpu.vector_load %arg17[%swap3A_157] {strides = array<i32>} : memref<8192xf32, #tpu.memory_space<vmem>>, vector<16xf32>,
      %swap3A_159 = vector.shape_cast %swap3A_158 : vector<16xf32> to vector<16xf32>
      %swap3A_160 = vector.shape_cast %sub3A_156 : vector<16xf32> to vector<16xf32>
      tpu.vector_store %arg17[%swap3A_157], %swap3A_160 {strides = array<i32>} : memref<8192xf32, #tpu.memory_space<vmem>>, vector<16xf32>,
      %mul3A_161 = arith.constant 64 : i32
      %mul3A_162 = arith.muli %scan3A_63, %mul3A_161 : i32
      %add3A_163 = arith.constant 32 : i32
      %add3A_164 = arith.addi %mul3A_162, %add3A_163 : i32
      %get3A_165 = arith.index_cast %add3A_164 : i32 to index
      %get3A_166 = tpu.vector_load %arg12[%get3A_165] {strides = array<i32>} : memref<8192xf32, #tpu.memory_space<vmem>>, vector<16xf32>,
      %get3A_167 = vector.shape_cast %get3A_166 : vector<16xf32> to vector<16xf32>
      %get3A_168 = arith.index_cast %add3A_164 : i32 to index
      %get3A_169 = tpu.vector_load %arg13[%get3A_168] {strides = array<i32>} : memref<8192xf32, #tpu.memory_space<vmem>>, vector<16xf32>,
      %get3A_170 = vector.shape_cast %get3A_169 : vector<16xf32> to vector<16xf32>
      %get3A_171 = arith.index_cast %add3A_164 : i32 to index
      %get3A_172 = tpu.vector_load %arg14[%get3A_171] {strides = array<i32>} : memref<8192xf32, #tpu.memory_space<vmem>>, vector<16xf32>,
      %get3A_173 = vector.shape_cast %get3A_172 : vector<16xf32> to vector<16xf32>
      %mul3A_174 = arith.mulf %get3A_167, %get3A_167 : vector<16xf32>
      %mul3A_175 = arith.mulf %get3A_170, %get3A_170 : vector<16xf32>
      %add3A_176 = arith.addf %mul3A_174, %mul3A_175 : vector<16xf32>
      %mul3A_177 = arith.mulf %get3A_173, %get3A_173 : vector<16xf32>
      %add3A_178 = arith.addf %add3A_176, %mul3A_177 : vector<16xf32>
      %swap3A_179 = arith.index_cast %add3A_164 : i32 to index
      %swap3A_180 = tpu.vector_load %arg18[%swap3A_179] {strides = array<i32>} : memref<8192xf32, #tpu.memory_space<vmem>>, vector<16xf32>,
      %swap3A_181 = vector.shape_cast %swap3A_180 : vector<16xf32> to vector<16xf32>
      %swap3A_182 = vector.shape_cast %add3A_178 : vector<16xf32> to vector<16xf32>
      tpu.vector_store %arg18[%swap3A_179], %swap3A_182 {strides = array<i32>} : memref<8192xf32, #tpu.memory_space<vmem>>, vector<16xf32>,
      %mul3A_183 = arith.constant 6.553700e+04 : f32
      %mul3A_184 = vector.broadcast %mul3A_183 : f32 to vector<16xf32>
      %mul3A_185 = arith.mulf %mul3A_184, %get3A_167 : vector<16xf32>
      %sub3A_186 = arith.subf %mul3A_185, %get3A_167 : vector<16xf32>
      %sub3A_187 = arith.subf %mul3A_185, %sub3A_186 : vector<16xf32>
      %swap3A_188 = arith.index_cast %add3A_164 : i32 to index
      %swap3A_189 = tpu.vector_load %arg15[%swap3A_188] {strides = array<i32>} : memref<8192xf32, #tpu.memory_space<vmem>>, vector<16xf32>,
      %swap3A_190 = vector.shape_cast %swap3A_189 : vector<16xf32> to vector<16xf32>
      %swap3A_191 = vector.shape_cast %sub3A_187 : vector<16xf32> to vector<16xf32>
      tpu.vector_store %arg15[%swap3A_188], %swap3A_191 {strides = array<i32>} : memref<8192xf32, #tpu.memory_space<vmem>>, vector<16xf32>,
      %mul3A_192 = arith.constant 6.553700e+04 : f32
      %mul3A_193 = vector.broadcast %mul3A_192 : f32 to vector<16xf32>
      %mul3A_194 = arith.mulf %mul3A_193, %get3A_170 : vector<16xf32>
      %sub3A_195 = arith.subf %mul3A_194, %get3A_170 : vector<16xf32>
      %sub3A_196 = arith.subf %mul3A_194, %sub3A_195 : vector<16xf32>
      %swap3A_197 = arith.index_cast %add3A_164 : i32 to index
      %swap3A_198 = tpu.vector_load %arg16[%swap3A_197] {strides = array<i32>} : memref<8192xf32, #tpu.memory_space<vmem>>, vector<16xf32>,
      %swap3A_199 = vector.shape_cast %swap3A_198 : vector<16xf32> to vector<16xf32>
      %swap3A_200 = vector.shape_cast %sub3A_196 : vector<16xf32> to vector<16xf32>
      tpu.vector_store %arg16[%swap3A_197], %swap3A_200 {strides = array<i32>} : memref<8192xf32, #tpu.memory_space<vmem>>, vector<16xf32>,
      %mul3A_201 = arith.constant 6.553700e+04 : f32
      %mul3A_202 = vector.broadcast %mul3A_201 : f32 to vector<16xf32>
      %mul3A_203 = arith.mulf %mul3A_202, %get3A_173 : vector<16xf32>
      %sub3A_204 = arith.subf %mul3A_203, %get3A_173 : vector<16xf32>
      %sub3A_205 = arith.subf %mul3A_203, %sub3A_204 : vector<16xf32>
      %swap3A_206 = arith.index_cast %add3A_164 : i32 to index
      %swap3A_207 = tpu.vector_load %arg17[%swap3A_206] {strides = array<i32>} : memref<8192xf32, #tpu.memory_space<vmem>>, vector<16xf32>,
      %swap3A_208 = vector.shape_cast %swap3A_207 : vector<16xf32> to vector<16xf32>
      %swap3A_209 = vector.shape_cast %sub3A_205 : vector<16xf32> to vector<16xf32>
      tpu.vector_store %arg17[%swap3A_206], %swap3A_209 {strides = array<i32>} : memref<8192xf32, #tpu.memory_space<vmem>>, vector<16xf32>,
      %mul3A_210 = arith.constant 64 : i32
      %mul3A_211 = arith.muli %scan3A_63, %mul3A_210 : i32
      %add3A_212 = arith.constant 48 : i32
      %add3A_213 = arith.addi %mul3A_211, %add3A_212 : i32
      %get3A_214 = arith.index_cast %add3A_213 : i32 to index
      %get3A_215 = tpu.vector_load %arg12[%get3A_214] {strides = array<i32>} : memref<8192xf32, #tpu.memory_space<vmem>>, vector<16xf32>,
      %get3A_216 = vector.shape_cast %get3A_215 : vector<16xf32> to vector<16xf32>
      %get3A_217 = arith.index_cast %add3A_213 : i32 to index
      %get3A_218 = tpu.vector_load %arg13[%get3A_217] {strides = array<i32>} : memref<8192xf32, #tpu.memory_space<vmem>>, vector<16xf32>,
      %get3A_219 = vector.shape_cast %get3A_218 : vector<16xf32> to vector<16xf32>
      %get3A_220 = arith.index_cast %add3A_213 : i32 to index
      %get3A_221 = tpu.vector_load %arg14[%get3A_220] {strides = array<i32>} : memref<8192xf32, #tpu.memory_space<vmem>>, vector<16xf32>,
      %get3A_222 = vector.shape_cast %get3A_221 : vector<16xf32> to vector<16xf32>
      %mul3A_223 = arith.mulf %get3A_216, %get3A_216 : vector<16xf32>
      %mul3A_224 = arith.mulf %get3A_219, %get3A_219 : vector<16xf32>
      %add3A_225 = arith.addf %mul3A_223, %mul3A_224 : vector<16xf32>
      %mul3A_226 = arith.mulf %get3A_222, %get3A_222 : vector<16xf32>
      %add3A_227 = arith.addf %add3A_225, %mul3A_226 : vector<16xf32>
      %swap3A_228 = arith.index_cast %add3A_213 : i32 to index
      %swap3A_229 = tpu.vector_load %arg18[%swap3A_228] {strides = array<i32>} : memref<8192xf32, #tpu.memory_space<vmem>>, vector<16xf32>,
      %swap3A_230 = vector.shape_cast %swap3A_229 : vector<16xf32> to vector<16xf32>
      %swap3A_231 = vector.shape_cast %add3A_227 : vector<16xf32> to vector<16xf32>
      tpu.vector_store %arg18[%swap3A_228], %swap3A_231 {strides = array<i32>} : memref<8192xf32, #tpu.memory_space<vmem>>, vector<16xf32>,
      %mul3A_232 = arith.constant 6.553700e+04 : f32
      %mul3A_233 = vector.broadcast %mul3A_232 : f32 to vector<16xf32>
      %mul3A_234 = arith.mulf %mul3A_233, %get3A_216 : vector<16xf32>
      %sub3A_235 = arith.subf %mul3A_234, %get3A_216 : vector<16xf32>
      %sub3A_236 = arith.subf %mul3A_234, %sub3A_235 : vector<16xf32>
      %swap3A_237 = arith.index_cast %add3A_213 : i32 to index
      %swap3A_238 = tpu.vector_load %arg15[%swap3A_237] {strides = array<i32>} : memref<8192xf32, #tpu.memory_space<vmem>>, vector<16xf32>,
      %swap3A_239 = vector.shape_cast %swap3A_238 : vector<16xf32> to vector<16xf32>
      %swap3A_240 = vector.shape_cast %sub3A_236 : vector<16xf32> to vector<16xf32>
      tpu.vector_store %arg15[%swap3A_237], %swap3A_240 {strides = array<i32>} : memref<8192xf32, #tpu.memory_space<vmem>>, vector<16xf32>,
      %mul3A_241 = arith.constant 6.553700e+04 : f32
      %mul3A_242 = vector.broadcast %mul3A_241 : f32 to vector<16xf32>
      %mul3A_243 = arith.mulf %mul3A_242, %get3A_219 : vector<16xf32>
      %sub3A_244 = arith.subf %mul3A_243, %get3A_219 : vector<16xf32>
      %sub3A_245 = arith.subf %mul3A_243, %sub3A_244 : vector<16xf32>
      %swap3A_246 = arith.index_cast %add3A_213 : i32 to index
      %swap3A_247 = tpu.vector_load %arg16[%swap3A_246] {strides = array<i32>} : memref<8192xf32, #tpu.memory_space<vmem>>, vector<16xf32>,
      %swap3A_248 = vector.shape_cast %swap3A_247 : vector<16xf32> to vector<16xf32>
      %swap3A_249 = vector.shape_cast %sub3A_245 : vector<16xf32> to vector<16xf32>
      tpu.vector_store %arg16[%swap3A_246], %swap3A_249 {strides = array<i32>} : memref<8192xf32, #tpu.memory_space<vmem>>, vector<16xf32>,
      %mul3A_250 = arith.constant 6.553700e+04 : f32
      %mul3A_251 = vector.broadcast %mul3A_250 : f32 to vector<16xf32>
      %mul3A_252 = arith.mulf %mul3A_251, %get3A_222 : vector<16xf32>
      %sub3A_253 = arith.subf %mul3A_252, %get3A_222 : vector<16xf32>
      %sub3A_254 = arith.subf %mul3A_252, %sub3A_253 : vector<16xf32>
      %swap3A_255 = arith.index_cast %add3A_213 : i32 to index
      %swap3A_256 = tpu.vector_load %arg17[%swap3A_255] {strides = array<i32>} : memref<8192xf32, #tpu.memory_space<vmem>>, vector<16xf32>,
      %swap3A_257 = vector.shape_cast %swap3A_256 : vector<16xf32> to vector<16xf32>
      %swap3A_258 = vector.shape_cast %sub3A_254 : vector<16xf32> to vector<16xf32>
      tpu.vector_store %arg17[%swap3A_255], %swap3A_258 {strides = array<i32>} : memref<8192xf32, #tpu.memory_space<vmem>>, vector<16xf32>,
      %scan3A_259 = arith.constant 0 : i32
      scf.yield %scan3A_259 : i32
    }
    %scan3A_38 = arith.constant 128 : i32
    %scan3A_39 = arith.constant 0 : i32
    %scan3A_40 = arith.constant 0 : i32
    %scan3A_41 = arith.constant 8 : i32
    %scan3A_42 = arith.addi %scan3A_40, %scan3A_41 : i32
    %scan3A_43 = arith.constant 1 : i32
    %scan3A_44 = scf.for %scan3A_63 = %scan3A_40 to %scan3A_42 step %scan3A_43 iter_args(%scan3A_64 = %scan3A_39) -> (i32)  : i32 {
      %mul3A_65 = arith.constant 16 : i32
      %mul3A_66 = arith.muli %scan3A_63, %mul3A_65 : i32
      %get3A = arith.index_cast %mul3A_66 : i32 to index
      %get3A_67 = tpu.vector_load %arg20[%get3A] {strides = array<i32>} : memref<128xf32, #tpu.memory_space<vmem>>, vector<16xf32>,
      %get3A_68 = vector.shape_cast %get3A_67 : vector<16xf32> to vector<16xf32>
      %mul3A_69 = arith.constant 16 : i32
      %mul3A_70 = arith.muli %scan3A_63, %mul3A_69 : i32
      %get3A_71 = arith.index_cast %mul3A_70 : i32 to index
      %get3A_72 = tpu.vector_load %arg21[%get3A_71] {strides = array<i32>} : memref<128xf32, #tpu.memory_space<vmem>>, vector<16xf32>,
      %get3A_73 = vector.shape_cast %get3A_72 : vector<16xf32> to vector<16xf32>
      %mul3A_74 = arith.constant 16 : i32
      %mul3A_75 = arith.muli %scan3A_63, %mul3A_74 : i32
      %get3A_76 = arith.index_cast %mul3A_75 : i32 to index
      %get3A_77 = tpu.vector_load %arg22[%get3A_76] {strides = array<i32>} : memref<128xf32, #tpu.memory_space<vmem>>, vector<16xf32>,
      %get3A_78 = vector.shape_cast %get3A_77 : vector<16xf32> to vector<16xf32>
      %mul3A_79 = arith.mulf %get3A_68, %get3A_68 : vector<16xf32>
      %mul3A_80 = arith.mulf %get3A_73, %get3A_73 : vector<16xf32>
      %add3A_81 = arith.addf %mul3A_79, %mul3A_80 : vector<16xf32>
      %mul3A_82 = arith.mulf %get3A_78, %get3A_78 : vector<16xf32>
      %add3A_83 = arith.addf %add3A_81, %mul3A_82 : vector<16xf32>
      %mul3A_84 = arith.constant 16 : i32
      %mul3A_85 = arith.muli %scan3A_63, %mul3A_84 : i32
      %swap3A = arith.index_cast %mul3A_85 : i32 to index
      %swap3A_86 = tpu.vector_load %arg23[%swap3A] {strides = array<i32>} : memref<128xf32, #tpu.memory_space<vmem>>, vector<16xf32>,
      %swap3A_87 = vector.shape_cast %swap3A_86 : vector<16xf32> to vector<16xf32>
      %swap3A_88 = vector.shape_cast %add3A_83 : vector<16xf32> to vector<16xf32>
      tpu.vector_store %arg23[%swap3A], %swap3A_88 {strides = array<i32>} : memref<128xf32, #tpu.memory_space<vmem>>, vector<16xf32>,
      %scan3A_89 = arith.constant 0 : i32
      scf.yield %scan3A_89 : i32
    }
    %scan3A_45 = arith.constant 8 : i32
    %scan3A_46 = arith.constant 0x7F800000 : f32
    %scan3A_47 = arith.constant 1073741824 : i32
    %scan3A_48 = arith.constant 0 : i32
    %scan3A_49 = arith.constant 0 : i32
    %scan3A_50 = arith.constant 128 : i32
    %scan3A_51 = arith.addi %scan3A_49, %scan3A_50 : i32
    %scan3A_52 = arith.constant 1 : i32
    %scan3A_53 = scf.for %scan3A_63 = %scan3A_49 to %scan3A_51 step %scan3A_52 iter_args(%scan3A_64 = %scan3A_48) -> (i32)  : i32 {
      %jit3A_65 = arith.constant 16 : i32
      %div3A_66 = arith.divsi %scan3A_63, %jit3A_65 : i32
      %sign3A_67 = arith.constant 0 : i32
      %sign3A_68 = arith.cmpi sgt, %scan3A_63, %sign3A_67 : i32
      %sign3A_69 = arith.extui %sign3A_68 : i1 to i32
      %sign3A_70 = arith.constant 0 : i32
      %sign3A_71 = arith.cmpi slt, %scan3A_63, %sign3A_70 : i32
      %sign3A_72 = arith.extui %sign3A_71 : i1 to i32
      %sign3A_73 = arith.subi %sign3A_69, %sign3A_72 : i32
      %sign3A_74 = arith.constant 0 : i32
      %sign3A_75 = arith.cmpi sgt, %jit3A_65, %sign3A_74 : i32
      %sign3A_76 = arith.extui %sign3A_75 : i1 to i32
      %sign3A_77 = arith.constant 0 : i32
      %sign3A_78 = arith.cmpi slt, %jit3A_65, %sign3A_77 : i32
      %sign3A_79 = arith.extui %sign3A_78 : i1 to i32
      %sign3A_80 = arith.subi %sign3A_76, %sign3A_79 : i32
      %ne3A_81 = arith.cmpi ne, %sign3A_73, %sign3A_80 : i32
      %rem3A_82 = arith.remsi %scan3A_63, %jit3A_65 : i32
      %ne3A_83 = arith.constant 0 : i32
      %ne3A_84 = arith.cmpi ne, %rem3A_82, %ne3A_83 : i32
      %and3A_85 = arith.andi %ne3A_81, %ne3A_84 : i1
      %sub3A_86 = arith.constant 1 : i32
      %sub3A_87 = arith.subi %div3A_66, %sub3A_86 : i32
      %select_n3A_88 = arith.select %and3A_85, %sub3A_87, %div3A_66 : i32
      %mul3A_89 = arith.constant 16 : i32
      %mul3A_90 = arith.muli %select_n3A_88, %mul3A_89 : i32
      %get3A = arith.index_cast %mul3A_90 : i32 to index
      %get3A_91 = tpu.vector_load %arg20[%get3A] {strides = array<i32>} : memref<128xf32, #tpu.memory_space<vmem>>, vector<16xf32>,
      %get3A_92 = vector.shape_cast %get3A_91 : vector<16xf32> to vector<16xf32>
      %mul3A_93 = arith.constant 0 : i32
      %mul3A_94 = vector.broadcast %mul3A_93 : i32 to vector<16xi32>
      %mul3A_95 = arith.muli %iota3A, %mul3A_94 : vector<16xi32>
      %jit3A_96 = arith.constant 16 : i32
      %eq3A_97 = arith.constant 0 : i32
      %eq3A_98 = arith.cmpi eq, %jit3A_96, %eq3A_97 : i32
      %jit3A_99 = arith.constant 1 : i32
      %select_n3A_100 = arith.select %eq3A_98, %jit3A_99, %jit3A_96 : i32
      %rem3A_101 = arith.remsi %scan3A_63, %select_n3A_100 : i32
      %ne3A_102 = arith.constant 0 : i32
      %ne3A_103 = arith.cmpi ne, %rem3A_101, %ne3A_102 : i32
      %lt3A_104 = arith.constant 0 : i32
      %lt3A_105 = arith.cmpi slt, %rem3A_101, %lt3A_104 : i32
      %lt3A_106 = arith.constant 0 : i32
      %lt3A_107 = arith.cmpi slt, %select_n3A_100, %lt3A_106 : i32
      %ne3A_108 = arith.xori %lt3A_105, %lt3A_107 : i1
      %and3A_109 = arith.andi %ne3A_108, %ne3A_103 : i1
      %add3A_110 = arith.addi %rem3A_101, %select_n3A_100 : i32
      %select_n3A_111 = arith.select %and3A_109, %add3A_110, %rem3A_101 : i32
      %add3A_112 = vector.broadcast %select_n3A_111 : i32 to vector<16xi32>
      %add3A_113 = arith.addi %mul3A_95, %add3A_112 : vector<16xi32>
      %broadcast_in_dim3A = vector.shape_cast %add3A_113 : vector<16xi32> to vector<16x1xi32>
      %gather3A = vector.shape_cast %broadcast_in_dim3A : vector<16x1xi32> to vector<16xi32>
      %gather3A_114 = tpu.dynamic_gather %get3A_92[%gather3A] in [0] : vector<16xf32>, vector<16xi32> -> vector<16xf32>
      %jit3A_115 = arith.constant 16 : i32
      %div3A_116 = arith.divsi %scan3A_63, %jit3A_115 : i32
      %sign3A_117 = arith.constant 0 : i32
      %sign3A_118 = arith.cmpi sgt, %scan3A_63, %sign3A_117 : i32
      %sign3A_119 = arith.extui %sign3A_118 : i1 to i32
      %sign3A_120 = arith.constant 0 : i32
      %sign3A_121 = arith.cmpi slt, %scan3A_63, %sign3A_120 : i32
      %sign3A_122 = arith.extui %sign3A_121 : i1 to i32
      %sign3A_123 = arith.subi %sign3A_119, %sign3A_122 : i32
      %sign3A_124 = arith.constant 0 : i32
      %sign3A_125 = arith.cmpi sgt, %jit3A_115, %sign3A_124 : i32
      %sign3A_126 = arith.extui %sign3A_125 : i1 to i32
      %sign3A_127 = arith.constant 0 : i32
      %sign3A_128 = arith.cmpi slt, %jit3A_115, %sign3A_127 : i32
      %sign3A_129 = arith.extui %sign3A_128 : i1 to i32
      %sign3A_130 = arith.subi %sign3A_126, %sign3A_129 : i32
      %ne3A_131 = arith.cmpi ne, %sign3A_123, %sign3A_130 : i32
      %rem3A_132 = arith.remsi %scan3A_63, %jit3A_115 : i32
      %ne3A_133 = arith.constant 0 : i32
      %ne3A_134 = arith.cmpi ne, %rem3A_132, %ne3A_133 : i32
      %and3A_135 = arith.andi %ne3A_131, %ne3A_134 : i1
      %sub3A_136 = arith.constant 1 : i32
      %sub3A_137 = arith.subi %div3A_116, %sub3A_136 : i32
      %select_n3A_138 = arith.select %and3A_135, %sub3A_137, %div3A_116 : i32
      %mul3A_139 = arith.constant 16 : i32
      %mul3A_140 = arith.muli %select_n3A_138, %mul3A_139 : i32
      %get3A_141 = arith.index_cast %mul3A_140 : i32 to index
      %get3A_142 = tpu.vector_load %arg21[%get3A_141] {strides = array<i32>} : memref<128xf32, #tpu.memory_space<vmem>>, vector<16xf32>,
      %get3A_143 = vector.shape_cast %get3A_142 : vector<16xf32> to vector<16xf32>
      %mul3A_144 = arith.constant 0 : i32
      %mul3A_145 = vector.broadcast %mul3A_144 : i32 to vector<16xi32>
      %mul3A_146 = arith.muli %iota3A, %mul3A_145 : vector<16xi32>
      %jit3A_147 = arith.constant 16 : i32
      %eq3A_148 = arith.constant 0 : i32
      %eq3A_149 = arith.cmpi eq, %jit3A_147, %eq3A_148 : i32
      %jit3A_150 = arith.constant 1 : i32
      %select_n3A_151 = arith.select %eq3A_149, %jit3A_150, %jit3A_147 : i32
      %rem3A_152 = arith.remsi %scan3A_63, %select_n3A_151 : i32
      %ne3A_153 = arith.constant 0 : i32
      %ne3A_154 = arith.cmpi ne, %rem3A_152, %ne3A_153 : i32
      %lt3A_155 = arith.constant 0 : i32
      %lt3A_156 = arith.cmpi slt, %rem3A_152, %lt3A_155 : i32
      %lt3A_157 = arith.constant 0 : i32
      %lt3A_158 = arith.cmpi slt, %select_n3A_151, %lt3A_157 : i32
      %ne3A_159 = arith.xori %lt3A_156, %lt3A_158 : i1
      %and3A_160 = arith.andi %ne3A_159, %ne3A_154 : i1
      %add3A_161 = arith.addi %rem3A_152, %select_n3A_151 : i32
      %select_n3A_162 = arith.select %and3A_160, %add3A_161, %rem3A_152 : i32
      %add3A_163 = vector.broadcast %select_n3A_162 : i32 to vector<16xi32>
      %add3A_164 = arith.addi %mul3A_146, %add3A_163 : vector<16xi32>
      %broadcast_in_dim3A_165 = vector.shape_cast %add3A_164 : vector<16xi32> to vector<16x1xi32>
      %gather3A_166 = vector.shape_cast %broadcast_in_dim3A_165 : vector<16x1xi32> to vector<16xi32>
      %gather3A_167 = tpu.dynamic_gather %get3A_143[%gather3A_166] in [0] : vector<16xf32>, vector<16xi32> -> vector<16xf32>
      %jit3A_168 = arith.constant 16 : i32
      %div3A_169 = arith.divsi %scan3A_63, %jit3A_168 : i32
      %sign3A_170 = arith.constant 0 : i32
      %sign3A_171 = arith.cmpi sgt, %scan3A_63, %sign3A_170 : i32
      %sign3A_172 = arith.extui %sign3A_171 : i1 to i32
      %sign3A_173 = arith.constant 0 : i32
      %sign3A_174 = arith.cmpi slt, %scan3A_63, %sign3A_173 : i32
      %sign3A_175 = arith.extui %sign3A_174 : i1 to i32
      %sign3A_176 = arith.subi %sign3A_172, %sign3A_175 : i32
      %sign3A_177 = arith.constant 0 : i32
      %sign3A_178 = arith.cmpi sgt, %jit3A_168, %sign3A_177 : i32
      %sign3A_179 = arith.extui %sign3A_178 : i1 to i32
      %sign3A_180 = arith.constant 0 : i32
      %sign3A_181 = arith.cmpi slt, %jit3A_168, %sign3A_180 : i32
      %sign3A_182 = arith.extui %sign3A_181 : i1 to i32
      %sign3A_183 = arith.subi %sign3A_179, %sign3A_182 : i32
      %ne3A_184 = arith.cmpi ne, %sign3A_176, %sign3A_183 : i32
      %rem3A_185 = arith.remsi %scan3A_63, %jit3A_168 : i32
      %ne3A_186 = arith.constant 0 : i32
      %ne3A_187 = arith.cmpi ne, %rem3A_185, %ne3A_186 : i32
      %and3A_188 = arith.andi %ne3A_184, %ne3A_187 : i1
      %sub3A_189 = arith.constant 1 : i32
      %sub3A_190 = arith.subi %div3A_169, %sub3A_189 : i32
      %select_n3A_191 = arith.select %and3A_188, %sub3A_190, %div3A_169 : i32
      %mul3A_192 = arith.constant 16 : i32
      %mul3A_193 = arith.muli %select_n3A_191, %mul3A_192 : i32
      %get3A_194 = arith.index_cast %mul3A_193 : i32 to index
      %get3A_195 = tpu.vector_load %arg22[%get3A_194] {strides = array<i32>} : memref<128xf32, #tpu.memory_space<vmem>>, vector<16xf32>,
      %get3A_196 = vector.shape_cast %get3A_195 : vector<16xf32> to vector<16xf32>
      %mul3A_197 = arith.constant 0 : i32
      %mul3A_198 = vector.broadcast %mul3A_197 : i32 to vector<16xi32>
      %mul3A_199 = arith.muli %iota3A, %mul3A_198 : vector<16xi32>
      %jit3A_200 = arith.constant 16 : i32
      %eq3A_201 = arith.constant 0 : i32
      %eq3A_202 = arith.cmpi eq, %jit3A_200, %eq3A_201 : i32
      %jit3A_203 = arith.constant 1 : i32
      %select_n3A_204 = arith.select %eq3A_202, %jit3A_203, %jit3A_200 : i32
      %rem3A_205 = arith.remsi %scan3A_63, %select_n3A_204 : i32
      %ne3A_206 = arith.constant 0 : i32
      %ne3A_207 = arith.cmpi ne, %rem3A_205, %ne3A_206 : i32
      %lt3A_208 = arith.constant 0 : i32
      %lt3A_209 = arith.cmpi slt, %rem3A_205, %lt3A_208 : i32
      %lt3A_210 = arith.constant 0 : i32
      %lt3A_211 = arith.cmpi slt, %select_n3A_204, %lt3A_210 : i32
      %ne3A_212 = arith.xori %lt3A_209, %lt3A_211 : i1
      %and3A_213 = arith.andi %ne3A_212, %ne3A_207 : i1
      %add3A_214 = arith.addi %rem3A_205, %select_n3A_204 : i32
      %select_n3A_215 = arith.select %and3A_213, %add3A_214, %rem3A_205 : i32
      %add3A_216 = vector.broadcast %select_n3A_215 : i32 to vector<16xi32>
      %add3A_217 = arith.addi %mul3A_199, %add3A_216 : vector<16xi32>
      %broadcast_in_dim3A_218 = vector.shape_cast %add3A_217 : vector<16xi32> to vector<16x1xi32>
      %gather3A_219 = vector.shape_cast %broadcast_in_dim3A_218 : vector<16x1xi32> to vector<16xi32>
      %gather3A_220 = tpu.dynamic_gather %get3A_196[%gather3A_219] in [0] : vector<16xf32>, vector<16xi32> -> vector<16xf32>
      %jit3A_221 = arith.constant 16 : i32
      %div3A_222 = arith.divsi %scan3A_63, %jit3A_221 : i32
      %sign3A_223 = arith.constant 0 : i32
      %sign3A_224 = arith.cmpi sgt, %scan3A_63, %sign3A_223 : i32
      %sign3A_225 = arith.extui %sign3A_224 : i1 to i32
      %sign3A_226 = arith.constant 0 : i32
      %sign3A_227 = arith.cmpi slt, %scan3A_63, %sign3A_226 : i32
      %sign3A_228 = arith.extui %sign3A_227 : i1 to i32
      %sign3A_229 = arith.subi %sign3A_225, %sign3A_228 : i32
      %sign3A_230 = arith.constant 0 : i32
      %sign3A_231 = arith.cmpi sgt, %jit3A_221, %sign3A_230 : i32
      %sign3A_232 = arith.extui %sign3A_231 : i1 to i32
      %sign3A_233 = arith.constant 0 : i32
      %sign3A_234 = arith.cmpi slt, %jit3A_221, %sign3A_233 : i32
      %sign3A_235 = arith.extui %sign3A_234 : i1 to i32
      %sign3A_236 = arith.subi %sign3A_232, %sign3A_235 : i32
      %ne3A_237 = arith.cmpi ne, %sign3A_229, %sign3A_236 : i32
      %rem3A_238 = arith.remsi %scan3A_63, %jit3A_221 : i32
      %ne3A_239 = arith.constant 0 : i32
      %ne3A_240 = arith.cmpi ne, %rem3A_238, %ne3A_239 : i32
      %and3A_241 = arith.andi %ne3A_237, %ne3A_240 : i1
      %sub3A_242 = arith.constant 1 : i32
      %sub3A_243 = arith.subi %div3A_222, %sub3A_242 : i32
      %select_n3A_244 = arith.select %and3A_241, %sub3A_243, %div3A_222 : i32
      %mul3A_245 = arith.constant 16 : i32
      %mul3A_246 = arith.muli %select_n3A_244, %mul3A_245 : i32
      %get3A_247 = arith.index_cast %mul3A_246 : i32 to index
      %get3A_248 = tpu.vector_load %arg23[%get3A_247] {strides = array<i32>} : memref<128xf32, #tpu.memory_space<vmem>>, vector<16xf32>,
      %get3A_249 = vector.shape_cast %get3A_248 : vector<16xf32> to vector<16xf32>
      %mul3A_250 = arith.constant 0 : i32
      %mul3A_251 = vector.broadcast %mul3A_250 : i32 to vector<16xi32>
      %mul3A_252 = arith.muli %iota3A, %mul3A_251 : vector<16xi32>
      %jit3A_253 = arith.constant 16 : i32
      %eq3A_254 = arith.constant 0 : i32
      %eq3A_255 = arith.cmpi eq, %jit3A_253, %eq3A_254 : i32
      %jit3A_256 = arith.constant 1 : i32
      %select_n3A_257 = arith.select %eq3A_255, %jit3A_256, %jit3A_253 : i32
      %rem3A_258 = arith.remsi %scan3A_63, %select_n3A_257 : i32
      %ne3A_259 = arith.constant 0 : i32
      %ne3A_260 = arith.cmpi ne, %rem3A_258, %ne3A_259 : i32
      %lt3A_261 = arith.constant 0 : i32
      %lt3A_262 = arith.cmpi slt, %rem3A_258, %lt3A_261 : i32
      %lt3A_263 = arith.constant 0 : i32
      %lt3A_264 = arith.cmpi slt, %select_n3A_257, %lt3A_263 : i32
      %ne3A_265 = arith.xori %lt3A_262, %lt3A_264 : i1
      %and3A_266 = arith.andi %ne3A_265, %ne3A_260 : i1
      %add3A_267 = arith.addi %rem3A_258, %select_n3A_257 : i32
      %select_n3A_268 = arith.select %and3A_266, %add3A_267, %rem3A_258 : i32
      %add3A_269 = vector.broadcast %select_n3A_268 : i32 to vector<16xi32>
      %add3A_270 = arith.addi %mul3A_252, %add3A_269 : vector<16xi32>
      %broadcast_in_dim3A_271 = vector.shape_cast %add3A_270 : vector<16xi32> to vector<16x1xi32>
      %gather3A_272 = vector.shape_cast %broadcast_in_dim3A_271 : vector<16x1xi32> to vector<16xi32>
      %gather3A_273 = tpu.dynamic_gather %get3A_249[%gather3A_272] in [0] : vector<16xf32>, vector<16xi32> -> vector<16xf32>
      %mul3A_274 = arith.constant 6.553700e+04 : f32
      %mul3A_275 = vector.broadcast %mul3A_274 : f32 to vector<16xf32>
      %mul3A_276 = arith.mulf %mul3A_275, %gather3A_114 : vector<16xf32>
      %sub3A_277 = arith.subf %mul3A_276, %gather3A_114 : vector<16xf32>
      %sub3A_278 = arith.subf %mul3A_276, %sub3A_277 : vector<16xf32>
      %mul3A_279 = arith.constant 6.553700e+04 : f32
      %mul3A_280 = vector.broadcast %mul3A_279 : f32 to vector<16xf32>
      %mul3A_281 = arith.mulf %mul3A_280, %gather3A_167 : vector<16xf32>
      %sub3A_282 = arith.subf %mul3A_281, %gather3A_167 : vector<16xf32>
      %sub3A_283 = arith.subf %mul3A_281, %sub3A_282 : vector<16xf32>
      %mul3A_284 = arith.constant 6.553700e+04 : f32
      %mul3A_285 = vector.broadcast %mul3A_284 : f32 to vector<16xf32>
      %mul3A_286 = arith.mulf %mul3A_285, %gather3A_220 : vector<16xf32>
      %sub3A_287 = arith.subf %mul3A_286, %gather3A_220 : vector<16xf32>
      %sub3A_288 = arith.subf %mul3A_286, %sub3A_287 : vector<16xf32>
      %scan3A_289 = arith.constant 0 : i32
      %scan3A_290 = arith.constant 0 : i32
      %scan3A_291 = arith.constant 32 : i32
      %scan3A_292 = arith.addi %scan3A_290, %scan3A_291 : i32
      %scan3A_293 = arith.constant 1 : i32
      %scan3A_294 = scf.for %scan3A_353 = %scan3A_290 to %scan3A_292 step %scan3A_293 iter_args(%scan3A_354 = %scan3A_289) -> (i32)  : i32 {
        %convert_element_type3A_355 = arith.sitofp %iota3A : vector<16xi32> to vector<16xf32>
        %mul3A_356 = arith.constant 0.000000e+00 : f32
        %mul3A_357 = vector.broadcast %mul3A_356 : f32 to vector<16xf32>
        %mul3A_358 = arith.mulf %convert_element_type3A_355, %mul3A_357 : vector<16xf32>
        %add3A_359 = vector.broadcast %scan3A_46 : f32 to vector<16xf32>
        %add3A_360 = arith.addf %mul3A_358, %add3A_359 : vector<16xf32>
        %mul3A_361 = arith.constant 256 : i32
        %mul3A_362 = arith.muli %scan3A_353, %mul3A_361 : i32
        %add3A_363 = arith.constant 0 : i32
        %add3A_364 = arith.addi %mul3A_362, %add3A_363 : i32
        %get3A_365 = arith.index_cast %add3A_364 : i32 to index
        %get3A_366 = tpu.vector_load %arg15[%get3A_365] {strides = array<i32>} : memref<8192xf32, #tpu.memory_space<vmem>>, vector<16xf32>,
        %get3A_367 = vector.shape_cast %get3A_366 : vector<16xf32> to vector<16xf32>
        %get3A_368 = arith.index_cast %add3A_364 : i32 to index
        %get3A_369 = tpu.vector_load %arg16[%get3A_368] {strides = array<i32>} : memref<8192xf32, #tpu.memory_space<vmem>>, vector<16xf32>,
        %get3A_370 = vector.shape_cast %get3A_369 : vector<16xf32> to vector<16xf32>
        %get3A_371 = arith.index_cast %add3A_364 : i32 to index
        %get3A_372 = tpu.vector_load %arg17[%get3A_371] {strides = array<i32>} : memref<8192xf32, #tpu.memory_space<vmem>>, vector<16xf32>,
        %get3A_373 = vector.shape_cast %get3A_372 : vector<16xf32> to vector<16xf32>
        %mul3A_374 = arith.mulf %sub3A_278, %get3A_367 : vector<16xf32>
        %mul3A_375 = arith.mulf %sub3A_283, %get3A_370 : vector<16xf32>
        %add3A_376 = arith.addf %mul3A_374, %mul3A_375 : vector<16xf32>
        %mul3A_377 = arith.mulf %sub3A_288, %get3A_373 : vector<16xf32>
        %add3A_378 = arith.addf %add3A_376, %mul3A_377 : vector<16xf32>
        %get3A_379 = arith.index_cast %add3A_364 : i32 to index
        %get3A_380 = tpu.vector_load %arg18[%get3A_379] {strides = array<i32>} : memref<8192xf32, #tpu.memory_space<vmem>>, vector<16xf32>,
        %get3A_381 = vector.shape_cast %get3A_380 : vector<16xf32> to vector<16xf32>
        %add3A_382 = arith.addf %gather3A_273, %get3A_381 : vector<16xf32>
        %mul3A_383 = arith.constant 2.000000e+00 : f32
        %mul3A_384 = vector.broadcast %mul3A_383 : f32 to vector<16xf32>
        %mul3A_385 = arith.mulf %mul3A_384, %add3A_378 : vector<16xf32>
        %sub3A_386 = arith.subf %add3A_382, %mul3A_385 : vector<16xf32>
        %swap3A_387 = arith.index_cast %add3A_364 : i32 to index
        %swap3A_388 = tpu.vector_load %arg19[%swap3A_387] {strides = array<i32>} : memref<8192xf32, #tpu.memory_space<vmem>>, vector<16xf32>,
        %swap3A_389 = vector.shape_cast %swap3A_388 : vector<16xf32> to vector<16xf32>
        %swap3A_390 = vector.shape_cast %sub3A_386 : vector<16xf32> to vector<16xf32>
        tpu.vector_store %arg19[%swap3A_387], %swap3A_390 {strides = array<i32>} : memref<8192xf32, #tpu.memory_space<vmem>>, vector<16xf32>,
        %min3A = arith.minimumf %add3A_360, %sub3A_386 : vector<16xf32>
        %mul3A_391 = arith.constant 256 : i32
        %mul3A_392 = arith.muli %scan3A_353, %mul3A_391 : i32
        %add3A_393 = arith.constant 16 : i32
        %add3A_394 = arith.addi %mul3A_392, %add3A_393 : i32
        %get3A_395 = arith.index_cast %add3A_394 : i32 to index
        %get3A_396 = tpu.vector_load %arg15[%get3A_395] {strides = array<i32>} : memref<8192xf32, #tpu.memory_space<vmem>>, vector<16xf32>,
        %get3A_397 = vector.shape_cast %get3A_396 : vector<16xf32> to vector<16xf32>
        %get3A_398 = arith.index_cast %add3A_394 : i32 to index
        %get3A_399 = tpu.vector_load %arg16[%get3A_398] {strides = array<i32>} : memref<8192xf32, #tpu.memory_space<vmem>>, vector<16xf32>,
        %get3A_400 = vector.shape_cast %get3A_399 : vector<16xf32> to vector<16xf32>
        %get3A_401 = arith.index_cast %add3A_394 : i32 to index
        %get3A_402 = tpu.vector_load %arg17[%get3A_401] {strides = array<i32>} : memref<8192xf32, #tpu.memory_space<vmem>>, vector<16xf32>,
        %get3A_403 = vector.shape_cast %get3A_402 : vector<16xf32> to vector<16xf32>
        %mul3A_404 = arith.mulf %sub3A_278, %get3A_397 : vector<16xf32>
        %mul3A_405 = arith.mulf %sub3A_283, %get3A_400 : vector<16xf32>
        %add3A_406 = arith.addf %mul3A_404, %mul3A_405 : vector<16xf32>
        %mul3A_407 = arith.mulf %sub3A_288, %get3A_403 : vector<16xf32>
        %add3A_408 = arith.addf %add3A_406, %mul3A_407 : vector<16xf32>
        %get3A_409 = arith.index_cast %add3A_394 : i32 to index
        %get3A_410 = tpu.vector_load %arg18[%get3A_409] {strides = array<i32>} : memref<8192xf32, #tpu.memory_space<vmem>>, vector<16xf32>,
        %get3A_411 = vector.shape_cast %get3A_410 : vector<16xf32> to vector<16xf32>
        %add3A_412 = arith.addf %gather3A_273, %get3A_411 : vector<16xf32>
        %mul3A_413 = arith.constant 2.000000e+00 : f32
        %mul3A_414 = vector.broadcast %mul3A_413 : f32 to vector<16xf32>
        %mul3A_415 = arith.mulf %mul3A_414, %add3A_408 : vector<16xf32>
        %sub3A_416 = arith.subf %add3A_412, %mul3A_415 : vector<16xf32>
        %swap3A_417 = arith.index_cast %add3A_394 : i32 to index
        %swap3A_418 = tpu.vector_load %arg19[%swap3A_417] {strides = array<i32>} : memref<8192xf32, #tpu.memory_space<vmem>>, vector<16xf32>,
        %swap3A_419 = vector.shape_cast %swap3A_418 : vector<16xf32> to vector<16xf32>
        %swap3A_420 = vector.shape_cast %sub3A_416 : vector<16xf32> to vector<16xf32>
        tpu.vector_store %arg19[%swap3A_417], %swap3A_420 {strides = array<i32>} : memref<8192xf32, #tpu.memory_space<vmem>>, vector<16xf32>,
        %min3A_421 = arith.minimumf %min3A, %sub3A_416 : vector<16xf32>
        %mul3A_422 = arith.constant 256 : i32
        %mul3A_423 = arith.muli %scan3A_353, %mul3A_422 : i32
        %add3A_424 = arith.constant 32 : i32
        %add3A_425 = arith.addi %mul3A_423, %add3A_424 : i32
        %get3A_426 = arith.index_cast %add3A_425 : i32 to index
        %get3A_427 = tpu.vector_load %arg15[%get3A_426] {strides = array<i32>} : memref<8192xf32, #tpu.memory_space<vmem>>, vector<16xf32>,
        %get3A_428 = vector.shape_cast %get3A_427 : vector<16xf32> to vector<16xf32>
        %get3A_429 = arith.index_cast %add3A_425 : i32 to index
        %get3A_430 = tpu.vector_load %arg16[%get3A_429] {strides = array<i32>} : memref<8192xf32, #tpu.memory_space<vmem>>, vector<16xf32>,
        %get3A_431 = vector.shape_cast %get3A_430 : vector<16xf32> to vector<16xf32>
        %get3A_432 = arith.index_cast %add3A_425 : i32 to index
        %get3A_433 = tpu.vector_load %arg17[%get3A_432] {strides = array<i32>} : memref<8192xf32, #tpu.memory_space<vmem>>, vector<16xf32>,
        %get3A_434 = vector.shape_cast %get3A_433 : vector<16xf32> to vector<16xf32>
        %mul3A_435 = arith.mulf %sub3A_278, %get3A_428 : vector<16xf32>
        %mul3A_436 = arith.mulf %sub3A_283, %get3A_431 : vector<16xf32>
        %add3A_437 = arith.addf %mul3A_435, %mul3A_436 : vector<16xf32>
        %mul3A_438 = arith.mulf %sub3A_288, %get3A_434 : vector<16xf32>
        %add3A_439 = arith.addf %add3A_437, %mul3A_438 : vector<16xf32>
        %get3A_440 = arith.index_cast %add3A_425 : i32 to index
        %get3A_441 = tpu.vector_load %arg18[%get3A_440] {strides = array<i32>} : memref<8192xf32, #tpu.memory_space<vmem>>, vector<16xf32>,
        %get3A_442 = vector.shape_cast %get3A_441 : vector<16xf32> to vector<16xf32>
        %add3A_443 = arith.addf %gather3A_273, %get3A_442 : vector<16xf32>
        %mul3A_444 = arith.constant 2.000000e+00 : f32
        %mul3A_445 = vector.broadcast %mul3A_444 : f32 to vector<16xf32>
        %mul3A_446 = arith.mulf %mul3A_445, %add3A_439 : vector<16xf32>
        %sub3A_447 = arith.subf %add3A_443, %mul3A_446 : vector<16xf32>
        %swap3A_448 = arith.index_cast %add3A_425 : i32 to index
        %swap3A_449 = tpu.vector_load %arg19[%swap3A_448] {strides = array<i32>} : memref<8192xf32, #tpu.memory_space<vmem>>, vector<16xf32>,
        %swap3A_450 = vector.shape_cast %swap3A_449 : vector<16xf32> to vector<16xf32>
        %swap3A_451 = vector.shape_cast %sub3A_447 : vector<16xf32> to vector<16xf32>
        tpu.vector_store %arg19[%swap3A_448], %swap3A_451 {strides = array<i32>} : memref<8192xf32, #tpu.memory_space<vmem>>, vector<16xf32>,
        %min3A_452 = arith.minimumf %min3A_421, %sub3A_447 : vector<16xf32>
        %mul3A_453 = arith.constant 256 : i32
        %mul3A_454 = arith.muli %scan3A_353, %mul3A_453 : i32
        %add3A_455 = arith.constant 48 : i32
        %add3A_456 = arith.addi %mul3A_454, %add3A_455 : i32
        %get3A_457 = arith.index_cast %add3A_456 : i32 to index
        %get3A_458 = tpu.vector_load %arg15[%get3A_457] {strides = array<i32>} : memref<8192xf32, #tpu.memory_space<vmem>>, vector<16xf32>,
        %get3A_459 = vector.shape_cast %get3A_458 : vector<16xf32> to vector<16xf32>
        %get3A_460 = arith.index_cast %add3A_456 : i32 to index
        %get3A_461 = tpu.vector_load %arg16[%get3A_460] {strides = array<i32>} : memref<8192xf32, #tpu.memory_space<vmem>>, vector<16xf32>,
        %get3A_462 = vector.shape_cast %get3A_461 : vector<16xf32> to vector<16xf32>
        %get3A_463 = arith.index_cast %add3A_456 : i32 to index
        %get3A_464 = tpu.vector_load %arg17[%get3A_463] {strides = array<i32>} : memref<8192xf32, #tpu.memory_space<vmem>>, vector<16xf32>,
        %get3A_465 = vector.shape_cast %get3A_464 : vector<16xf32> to vector<16xf32>
        %mul3A_466 = arith.mulf %sub3A_278, %get3A_459 : vector<16xf32>
        %mul3A_467 = arith.mulf %sub3A_283, %get3A_462 : vector<16xf32>
        %add3A_468 = arith.addf %mul3A_466, %mul3A_467 : vector<16xf32>
        %mul3A_469 = arith.mulf %sub3A_288, %get3A_465 : vector<16xf32>
        %add3A_470 = arith.addf %add3A_468, %mul3A_469 : vector<16xf32>
        %get3A_471 = arith.index_cast %add3A_456 : i32 to index
        %get3A_472 = tpu.vector_load %arg18[%get3A_471] {strides = array<i32>} : memref<8192xf32, #tpu.memory_space<vmem>>, vector<16xf32>,
        %get3A_473 = vector.shape_cast %get3A_472 : vector<16xf32> to vector<16xf32>
        %add3A_474 = arith.addf %gather3A_273, %get3A_473 : vector<16xf32>
        %mul3A_475 = arith.constant 2.000000e+00 : f32
        %mul3A_476 = vector.broadcast %mul3A_475 : f32 to vector<16xf32>
        %mul3A_477 = arith.mulf %mul3A_476, %add3A_470 : vector<16xf32>
        %sub3A_478 = arith.subf %add3A_474, %mul3A_477 : vector<16xf32>
        %swap3A_479 = arith.index_cast %add3A_456 : i32 to index
        %swap3A_480 = tpu.vector_load %arg19[%swap3A_479] {strides = array<i32>} : memref<8192xf32, #tpu.memory_space<vmem>>, vector<16xf32>,
        %swap3A_481 = vector.shape_cast %swap3A_480 : vector<16xf32> to vector<16xf32>
        %swap3A_482 = vector.shape_cast %sub3A_478 : vector<16xf32> to vector<16xf32>
        tpu.vector_store %arg19[%swap3A_479], %swap3A_482 {strides = array<i32>} : memref<8192xf32, #tpu.memory_space<vmem>>, vector<16xf32>,
        %min3A_483 = arith.minimumf %min3A_452, %sub3A_478 : vector<16xf32>
        %mul3A_484 = arith.constant 256 : i32
        %mul3A_485 = arith.muli %scan3A_353, %mul3A_484 : i32
        %add3A_486 = arith.constant 64 : i32
        %add3A_487 = arith.addi %mul3A_485, %add3A_486 : i32
        %get3A_488 = arith.index_cast %add3A_487 : i32 to index
        %get3A_489 = tpu.vector_load %arg15[%get3A_488] {strides = array<i32>} : memref<8192xf32, #tpu.memory_space<vmem>>, vector<16xf32>,
        %get3A_490 = vector.shape_cast %get3A_489 : vector<16xf32> to vector<16xf32>
        %get3A_491 = arith.index_cast %add3A_487 : i32 to index
        %get3A_492 = tpu.vector_load %arg16[%get3A_491] {strides = array<i32>} : memref<8192xf32, #tpu.memory_space<vmem>>, vector<16xf32>,
        %get3A_493 = vector.shape_cast %get3A_492 : vector<16xf32> to vector<16xf32>
        %get3A_494 = arith.index_cast %add3A_487 : i32 to index
        %get3A_495 = tpu.vector_load %arg17[%get3A_494] {strides = array<i32>} : memref<8192xf32, #tpu.memory_space<vmem>>, vector<16xf32>,
        %get3A_496 = vector.shape_cast %get3A_495 : vector<16xf32> to vector<16xf32>
        %mul3A_497 = arith.mulf %sub3A_278, %get3A_490 : vector<16xf32>
        %mul3A_498 = arith.mulf %sub3A_283, %get3A_493 : vector<16xf32>
        %add3A_499 = arith.addf %mul3A_497, %mul3A_498 : vector<16xf32>
        %mul3A_500 = arith.mulf %sub3A_288, %get3A_496 : vector<16xf32>
        %add3A_501 = arith.addf %add3A_499, %mul3A_500 : vector<16xf32>
        %get3A_502 = arith.index_cast %add3A_487 : i32 to index
        %get3A_503 = tpu.vector_load %arg18[%get3A_502] {strides = array<i32>} : memref<8192xf32, #tpu.memory_space<vmem>>, vector<16xf32>,
        %get3A_504 = vector.shape_cast %get3A_503 : vector<16xf32> to vector<16xf32>
        %add3A_505 = arith.addf %gather3A_273, %get3A_504 : vector<16xf32>
        %mul3A_506 = arith.constant 2.000000e+00 : f32
        %mul3A_507 = vector.broadcast %mul3A_506 : f32 to vector<16xf32>
        %mul3A_508 = arith.mulf %mul3A_507, %add3A_501 : vector<16xf32>
        %sub3A_509 = arith.subf %add3A_505, %mul3A_508 : vector<16xf32>
        %swap3A_510 = arith.index_cast %add3A_487 : i32 to index
        %swap3A_511 = tpu.vector_load %arg19[%swap3A_510] {strides = array<i32>} : memref<8192xf32, #tpu.memory_space<vmem>>, vector<16xf32>,
        %swap3A_512 = vector.shape_cast %swap3A_511 : vector<16xf32> to vector<16xf32>
        %swap3A_513 = vector.shape_cast %sub3A_509 : vector<16xf32> to vector<16xf32>
        tpu.vector_store %arg19[%swap3A_510], %swap3A_513 {strides = array<i32>} : memref<8192xf32, #tpu.memory_space<vmem>>, vector<16xf32>,
        %min3A_514 = arith.minimumf %min3A_483, %sub3A_509 : vector<16xf32>
        %mul3A_515 = arith.constant 256 : i32
        %mul3A_516 = arith.muli %scan3A_353, %mul3A_515 : i32
        %add3A_517 = arith.constant 80 : i32
        %add3A_518 = arith.addi %mul3A_516, %add3A_517 : i32
        %get3A_519 = arith.index_cast %add3A_518 : i32 to index
        %get3A_520 = tpu.vector_load %arg15[%get3A_519] {strides = array<i32>} : memref<8192xf32, #tpu.memory_space<vmem>>, vector<16xf32>,
        %get3A_521 = vector.shape_cast %get3A_520 : vector<16xf32> to vector<16xf32>
        %get3A_522 = arith.index_cast %add3A_518 : i32 to index
        %get3A_523 = tpu.vector_load %arg16[%get3A_522] {strides = array<i32>} : memref<8192xf32, #tpu.memory_space<vmem>>, vector<16xf32>,
        %get3A_524 = vector.shape_cast %get3A_523 : vector<16xf32> to vector<16xf32>
        %get3A_525 = arith.index_cast %add3A_518 : i32 to index
        %get3A_526 = tpu.vector_load %arg17[%get3A_525] {strides = array<i32>} : memref<8192xf32, #tpu.memory_space<vmem>>, vector<16xf32>,
        %get3A_527 = vector.shape_cast %get3A_526 : vector<16xf32> to vector<16xf32>
        %mul3A_528 = arith.mulf %sub3A_278, %get3A_521 : vector<16xf32>
        %mul3A_529 = arith.mulf %sub3A_283, %get3A_524 : vector<16xf32>
        %add3A_530 = arith.addf %mul3A_528, %mul3A_529 : vector<16xf32>
        %mul3A_531 = arith.mulf %sub3A_288, %get3A_527 : vector<16xf32>
        %add3A_532 = arith.addf %add3A_530, %mul3A_531 : vector<16xf32>
        %get3A_533 = arith.index_cast %add3A_518 : i32 to index
        %get3A_534 = tpu.vector_load %arg18[%get3A_533] {strides = array<i32>} : memref<8192xf32, #tpu.memory_space<vmem>>, vector<16xf32>,
        %get3A_535 = vector.shape_cast %get3A_534 : vector<16xf32> to vector<16xf32>
        %add3A_536 = arith.addf %gather3A_273, %get3A_535 : vector<16xf32>
        %mul3A_537 = arith.constant 2.000000e+00 : f32
        %mul3A_538 = vector.broadcast %mul3A_537 : f32 to vector<16xf32>
        %mul3A_539 = arith.mulf %mul3A_538, %add3A_532 : vector<16xf32>
        %sub3A_540 = arith.subf %add3A_536, %mul3A_539 : vector<16xf32>
        %swap3A_541 = arith.index_cast %add3A_518 : i32 to index
        %swap3A_542 = tpu.vector_load %arg19[%swap3A_541] {strides = array<i32>} : memref<8192xf32, #tpu.memory_space<vmem>>, vector<16xf32>,
        %swap3A_543 = vector.shape_cast %swap3A_542 : vector<16xf32> to vector<16xf32>
        %swap3A_544 = vector.shape_cast %sub3A_540 : vector<16xf32> to vector<16xf32>
        tpu.vector_store %arg19[%swap3A_541], %swap3A_544 {strides = array<i32>} : memref<8192xf32, #tpu.memory_space<vmem>>, vector<16xf32>,
        %min3A_545 = arith.minimumf %min3A_514, %sub3A_540 : vector<16xf32>
        %mul3A_546 = arith.constant 256 : i32
        %mul3A_547 = arith.muli %scan3A_353, %mul3A_546 : i32
        %add3A_548 = arith.constant 96 : i32
        %add3A_549 = arith.addi %mul3A_547, %add3A_548 : i32
        %get3A_550 = arith.index_cast %add3A_549 : i32 to index
        %get3A_551 = tpu.vector_load %arg15[%get3A_550] {strides = array<i32>} : memref<8192xf32, #tpu.memory_space<vmem>>, vector<16xf32>,
        %get3A_552 = vector.shape_cast %get3A_551 : vector<16xf32> to vector<16xf32>
        %get3A_553 = arith.index_cast %add3A_549 : i32 to index
        %get3A_554 = tpu.vector_load %arg16[%get3A_553] {strides = array<i32>} : memref<8192xf32, #tpu.memory_space<vmem>>, vector<16xf32>,
        %get3A_555 = vector.shape_cast %get3A_554 : vector<16xf32> to vector<16xf32>
        %get3A_556 = arith.index_cast %add3A_549 : i32 to index
        %get3A_557 = tpu.vector_load %arg17[%get3A_556] {strides = array<i32>} : memref<8192xf32, #tpu.memory_space<vmem>>, vector<16xf32>,
        %get3A_558 = vector.shape_cast %get3A_557 : vector<16xf32> to vector<16xf32>
        %mul3A_559 = arith.mulf %sub3A_278, %get3A_552 : vector<16xf32>
        %mul3A_560 = arith.mulf %sub3A_283, %get3A_555 : vector<16xf32>
        %add3A_561 = arith.addf %mul3A_559, %mul3A_560 : vector<16xf32>
        %mul3A_562 = arith.mulf %sub3A_288, %get3A_558 : vector<16xf32>
        %add3A_563 = arith.addf %add3A_561, %mul3A_562 : vector<16xf32>
        %get3A_564 = arith.index_cast %add3A_549 : i32 to index
        %get3A_565 = tpu.vector_load %arg18[%get3A_564] {strides = array<i32>} : memref<8192xf32, #tpu.memory_space<vmem>>, vector<16xf32>,
        %get3A_566 = vector.shape_cast %get3A_565 : vector<16xf32> to vector<16xf32>
        %add3A_567 = arith.addf %gather3A_273, %get3A_566 : vector<16xf32>
        %mul3A_568 = arith.constant 2.000000e+00 : f32
        %mul3A_569 = vector.broadcast %mul3A_568 : f32 to vector<16xf32>
        %mul3A_570 = arith.mulf %mul3A_569, %add3A_563 : vector<16xf32>
        %sub3A_571 = arith.subf %add3A_567, %mul3A_570 : vector<16xf32>
        %swap3A_572 = arith.index_cast %add3A_549 : i32 to index
        %swap3A_573 = tpu.vector_load %arg19[%swap3A_572] {strides = array<i32>} : memref<8192xf32, #tpu.memory_space<vmem>>, vector<16xf32>,
        %swap3A_574 = vector.shape_cast %swap3A_573 : vector<16xf32> to vector<16xf32>
        %swap3A_575 = vector.shape_cast %sub3A_571 : vector<16xf32> to vector<16xf32>
        tpu.vector_store %arg19[%swap3A_572], %swap3A_575 {strides = array<i32>} : memref<8192xf32, #tpu.memory_space<vmem>>, vector<16xf32>,
        %min3A_576 = arith.minimumf %min3A_545, %sub3A_571 : vector<16xf32>
        %mul3A_577 = arith.constant 256 : i32
        %mul3A_578 = arith.muli %scan3A_353, %mul3A_577 : i32
        %add3A_579 = arith.constant 112 : i32
        %add3A_580 = arith.addi %mul3A_578, %add3A_579 : i32
        %get3A_581 = arith.index_cast %add3A_580 : i32 to index
        %get3A_582 = tpu.vector_load %arg15[%get3A_581] {strides = array<i32>} : memref<8192xf32, #tpu.memory_space<vmem>>, vector<16xf32>,
        %get3A_583 = vector.shape_cast %get3A_582 : vector<16xf32> to vector<16xf32>
        %get3A_584 = arith.index_cast %add3A_580 : i32 to index
        %get3A_585 = tpu.vector_load %arg16[%get3A_584] {strides = array<i32>} : memref<8192xf32, #tpu.memory_space<vmem>>, vector<16xf32>,
        %get3A_586 = vector.shape_cast %get3A_585 : vector<16xf32> to vector<16xf32>
        %get3A_587 = arith.index_cast %add3A_580 : i32 to index
        %get3A_588 = tpu.vector_load %arg17[%get3A_587] {strides = array<i32>} : memref<8192xf32, #tpu.memory_space<vmem>>, vector<16xf32>,
        %get3A_589 = vector.shape_cast %get3A_588 : vector<16xf32> to vector<16xf32>
        %mul3A_590 = arith.mulf %sub3A_278, %get3A_583 : vector<16xf32>
        %mul3A_591 = arith.mulf %sub3A_283, %get3A_586 : vector<16xf32>
        %add3A_592 = arith.addf %mul3A_590, %mul3A_591 : vector<16xf32>
        %mul3A_593 = arith.mulf %sub3A_288, %get3A_589 : vector<16xf32>
        %add3A_594 = arith.addf %add3A_592, %mul3A_593 : vector<16xf32>
        %get3A_595 = arith.index_cast %add3A_580 : i32 to index
        %get3A_596 = tpu.vector_load %arg18[%get3A_595] {strides = array<i32>} : memref<8192xf32, #tpu.memory_space<vmem>>, vector<16xf32>,
        %get3A_597 = vector.shape_cast %get3A_596 : vector<16xf32> to vector<16xf32>
        %add3A_598 = arith.addf %gather3A_273, %get3A_597 : vector<16xf32>
        %mul3A_599 = arith.constant 2.000000e+00 : f32
        %mul3A_600 = vector.broadcast %mul3A_599 : f32 to vector<16xf32>
        %mul3A_601 = arith.mulf %mul3A_600, %add3A_594 : vector<16xf32>
        %sub3A_602 = arith.subf %add3A_598, %mul3A_601 : vector<16xf32>
        %swap3A_603 = arith.index_cast %add3A_580 : i32 to index
        %swap3A_604 = tpu.vector_load %arg19[%swap3A_603] {strides = array<i32>} : memref<8192xf32, #tpu.memory_space<vmem>>, vector<16xf32>,
        %swap3A_605 = vector.shape_cast %swap3A_604 : vector<16xf32> to vector<16xf32>
        %swap3A_606 = vector.shape_cast %sub3A_602 : vector<16xf32> to vector<16xf32>
        tpu.vector_store %arg19[%swap3A_603], %swap3A_606 {strides = array<i32>} : memref<8192xf32, #tpu.memory_space<vmem>>, vector<16xf32>,
        %min3A_607 = arith.minimumf %min3A_576, %sub3A_602 : vector<16xf32>
        %mul3A_608 = arith.constant 256 : i32
        %mul3A_609 = arith.muli %scan3A_353, %mul3A_608 : i32
        %add3A_610 = arith.constant 128 : i32
        %add3A_611 = arith.addi %mul3A_609, %add3A_610 : i32
        %get3A_612 = arith.index_cast %add3A_611 : i32 to index
        %get3A_613 = tpu.vector_load %arg15[%get3A_612] {strides = array<i32>} : memref<8192xf32, #tpu.memory_space<vmem>>, vector<16xf32>,
        %get3A_614 = vector.shape_cast %get3A_613 : vector<16xf32> to vector<16xf32>
        %get3A_615 = arith.index_cast %add3A_611 : i32 to index
        %get3A_616 = tpu.vector_load %arg16[%get3A_615] {strides = array<i32>} : memref<8192xf32, #tpu.memory_space<vmem>>, vector<16xf32>,
        %get3A_617 = vector.shape_cast %get3A_616 : vector<16xf32> to vector<16xf32>
        %get3A_618 = arith.index_cast %add3A_611 : i32 to index
        %get3A_619 = tpu.vector_load %arg17[%get3A_618] {strides = array<i32>} : memref<8192xf32, #tpu.memory_space<vmem>>, vector<16xf32>,
        %get3A_620 = vector.shape_cast %get3A_619 : vector<16xf32> to vector<16xf32>
        %mul3A_621 = arith.mulf %sub3A_278, %get3A_614 : vector<16xf32>
        %mul3A_622 = arith.mulf %sub3A_283, %get3A_617 : vector<16xf32>
        %add3A_623 = arith.addf %mul3A_621, %mul3A_622 : vector<16xf32>
        %mul3A_624 = arith.mulf %sub3A_288, %get3A_620 : vector<16xf32>
        %add3A_625 = arith.addf %add3A_623, %mul3A_624 : vector<16xf32>
        %get3A_626 = arith.index_cast %add3A_611 : i32 to index
        %get3A_627 = tpu.vector_load %arg18[%get3A_626] {strides = array<i32>} : memref<8192xf32, #tpu.memory_space<vmem>>, vector<16xf32>,
        %get3A_628 = vector.shape_cast %get3A_627 : vector<16xf32> to vector<16xf32>
        %add3A_629 = arith.addf %gather3A_273, %get3A_628 : vector<16xf32>
        %mul3A_630 = arith.constant 2.000000e+00 : f32
        %mul3A_631 = vector.broadcast %mul3A_630 : f32 to vector<16xf32>
        %mul3A_632 = arith.mulf %mul3A_631, %add3A_625 : vector<16xf32>
        %sub3A_633 = arith.subf %add3A_629, %mul3A_632 : vector<16xf32>
        %swap3A_634 = arith.index_cast %add3A_611 : i32 to index
        %swap3A_635 = tpu.vector_load %arg19[%swap3A_634] {strides = array<i32>} : memref<8192xf32, #tpu.memory_space<vmem>>, vector<16xf32>,
        %swap3A_636 = vector.shape_cast %swap3A_635 : vector<16xf32> to vector<16xf32>
        %swap3A_637 = vector.shape_cast %sub3A_633 : vector<16xf32> to vector<16xf32>
        tpu.vector_store %arg19[%swap3A_634], %swap3A_637 {strides = array<i32>} : memref<8192xf32, #tpu.memory_space<vmem>>, vector<16xf32>,
        %min3A_638 = arith.minimumf %min3A_607, %sub3A_633 : vector<16xf32>
        %mul3A_639 = arith.constant 256 : i32
        %mul3A_640 = arith.muli %scan3A_353, %mul3A_639 : i32
        %add3A_641 = arith.constant 144 : i32
        %add3A_642 = arith.addi %mul3A_640, %add3A_641 : i32
        %get3A_643 = arith.index_cast %add3A_642 : i32 to index
        %get3A_644 = tpu.vector_load %arg15[%get3A_643] {strides = array<i32>} : memref<8192xf32, #tpu.memory_space<vmem>>, vector<16xf32>,
        %get3A_645 = vector.shape_cast %get3A_644 : vector<16xf32> to vector<16xf32>
        %get3A_646 = arith.index_cast %add3A_642 : i32 to index
        %get3A_647 = tpu.vector_load %arg16[%get3A_646] {strides = array<i32>} : memref<8192xf32, #tpu.memory_space<vmem>>, vector<16xf32>,
        %get3A_648 = vector.shape_cast %get3A_647 : vector<16xf32> to vector<16xf32>
        %get3A_649 = arith.index_cast %add3A_642 : i32 to index
        %get3A_650 = tpu.vector_load %arg17[%get3A_649] {strides = array<i32>} : memref<8192xf32, #tpu.memory_space<vmem>>, vector<16xf32>,
        %get3A_651 = vector.shape_cast %get3A_650 : vector<16xf32> to vector<16xf32>
        %mul3A_652 = arith.mulf %sub3A_278, %get3A_645 : vector<16xf32>
        %mul3A_653 = arith.mulf %sub3A_283, %get3A_648 : vector<16xf32>
        %add3A_654 = arith.addf %mul3A_652, %mul3A_653 : vector<16xf32>
        %mul3A_655 = arith.mulf %sub3A_288, %get3A_651 : vector<16xf32>
        %add3A_656 = arith.addf %add3A_654, %mul3A_655 : vector<16xf32>
        %get3A_657 = arith.index_cast %add3A_642 : i32 to index
        %get3A_658 = tpu.vector_load %arg18[%get3A_657] {strides = array<i32>} : memref<8192xf32, #tpu.memory_space<vmem>>, vector<16xf32>,
        %get3A_659 = vector.shape_cast %get3A_658 : vector<16xf32> to vector<16xf32>
        %add3A_660 = arith.addf %gather3A_273, %get3A_659 : vector<16xf32>
        %mul3A_661 = arith.constant 2.000000e+00 : f32
        %mul3A_662 = vector.broadcast %mul3A_661 : f32 to vector<16xf32>
        %mul3A_663 = arith.mulf %mul3A_662, %add3A_656 : vector<16xf32>
        %sub3A_664 = arith.subf %add3A_660, %mul3A_663 : vector<16xf32>
        %swap3A_665 = arith.index_cast %add3A_642 : i32 to index
        %swap3A_666 = tpu.vector_load %arg19[%swap3A_665] {strides = array<i32>} : memref<8192xf32, #tpu.memory_space<vmem>>, vector<16xf32>,
        %swap3A_667 = vector.shape_cast %swap3A_666 : vector<16xf32> to vector<16xf32>
        %swap3A_668 = vector.shape_cast %sub3A_664 : vector<16xf32> to vector<16xf32>
        tpu.vector_store %arg19[%swap3A_665], %swap3A_668 {strides = array<i32>} : memref<8192xf32, #tpu.memory_space<vmem>>, vector<16xf32>,
        %min3A_669 = arith.minimumf %min3A_638, %sub3A_664 : vector<16xf32>
        %mul3A_670 = arith.constant 256 : i32
        %mul3A_671 = arith.muli %scan3A_353, %mul3A_670 : i32
        %add3A_672 = arith.constant 160 : i32
        %add3A_673 = arith.addi %mul3A_671, %add3A_672 : i32
        %get3A_674 = arith.index_cast %add3A_673 : i32 to index
        %get3A_675 = tpu.vector_load %arg15[%get3A_674] {strides = array<i32>} : memref<8192xf32, #tpu.memory_space<vmem>>, vector<16xf32>,
        %get3A_676 = vector.shape_cast %get3A_675 : vector<16xf32> to vector<16xf32>
        %get3A_677 = arith.index_cast %add3A_673 : i32 to index
        %get3A_678 = tpu.vector_load %arg16[%get3A_677] {strides = array<i32>} : memref<8192xf32, #tpu.memory_space<vmem>>, vector<16xf32>,
        %get3A_679 = vector.shape_cast %get3A_678 : vector<16xf32> to vector<16xf32>
        %get3A_680 = arith.index_cast %add3A_673 : i32 to index
        %get3A_681 = tpu.vector_load %arg17[%get3A_680] {strides = array<i32>} : memref<8192xf32, #tpu.memory_space<vmem>>, vector<16xf32>,
        %get3A_682 = vector.shape_cast %get3A_681 : vector<16xf32> to vector<16xf32>
        %mul3A_683 = arith.mulf %sub3A_278, %get3A_676 : vector<16xf32>
        %mul3A_684 = arith.mulf %sub3A_283, %get3A_679 : vector<16xf32>
        %add3A_685 = arith.addf %mul3A_683, %mul3A_684 : vector<16xf32>
        %mul3A_686 = arith.mulf %sub3A_288, %get3A_682 : vector<16xf32>
        %add3A_687 = arith.addf %add3A_685, %mul3A_686 : vector<16xf32>
        %get3A_688 = arith.index_cast %add3A_673 : i32 to index
        %get3A_689 = tpu.vector_load %arg18[%get3A_688] {strides = array<i32>} : memref<8192xf32, #tpu.memory_space<vmem>>, vector<16xf32>,
        %get3A_690 = vector.shape_cast %get3A_689 : vector<16xf32> to vector<16xf32>
        %add3A_691 = arith.addf %gather3A_273, %get3A_690 : vector<16xf32>
        %mul3A_692 = arith.constant 2.000000e+00 : f32
        %mul3A_693 = vector.broadcast %mul3A_692 : f32 to vector<16xf32>
        %mul3A_694 = arith.mulf %mul3A_693, %add3A_687 : vector<16xf32>
        %sub3A_695 = arith.subf %add3A_691, %mul3A_694 : vector<16xf32>
        %swap3A_696 = arith.index_cast %add3A_673 : i32 to index
        %swap3A_697 = tpu.vector_load %arg19[%swap3A_696] {strides = array<i32>} : memref<8192xf32, #tpu.memory_space<vmem>>, vector<16xf32>,
        %swap3A_698 = vector.shape_cast %swap3A_697 : vector<16xf32> to vector<16xf32>
        %swap3A_699 = vector.shape_cast %sub3A_695 : vector<16xf32> to vector<16xf32>
        tpu.vector_store %arg19[%swap3A_696], %swap3A_699 {strides = array<i32>} : memref<8192xf32, #tpu.memory_space<vmem>>, vector<16xf32>,
        %min3A_700 = arith.minimumf %min3A_669, %sub3A_695 : vector<16xf32>
        %mul3A_701 = arith.constant 256 : i32
        %mul3A_702 = arith.muli %scan3A_353, %mul3A_701 : i32
        %add3A_703 = arith.constant 176 : i32
        %add3A_704 = arith.addi %mul3A_702, %add3A_703 : i32
        %get3A_705 = arith.index_cast %add3A_704 : i32 to index
        %get3A_706 = tpu.vector_load %arg15[%get3A_705] {strides = array<i32>} : memref<8192xf32, #tpu.memory_space<vmem>>, vector<16xf32>,
        %get3A_707 = vector.shape_cast %get3A_706 : vector<16xf32> to vector<16xf32>
        %get3A_708 = arith.index_cast %add3A_704 : i32 to index
        %get3A_709 = tpu.vector_load %arg16[%get3A_708] {strides = array<i32>} : memref<8192xf32, #tpu.memory_space<vmem>>, vector<16xf32>,
        %get3A_710 = vector.shape_cast %get3A_709 : vector<16xf32> to vector<16xf32>
        %get3A_711 = arith.index_cast %add3A_704 : i32 to index
        %get3A_712 = tpu.vector_load %arg17[%get3A_711] {strides = array<i32>} : memref<8192xf32, #tpu.memory_space<vmem>>, vector<16xf32>,
        %get3A_713 = vector.shape_cast %get3A_712 : vector<16xf32> to vector<16xf32>
        %mul3A_714 = arith.mulf %sub3A_278, %get3A_707 : vector<16xf32>
        %mul3A_715 = arith.mulf %sub3A_283, %get3A_710 : vector<16xf32>
        %add3A_716 = arith.addf %mul3A_714, %mul3A_715 : vector<16xf32>
        %mul3A_717 = arith.mulf %sub3A_288, %get3A_713 : vector<16xf32>
        %add3A_718 = arith.addf %add3A_716, %mul3A_717 : vector<16xf32>
        %get3A_719 = arith.index_cast %add3A_704 : i32 to index
        %get3A_720 = tpu.vector_load %arg18[%get3A_719] {strides = array<i32>} : memref<8192xf32, #tpu.memory_space<vmem>>, vector<16xf32>,
        %get3A_721 = vector.shape_cast %get3A_720 : vector<16xf32> to vector<16xf32>
        %add3A_722 = arith.addf %gather3A_273, %get3A_721 : vector<16xf32>
        %mul3A_723 = arith.constant 2.000000e+00 : f32
        %mul3A_724 = vector.broadcast %mul3A_723 : f32 to vector<16xf32>
        %mul3A_725 = arith.mulf %mul3A_724, %add3A_718 : vector<16xf32>
        %sub3A_726 = arith.subf %add3A_722, %mul3A_725 : vector<16xf32>
        %swap3A_727 = arith.index_cast %add3A_704 : i32 to index
        %swap3A_728 = tpu.vector_load %arg19[%swap3A_727] {strides = array<i32>} : memref<8192xf32, #tpu.memory_space<vmem>>, vector<16xf32>,
        %swap3A_729 = vector.shape_cast %swap3A_728 : vector<16xf32> to vector<16xf32>
        %swap3A_730 = vector.shape_cast %sub3A_726 : vector<16xf32> to vector<16xf32>
        tpu.vector_store %arg19[%swap3A_727], %swap3A_730 {strides = array<i32>} : memref<8192xf32, #tpu.memory_space<vmem>>, vector<16xf32>,
        %min3A_731 = arith.minimumf %min3A_700, %sub3A_726 : vector<16xf32>
        %mul3A_732 = arith.constant 256 : i32
        %mul3A_733 = arith.muli %scan3A_353, %mul3A_732 : i32
        %add3A_734 = arith.constant 192 : i32
        %add3A_735 = arith.addi %mul3A_733, %add3A_734 : i32
        %get3A_736 = arith.index_cast %add3A_735 : i32 to index
        %get3A_737 = tpu.vector_load %arg15[%get3A_736] {strides = array<i32>} : memref<8192xf32, #tpu.memory_space<vmem>>, vector<16xf32>,
        %get3A_738 = vector.shape_cast %get3A_737 : vector<16xf32> to vector<16xf32>
        %get3A_739 = arith.index_cast %add3A_735 : i32 to index
        %get3A_740 = tpu.vector_load %arg16[%get3A_739] {strides = array<i32>} : memref<8192xf32, #tpu.memory_space<vmem>>, vector<16xf32>,
        %get3A_741 = vector.shape_cast %get3A_740 : vector<16xf32> to vector<16xf32>
        %get3A_742 = arith.index_cast %add3A_735 : i32 to index
        %get3A_743 = tpu.vector_load %arg17[%get3A_742] {strides = array<i32>} : memref<8192xf32, #tpu.memory_space<vmem>>, vector<16xf32>,
        %get3A_744 = vector.shape_cast %get3A_743 : vector<16xf32> to vector<16xf32>
        %mul3A_745 = arith.mulf %sub3A_278, %get3A_738 : vector<16xf32>
        %mul3A_746 = arith.mulf %sub3A_283, %get3A_741 : vector<16xf32>
        %add3A_747 = arith.addf %mul3A_745, %mul3A_746 : vector<16xf32>
        %mul3A_748 = arith.mulf %sub3A_288, %get3A_744 : vector<16xf32>
        %add3A_749 = arith.addf %add3A_747, %mul3A_748 : vector<16xf32>
        %get3A_750 = arith.index_cast %add3A_735 : i32 to index
        %get3A_751 = tpu.vector_load %arg18[%get3A_750] {strides = array<i32>} : memref<8192xf32, #tpu.memory_space<vmem>>, vector<16xf32>,
        %get3A_752 = vector.shape_cast %get3A_751 : vector<16xf32> to vector<16xf32>
        %add3A_753 = arith.addf %gather3A_273, %get3A_752 : vector<16xf32>
        %mul3A_754 = arith.constant 2.000000e+00 : f32
        %mul3A_755 = vector.broadcast %mul3A_754 : f32 to vector<16xf32>
        %mul3A_756 = arith.mulf %mul3A_755, %add3A_749 : vector<16xf32>
        %sub3A_757 = arith.subf %add3A_753, %mul3A_756 : vector<16xf32>
        %swap3A_758 = arith.index_cast %add3A_735 : i32 to index
        %swap3A_759 = tpu.vector_load %arg19[%swap3A_758] {strides = array<i32>} : memref<8192xf32, #tpu.memory_space<vmem>>, vector<16xf32>,
        %swap3A_760 = vector.shape_cast %swap3A_759 : vector<16xf32> to vector<16xf32>
        %swap3A_761 = vector.shape_cast %sub3A_757 : vector<16xf32> to vector<16xf32>
        tpu.vector_store %arg19[%swap3A_758], %swap3A_761 {strides = array<i32>} : memref<8192xf32, #tpu.memory_space<vmem>>, vector<16xf32>,
        %min3A_762 = arith.minimumf %min3A_731, %sub3A_757 : vector<16xf32>
        %mul3A_763 = arith.constant 256 : i32
        %mul3A_764 = arith.muli %scan3A_353, %mul3A_763 : i32
        %add3A_765 = arith.constant 208 : i32
        %add3A_766 = arith.addi %mul3A_764, %add3A_765 : i32
        %get3A_767 = arith.index_cast %add3A_766 : i32 to index
        %get3A_768 = tpu.vector_load %arg15[%get3A_767] {strides = array<i32>} : memref<8192xf32, #tpu.memory_space<vmem>>, vector<16xf32>,
        %get3A_769 = vector.shape_cast %get3A_768 : vector<16xf32> to vector<16xf32>
        %get3A_770 = arith.index_cast %add3A_766 : i32 to index
        %get3A_771 = tpu.vector_load %arg16[%get3A_770] {strides = array<i32>} : memref<8192xf32, #tpu.memory_space<vmem>>, vector<16xf32>,
        %get3A_772 = vector.shape_cast %get3A_771 : vector<16xf32> to vector<16xf32>
        %get3A_773 = arith.index_cast %add3A_766 : i32 to index
        %get3A_774 = tpu.vector_load %arg17[%get3A_773] {strides = array<i32>} : memref<8192xf32, #tpu.memory_space<vmem>>, vector<16xf32>,
        %get3A_775 = vector.shape_cast %get3A_774 : vector<16xf32> to vector<16xf32>
        %mul3A_776 = arith.mulf %sub3A_278, %get3A_769 : vector<16xf32>
        %mul3A_777 = arith.mulf %sub3A_283, %get3A_772 : vector<16xf32>
        %add3A_778 = arith.addf %mul3A_776, %mul3A_777 : vector<16xf32>
        %mul3A_779 = arith.mulf %sub3A_288, %get3A_775 : vector<16xf32>
        %add3A_780 = arith.addf %add3A_778, %mul3A_779 : vector<16xf32>
        %get3A_781 = arith.index_cast %add3A_766 : i32 to index
        %get3A_782 = tpu.vector_load %arg18[%get3A_781] {strides = array<i32>} : memref<8192xf32, #tpu.memory_space<vmem>>, vector<16xf32>,
        %get3A_783 = vector.shape_cast %get3A_782 : vector<16xf32> to vector<16xf32>
        %add3A_784 = arith.addf %gather3A_273, %get3A_783 : vector<16xf32>
        %mul3A_785 = arith.constant 2.000000e+00 : f32
        %mul3A_786 = vector.broadcast %mul3A_785 : f32 to vector<16xf32>
        %mul3A_787 = arith.mulf %mul3A_786, %add3A_780 : vector<16xf32>
        %sub3A_788 = arith.subf %add3A_784, %mul3A_787 : vector<16xf32>
        %swap3A_789 = arith.index_cast %add3A_766 : i32 to index
        %swap3A_790 = tpu.vector_load %arg19[%swap3A_789] {strides = array<i32>} : memref<8192xf32, #tpu.memory_space<vmem>>, vector<16xf32>,
        %swap3A_791 = vector.shape_cast %swap3A_790 : vector<16xf32> to vector<16xf32>
        %swap3A_792 = vector.shape_cast %sub3A_788 : vector<16xf32> to vector<16xf32>
        tpu.vector_store %arg19[%swap3A_789], %swap3A_792 {strides = array<i32>} : memref<8192xf32, #tpu.memory_space<vmem>>, vector<16xf32>,
        %min3A_793 = arith.minimumf %min3A_762, %sub3A_788 : vector<16xf32>
        %mul3A_794 = arith.constant 256 : i32
        %mul3A_795 = arith.muli %scan3A_353, %mul3A_794 : i32
        %add3A_796 = arith.constant 224 : i32
        %add3A_797 = arith.addi %mul3A_795, %add3A_796 : i32
        %get3A_798 = arith.index_cast %add3A_797 : i32 to index
        %get3A_799 = tpu.vector_load %arg15[%get3A_798] {strides = array<i32>} : memref<8192xf32, #tpu.memory_space<vmem>>, vector<16xf32>,
        %get3A_800 = vector.shape_cast %get3A_799 : vector<16xf32> to vector<16xf32>
        %get3A_801 = arith.index_cast %add3A_797 : i32 to index
        %get3A_802 = tpu.vector_load %arg16[%get3A_801] {strides = array<i32>} : memref<8192xf32, #tpu.memory_space<vmem>>, vector<16xf32>,
        %get3A_803 = vector.shape_cast %get3A_802 : vector<16xf32> to vector<16xf32>
        %get3A_804 = arith.index_cast %add3A_797 : i32 to index
        %get3A_805 = tpu.vector_load %arg17[%get3A_804] {strides = array<i32>} : memref<8192xf32, #tpu.memory_space<vmem>>, vector<16xf32>,
        %get3A_806 = vector.shape_cast %get3A_805 : vector<16xf32> to vector<16xf32>
        %mul3A_807 = arith.mulf %sub3A_278, %get3A_800 : vector<16xf32>
        %mul3A_808 = arith.mulf %sub3A_283, %get3A_803 : vector<16xf32>
        %add3A_809 = arith.addf %mul3A_807, %mul3A_808 : vector<16xf32>
        %mul3A_810 = arith.mulf %sub3A_288, %get3A_806 : vector<16xf32>
        %add3A_811 = arith.addf %add3A_809, %mul3A_810 : vector<16xf32>
        %get3A_812 = arith.index_cast %add3A_797 : i32 to index
        %get3A_813 = tpu.vector_load %arg18[%get3A_812] {strides = array<i32>} : memref<8192xf32, #tpu.memory_space<vmem>>, vector<16xf32>,
        %get3A_814 = vector.shape_cast %get3A_813 : vector<16xf32> to vector<16xf32>
        %add3A_815 = arith.addf %gather3A_273, %get3A_814 : vector<16xf32>
        %mul3A_816 = arith.constant 2.000000e+00 : f32
        %mul3A_817 = vector.broadcast %mul3A_816 : f32 to vector<16xf32>
        %mul3A_818 = arith.mulf %mul3A_817, %add3A_811 : vector<16xf32>
        %sub3A_819 = arith.subf %add3A_815, %mul3A_818 : vector<16xf32>
        %swap3A_820 = arith.index_cast %add3A_797 : i32 to index
        %swap3A_821 = tpu.vector_load %arg19[%swap3A_820] {strides = array<i32>} : memref<8192xf32, #tpu.memory_space<vmem>>, vector<16xf32>,
        %swap3A_822 = vector.shape_cast %swap3A_821 : vector<16xf32> to vector<16xf32>
        %swap3A_823 = vector.shape_cast %sub3A_819 : vector<16xf32> to vector<16xf32>
        tpu.vector_store %arg19[%swap3A_820], %swap3A_823 {strides = array<i32>} : memref<8192xf32, #tpu.memory_space<vmem>>, vector<16xf32>,
        %min3A_824 = arith.minimumf %min3A_793, %sub3A_819 : vector<16xf32>
        %mul3A_825 = arith.constant 256 : i32
        %mul3A_826 = arith.muli %scan3A_353, %mul3A_825 : i32
        %add3A_827 = arith.constant 240 : i32
        %add3A_828 = arith.addi %mul3A_826, %add3A_827 : i32
        %get3A_829 = arith.index_cast %add3A_828 : i32 to index
        %get3A_830 = tpu.vector_load %arg15[%get3A_829] {strides = array<i32>} : memref<8192xf32, #tpu.memory_space<vmem>>, vector<16xf32>,
        %get3A_831 = vector.shape_cast %get3A_830 : vector<16xf32> to vector<16xf32>
        %get3A_832 = arith.index_cast %add3A_828 : i32 to index
        %get3A_833 = tpu.vector_load %arg16[%get3A_832] {strides = array<i32>} : memref<8192xf32, #tpu.memory_space<vmem>>, vector<16xf32>,
        %get3A_834 = vector.shape_cast %get3A_833 : vector<16xf32> to vector<16xf32>
        %get3A_835 = arith.index_cast %add3A_828 : i32 to index
        %get3A_836 = tpu.vector_load %arg17[%get3A_835] {strides = array<i32>} : memref<8192xf32, #tpu.memory_space<vmem>>, vector<16xf32>,
        %get3A_837 = vector.shape_cast %get3A_836 : vector<16xf32> to vector<16xf32>
        %mul3A_838 = arith.mulf %sub3A_278, %get3A_831 : vector<16xf32>
        %mul3A_839 = arith.mulf %sub3A_283, %get3A_834 : vector<16xf32>
        %add3A_840 = arith.addf %mul3A_838, %mul3A_839 : vector<16xf32>
        %mul3A_841 = arith.mulf %sub3A_288, %get3A_837 : vector<16xf32>
        %add3A_842 = arith.addf %add3A_840, %mul3A_841 : vector<16xf32>
        %get3A_843 = arith.index_cast %add3A_828 : i32 to index
        %get3A_844 = tpu.vector_load %arg18[%get3A_843] {strides = array<i32>} : memref<8192xf32, #tpu.memory_space<vmem>>, vector<16xf32>,
        %get3A_845 = vector.shape_cast %get3A_844 : vector<16xf32> to vector<16xf32>
        %add3A_846 = arith.addf %gather3A_273, %get3A_845 : vector<16xf32>
        %mul3A_847 = arith.constant 2.000000e+00 : f32
        %mul3A_848 = vector.broadcast %mul3A_847 : f32 to vector<16xf32>
        %mul3A_849 = arith.mulf %mul3A_848, %add3A_842 : vector<16xf32>
        %sub3A_850 = arith.subf %add3A_846, %mul3A_849 : vector<16xf32>
        %swap3A_851 = arith.index_cast %add3A_828 : i32 to index
        %swap3A_852 = tpu.vector_load %arg19[%swap3A_851] {strides = array<i32>} : memref<8192xf32, #tpu.memory_space<vmem>>, vector<16xf32>,
        %swap3A_853 = vector.shape_cast %swap3A_852 : vector<16xf32> to vector<16xf32>
        %swap3A_854 = vector.shape_cast %sub3A_850 : vector<16xf32> to vector<16xf32>
        tpu.vector_store %arg19[%swap3A_851], %swap3A_854 {strides = array<i32>} : memref<8192xf32, #tpu.memory_space<vmem>>, vector<16xf32>,
        %min3A_855 = arith.minimumf %min3A_824, %sub3A_850 : vector<16xf32>
        %mul3A_856 = arith.constant 16 : i32
        %mul3A_857 = arith.muli %scan3A_353, %mul3A_856 : i32
        %swap3A_858 = arith.index_cast %mul3A_857 : i32 to index
        %swap3A_859 = tpu.vector_load %arg24[%swap3A_858] {strides = array<i32>} : memref<512xf32, #tpu.memory_space<vmem>>, vector<16xf32>,
        %swap3A_860 = vector.shape_cast %swap3A_859 : vector<16xf32> to vector<16xf32>
        %swap3A_861 = vector.shape_cast %min3A_855 : vector<16xf32> to vector<16xf32>
        tpu.vector_store %arg24[%swap3A_858], %swap3A_861 {strides = array<i32>} : memref<512xf32, #tpu.memory_space<vmem>>, vector<16xf32>,
        %scan3A_862 = arith.constant 0 : i32
        scf.yield %scan3A_862 : i32
      }
      %scan3A_295 = arith.constant 32 : i32
      %convert_element_type3A = arith.sitofp %iota3A : vector<16xi32> to vector<16xf32>
      %mul3A_296 = arith.constant 0.000000e+00 : f32
      %mul3A_297 = vector.broadcast %mul3A_296 : f32 to vector<16xf32>
      %mul3A_298 = arith.mulf %convert_element_type3A, %mul3A_297 : vector<16xf32>
      %mul3A_299 = arith.constant 0 : i32
      %mul3A_300 = vector.broadcast %mul3A_299 : i32 to vector<16xi32>
      %mul3A_301 = arith.muli %iota3A, %mul3A_300 : vector<16xi32>
      %mul3A_302 = arith.constant 0 : i32
      %mul3A_303 = vector.broadcast %mul3A_302 : i32 to vector<16xi32>
      %mul3A_304 = arith.muli %iota3A, %mul3A_303 : vector<16xi32>
      %scan3A_305 = arith.constant 0 : i32
      %scan3A_306 = arith.constant 32 : i32
      %scan3A_307 = arith.addi %scan3A_305, %scan3A_306 : i32
      %scan3A_308 = arith.constant 1 : i32
      %scan3A_309:8 = scf.for %scan3A_353 = %scan3A_305 to %scan3A_307 step %scan3A_308 iter_args(%scan3A_354 = %mul3A_301, %scan3A_355 = %mul3A_304, %scan3A_356 = %mul3A_298, %scan3A_357 = %mul3A_298, %scan3A_358 = %mul3A_298, %scan3A_359 = %mul3A_298, %scan3A_360 = %mul3A_298, %scan3A_361 = %mul3A_298) -> (vector<16xi32>, vector<16xi32>, vector<16xf32>, vector<16xf32>, vector<16xf32>, vector<16xf32>, vector<16xf32>, vector<16xf32>)  : i32 {
        %convert_element_type3A_362 = arith.sitofp %iota3A : vector<16xi32> to vector<16xf32>
        %mul3A_363 = arith.constant 0.000000e+00 : f32
        %mul3A_364 = vector.broadcast %mul3A_363 : f32 to vector<16xf32>
        %mul3A_365 = arith.mulf %convert_element_type3A_362, %mul3A_364 : vector<16xf32>
        %add3A_366 = vector.broadcast %scan3A_46 : f32 to vector<16xf32>
        %add3A_367 = arith.addf %mul3A_365, %add3A_366 : vector<16xf32>
        %mul3A_368 = arith.constant 0 : i32
        %mul3A_369 = vector.broadcast %mul3A_368 : i32 to vector<16xi32>
        %mul3A_370 = arith.muli %iota3A, %mul3A_369 : vector<16xi32>
        %scan3A_371 = arith.constant 0 : i32
        %scan3A_372 = arith.constant 16 : i32
        %scan3A_373 = arith.addi %scan3A_371, %scan3A_372 : i32
        %scan3A_374 = arith.constant 1 : i32
        %scan3A_375:2 = scf.for %scan3A_944 = %scan3A_371 to %scan3A_373 step %scan3A_374 iter_args(%scan3A_945 = %add3A_367, %scan3A_946 = %mul3A_370) -> (vector<16xf32>, vector<16xi32>)  : i32 {
          %mul3A_947 = arith.constant 2 : i32
          %mul3A_948 = arith.muli %scan3A_944, %mul3A_947 : i32
          %add3A_949 = arith.constant 0 : i32
          %add3A_950 = arith.addi %mul3A_948, %add3A_949 : i32
          %mul3A_951 = arith.constant 16 : i32
          %mul3A_952 = arith.muli %add3A_950, %mul3A_951 : i32
          %get3A_953 = arith.index_cast %mul3A_952 : i32 to index
          %get3A_954 = tpu.vector_load %arg24[%get3A_953] {strides = array<i32>} : memref<512xf32, #tpu.memory_space<vmem>>, vector<16xf32>,
          %get3A_955 = vector.shape_cast %get3A_954 : vector<16xf32> to vector<16xf32>
          %lt3A_956 = arith.cmpf olt, %get3A_955, %scan3A_945 : vector<16xf32>
          %select_n3A_957 = arith.select %lt3A_956, %get3A_955, %scan3A_945 : vector<16xi1>, vector<16xf32>
          %mul3A_958 = arith.constant 0 : i32
          %mul3A_959 = vector.broadcast %mul3A_958 : i32 to vector<16xi32>
          %mul3A_960 = arith.muli %iota3A, %mul3A_959 : vector<16xi32>
          %add3A_961 = vector.broadcast %add3A_950 : i32 to vector<16xi32>
          %add3A_962 = arith.addi %mul3A_960, %add3A_961 : vector<16xi32>
          %select_n3A_963 = arith.select %lt3A_956, %add3A_962, %scan3A_946 : vector<16xi1>, vector<16xi32>
          %mul3A_964 = arith.constant 2 : i32
          %mul3A_965 = arith.muli %scan3A_944, %mul3A_964 : i32
          %add3A_966 = arith.constant 1 : i32
          %add3A_967 = arith.addi %mul3A_965, %add3A_966 : i32
          %mul3A_968 = arith.constant 16 : i32
          %mul3A_969 = arith.muli %add3A_967, %mul3A_968 : i32
          %get3A_970 = arith.index_cast %mul3A_969 : i32 to index
          %get3A_971 = tpu.vector_load %arg24[%get3A_970] {strides = array<i32>} : memref<512xf32, #tpu.memory_space<vmem>>, vector<16xf32>,
          %get3A_972 = vector.shape_cast %get3A_971 : vector<16xf32> to vector<16xf32>
          %lt3A_973 = arith.cmpf olt, %get3A_972, %select_n3A_957 : vector<16xf32>
          %select_n3A_974 = arith.select %lt3A_973, %get3A_972, %select_n3A_957 : vector<16xi1>, vector<16xf32>
          %mul3A_975 = arith.constant 0 : i32
          %mul3A_976 = vector.broadcast %mul3A_975 : i32 to vector<16xi32>
          %mul3A_977 = arith.muli %iota3A, %mul3A_976 : vector<16xi32>
          %add3A_978 = vector.broadcast %add3A_967 : i32 to vector<16xi32>
          %add3A_979 = arith.addi %mul3A_977, %add3A_978 : vector<16xi32>
          %select_n3A_980 = arith.select %lt3A_973, %add3A_979, %select_n3A_963 : vector<16xi1>, vector<16xi32>
          scf.yield %select_n3A_974, %select_n3A_980 : vector<16xf32>, vector<16xi32>
        }
        %scan3A_376 = arith.constant 16 : i32
        %xor3A = arith.constant 1 : i32
        %xor3A_377 = vector.broadcast %xor3A : i32 to vector<16xi32>
        %xor3A_378 = arith.xori %iota3A, %xor3A_377 : vector<16xi32>
        %broadcast_in_dim3A_379 = vector.shape_cast %xor3A_378 : vector<16xi32> to vector<16x1xi32>
        %gather3A_380 = vector.shape_cast %broadcast_in_dim3A_379 : vector<16x1xi32> to vector<16xi32>
        %gather3A_381 = tpu.dynamic_gather %scan3A_375#0[%gather3A_380] in [0] : vector<16xf32>, vector<16xi32> -> vector<16xf32>
        %min3A = arith.minimumf %scan3A_375#0, %gather3A_381 : vector<16xf32>
        %xor3A_382 = arith.constant 2 : i32
        %xor3A_383 = vector.broadcast %xor3A_382 : i32 to vector<16xi32>
        %xor3A_384 = arith.xori %iota3A, %xor3A_383 : vector<16xi32>
        %broadcast_in_dim3A_385 = vector.shape_cast %xor3A_384 : vector<16xi32> to vector<16x1xi32>
        %gather3A_386 = vector.shape_cast %broadcast_in_dim3A_385 : vector<16x1xi32> to vector<16xi32>
        %gather3A_387 = tpu.dynamic_gather %min3A[%gather3A_386] in [0] : vector<16xf32>, vector<16xi32> -> vector<16xf32>
        %min3A_388 = arith.minimumf %min3A, %gather3A_387 : vector<16xf32>
        %xor3A_389 = arith.constant 4 : i32
        %xor3A_390 = vector.broadcast %xor3A_389 : i32 to vector<16xi32>
        %xor3A_391 = arith.xori %iota3A, %xor3A_390 : vector<16xi32>
        %broadcast_in_dim3A_392 = vector.shape_cast %xor3A_391 : vector<16xi32> to vector<16x1xi32>
        %gather3A_393 = vector.shape_cast %broadcast_in_dim3A_392 : vector<16x1xi32> to vector<16xi32>
        %gather3A_394 = tpu.dynamic_gather %min3A_388[%gather3A_393] in [0] : vector<16xf32>, vector<16xi32> -> vector<16xf32>
        %min3A_395 = arith.minimumf %min3A_388, %gather3A_394 : vector<16xf32>
        %xor3A_396 = arith.constant 8 : i32
        %xor3A_397 = vector.broadcast %xor3A_396 : i32 to vector<16xi32>
        %xor3A_398 = arith.xori %iota3A, %xor3A_397 : vector<16xi32>
        %broadcast_in_dim3A_399 = vector.shape_cast %xor3A_398 : vector<16xi32> to vector<16x1xi32>
        %gather3A_400 = vector.shape_cast %broadcast_in_dim3A_399 : vector<16x1xi32> to vector<16xi32>
        %gather3A_401 = tpu.dynamic_gather %min3A_395[%gather3A_400] in [0] : vector<16xf32>, vector<16xi32> -> vector<16xf32>
        %min3A_402 = arith.minimumf %min3A_395, %gather3A_401 : vector<16xf32>
        %eq3A_403 = arith.cmpf oeq, %scan3A_375#0, %min3A_402 : vector<16xf32>
        %mul3A_404 = arith.constant 16 : i32
        %mul3A_405 = vector.broadcast %mul3A_404 : i32 to vector<16xi32>
        %mul3A_406 = arith.muli %scan3A_375#1, %mul3A_405 : vector<16xi32>
        %add3A_407 = arith.addi %mul3A_406, %iota3A : vector<16xi32>
        %broadcast_in_dim3A_408 = vector.broadcast %scan3A_47 : i32 to vector<16xi32>
        %select_n3A_409 = arith.select %eq3A_403, %add3A_407, %broadcast_in_dim3A_408 : vector<16xi1>, vector<16xi32>
        %xor3A_410 = arith.constant 1 : i32
        %xor3A_411 = vector.broadcast %xor3A_410 : i32 to vector<16xi32>
        %xor3A_412 = arith.xori %iota3A, %xor3A_411 : vector<16xi32>
        %broadcast_in_dim3A_413 = vector.shape_cast %xor3A_412 : vector<16xi32> to vector<16x1xi32>
        %gather3A_414 = vector.shape_cast %broadcast_in_dim3A_413 : vector<16x1xi32> to vector<16xi32>
        %gather3A_415 = tpu.dynamic_gather %select_n3A_409[%gather3A_414] in [0] : vector<16xi32>, vector<16xi32> -> vector<16xi32>
        %min3A_416 = arith.minsi %select_n3A_409, %gather3A_415 : vector<16xi32>
        %xor3A_417 = arith.constant 2 : i32
        %xor3A_418 = vector.broadcast %xor3A_417 : i32 to vector<16xi32>
        %xor3A_419 = arith.xori %iota3A, %xor3A_418 : vector<16xi32>
        %broadcast_in_dim3A_420 = vector.shape_cast %xor3A_419 : vector<16xi32> to vector<16x1xi32>
        %gather3A_421 = vector.shape_cast %broadcast_in_dim3A_420 : vector<16x1xi32> to vector<16xi32>
        %gather3A_422 = tpu.dynamic_gather %min3A_416[%gather3A_421] in [0] : vector<16xi32>, vector<16xi32> -> vector<16xi32>
        %min3A_423 = arith.minsi %min3A_416, %gather3A_422 : vector<16xi32>
        %xor3A_424 = arith.constant 4 : i32
        %xor3A_425 = vector.broadcast %xor3A_424 : i32 to vector<16xi32>
        %xor3A_426 = arith.xori %iota3A, %xor3A_425 : vector<16xi32>
        %broadcast_in_dim3A_427 = vector.shape_cast %xor3A_426 : vector<16xi32> to vector<16x1xi32>
        %gather3A_428 = vector.shape_cast %broadcast_in_dim3A_427 : vector<16x1xi32> to vector<16xi32>
        %gather3A_429 = tpu.dynamic_gather %min3A_423[%gather3A_428] in [0] : vector<16xi32>, vector<16xi32> -> vector<16xi32>
        %min3A_430 = arith.minsi %min3A_423, %gather3A_429 : vector<16xi32>
        %xor3A_431 = arith.constant 8 : i32
        %xor3A_432 = vector.broadcast %xor3A_431 : i32 to vector<16xi32>
        %xor3A_433 = arith.xori %iota3A, %xor3A_432 : vector<16xi32>
        %broadcast_in_dim3A_434 = vector.shape_cast %xor3A_433 : vector<16xi32> to vector<16x1xi32>
        %gather3A_435 = vector.shape_cast %broadcast_in_dim3A_434 : vector<16x1xi32> to vector<16xi32>
        %gather3A_436 = tpu.dynamic_gather %min3A_430[%gather3A_435] in [0] : vector<16xi32>, vector<16xi32> -> vector<16xi32>
        %min3A_437 = arith.minsi %min3A_430, %gather3A_436 : vector<16xi32>
        %slice3A = vector.extract_strided_slice %min3A_437 {offsets = [0], sizes = [1], strides = [1]} : vector<16xi32> to vector<1xi32>
        %squeeze3A = vector.extract %slice3A[0] : i32 from vector<1xi32>
        %shift_right_arithmetic3A = arith.constant 4 : i32
        %shift_right_arithmetic3A_438 = arith.shrsi %squeeze3A, %shift_right_arithmetic3A : i32
        %mul3A_439 = arith.constant 0 : i32
        %mul3A_440 = vector.broadcast %mul3A_439 : i32 to vector<16xi32>
        %mul3A_441 = arith.muli %iota3A, %mul3A_440 : vector<16xi32>
        %add3A_442 = vector.broadcast %scan3A_47 : i32 to vector<16xi32>
        %add3A_443 = arith.addi %mul3A_441, %add3A_442 : vector<16xi32>
        %convert_element_type3A_444 = arith.sitofp %iota3A : vector<16xi32> to vector<16xf32>
        %mul3A_445 = arith.constant 0.000000e+00 : f32
        %mul3A_446 = vector.broadcast %mul3A_445 : f32 to vector<16xf32>
        %mul3A_447 = arith.mulf %convert_element_type3A_444, %mul3A_446 : vector<16xf32>
        %add3A_448 = vector.broadcast %scan3A_46 : f32 to vector<16xf32>
        %add3A_449 = arith.addf %mul3A_447, %add3A_448 : vector<16xf32>
        %mul3A_450 = arith.constant 256 : i32
        %mul3A_451 = arith.muli %shift_right_arithmetic3A_438, %mul3A_450 : i32
        %add3A_452 = arith.constant 0 : i32
        %add3A_453 = arith.addi %mul3A_451, %add3A_452 : i32
        %get3A_454 = arith.index_cast %add3A_453 : i32 to index
        %get3A_455 = tpu.vector_load %arg19[%get3A_454] {strides = array<i32>} : memref<8192xf32, #tpu.memory_space<vmem>>, vector<16xf32>,
        %get3A_456 = vector.shape_cast %get3A_455 : vector<16xf32> to vector<16xf32>
        %eq3A_457 = arith.cmpf oeq, %get3A_456, %min3A_402 : vector<16xf32>
        %mul3A_458 = arith.constant 16 : i32
        %mul3A_459 = arith.muli %shift_right_arithmetic3A_438, %mul3A_458 : i32
        %add3A_460 = arith.constant 0 : i32
        %add3A_461 = arith.addi %mul3A_459, %add3A_460 : i32
        %mul3A_462 = arith.constant 16 : i32
        %mul3A_463 = arith.muli %add3A_461, %mul3A_462 : i32
        %add3A_464 = vector.broadcast %mul3A_463 : i32 to vector<16xi32>
        %add3A_465 = arith.addi %add3A_464, %iota3A : vector<16xi32>
        %broadcast_in_dim3A_466 = vector.broadcast %scan3A_47 : i32 to vector<16xi32>
        %select_n3A_467 = arith.select %eq3A_457, %add3A_465, %broadcast_in_dim3A_466 : vector<16xi1>, vector<16xi32>
        %min3A_468 = arith.minsi %add3A_443, %select_n3A_467 : vector<16xi32>
        %broadcast_in_dim3A_469 = vector.broadcast %scan3A_46 : f32 to vector<16xf32>
        %select_n3A_470 = arith.select %eq3A_457, %broadcast_in_dim3A_469, %get3A_456 : vector<16xi1>, vector<16xf32>
        %swap3A_471 = arith.index_cast %add3A_453 : i32 to index
        %swap3A_472 = tpu.vector_load %arg19[%swap3A_471] {strides = array<i32>} : memref<8192xf32, #tpu.memory_space<vmem>>, vector<16xf32>,
        %swap3A_473 = vector.shape_cast %swap3A_472 : vector<16xf32> to vector<16xf32>
        %swap3A_474 = vector.shape_cast %select_n3A_470 : vector<16xf32> to vector<16xf32>
        tpu.vector_store %arg19[%swap3A_471], %swap3A_474 {strides = array<i32>} : memref<8192xf32, #tpu.memory_space<vmem>>, vector<16xf32>,
        %min3A_475 = arith.minimumf %add3A_449, %select_n3A_470 : vector<16xf32>
        %mul3A_476 = arith.constant 256 : i32
        %mul3A_477 = arith.muli %shift_right_arithmetic3A_438, %mul3A_476 : i32
        %add3A_478 = arith.constant 16 : i32
        %add3A_479 = arith.addi %mul3A_477, %add3A_478 : i32
        %get3A_480 = arith.index_cast %add3A_479 : i32 to index
        %get3A_481 = tpu.vector_load %arg19[%get3A_480] {strides = array<i32>} : memref<8192xf32, #tpu.memory_space<vmem>>, vector<16xf32>,
        %get3A_482 = vector.shape_cast %get3A_481 : vector<16xf32> to vector<16xf32>
        %eq3A_483 = arith.cmpf oeq, %get3A_482, %min3A_402 : vector<16xf32>
        %mul3A_484 = arith.constant 16 : i32
        %mul3A_485 = arith.muli %shift_right_arithmetic3A_438, %mul3A_484 : i32
        %add3A_486 = arith.constant 1 : i32
        %add3A_487 = arith.addi %mul3A_485, %add3A_486 : i32
        %mul3A_488 = arith.constant 16 : i32
        %mul3A_489 = arith.muli %add3A_487, %mul3A_488 : i32
        %add3A_490 = vector.broadcast %mul3A_489 : i32 to vector<16xi32>
        %add3A_491 = arith.addi %add3A_490, %iota3A : vector<16xi32>
        %broadcast_in_dim3A_492 = vector.broadcast %scan3A_47 : i32 to vector<16xi32>
        %select_n3A_493 = arith.select %eq3A_483, %add3A_491, %broadcast_in_dim3A_492 : vector<16xi1>, vector<16xi32>
        %min3A_494 = arith.minsi %min3A_468, %select_n3A_493 : vector<16xi32>
        %broadcast_in_dim3A_495 = vector.broadcast %scan3A_46 : f32 to vector<16xf32>
        %select_n3A_496 = arith.select %eq3A_483, %broadcast_in_dim3A_495, %get3A_482 : vector<16xi1>, vector<16xf32>
        %swap3A_497 = arith.index_cast %add3A_479 : i32 to index
        %swap3A_498 = tpu.vector_load %arg19[%swap3A_497] {strides = array<i32>} : memref<8192xf32, #tpu.memory_space<vmem>>, vector<16xf32>,
        %swap3A_499 = vector.shape_cast %swap3A_498 : vector<16xf32> to vector<16xf32>
        %swap3A_500 = vector.shape_cast %select_n3A_496 : vector<16xf32> to vector<16xf32>
        tpu.vector_store %arg19[%swap3A_497], %swap3A_500 {strides = array<i32>} : memref<8192xf32, #tpu.memory_space<vmem>>, vector<16xf32>,
        %min3A_501 = arith.minimumf %min3A_475, %select_n3A_496 : vector<16xf32>
        %mul3A_502 = arith.constant 256 : i32
        %mul3A_503 = arith.muli %shift_right_arithmetic3A_438, %mul3A_502 : i32
        %add3A_504 = arith.constant 32 : i32
        %add3A_505 = arith.addi %mul3A_503, %add3A_504 : i32
        %get3A_506 = arith.index_cast %add3A_505 : i32 to index
        %get3A_507 = tpu.vector_load %arg19[%get3A_506] {strides = array<i32>} : memref<8192xf32, #tpu.memory_space<vmem>>, vector<16xf32>,
        %get3A_508 = vector.shape_cast %get3A_507 : vector<16xf32> to vector<16xf32>
        %eq3A_509 = arith.cmpf oeq, %get3A_508, %min3A_402 : vector<16xf32>
        %mul3A_510 = arith.constant 16 : i32
        %mul3A_511 = arith.muli %shift_right_arithmetic3A_438, %mul3A_510 : i32
        %add3A_512 = arith.constant 2 : i32
        %add3A_513 = arith.addi %mul3A_511, %add3A_512 : i32
        %mul3A_514 = arith.constant 16 : i32
        %mul3A_515 = arith.muli %add3A_513, %mul3A_514 : i32
        %add3A_516 = vector.broadcast %mul3A_515 : i32 to vector<16xi32>
        %add3A_517 = arith.addi %add3A_516, %iota3A : vector<16xi32>
        %broadcast_in_dim3A_518 = vector.broadcast %scan3A_47 : i32 to vector<16xi32>
        %select_n3A_519 = arith.select %eq3A_509, %add3A_517, %broadcast_in_dim3A_518 : vector<16xi1>, vector<16xi32>
        %min3A_520 = arith.minsi %min3A_494, %select_n3A_519 : vector<16xi32>
        %broadcast_in_dim3A_521 = vector.broadcast %scan3A_46 : f32 to vector<16xf32>
        %select_n3A_522 = arith.select %eq3A_509, %broadcast_in_dim3A_521, %get3A_508 : vector<16xi1>, vector<16xf32>
        %swap3A_523 = arith.index_cast %add3A_505 : i32 to index
        %swap3A_524 = tpu.vector_load %arg19[%swap3A_523] {strides = array<i32>} : memref<8192xf32, #tpu.memory_space<vmem>>, vector<16xf32>,
        %swap3A_525 = vector.shape_cast %swap3A_524 : vector<16xf32> to vector<16xf32>
        %swap3A_526 = vector.shape_cast %select_n3A_522 : vector<16xf32> to vector<16xf32>
        tpu.vector_store %arg19[%swap3A_523], %swap3A_526 {strides = array<i32>} : memref<8192xf32, #tpu.memory_space<vmem>>, vector<16xf32>,
        %min3A_527 = arith.minimumf %min3A_501, %select_n3A_522 : vector<16xf32>
        %mul3A_528 = arith.constant 256 : i32
        %mul3A_529 = arith.muli %shift_right_arithmetic3A_438, %mul3A_528 : i32
        %add3A_530 = arith.constant 48 : i32
        %add3A_531 = arith.addi %mul3A_529, %add3A_530 : i32
        %get3A_532 = arith.index_cast %add3A_531 : i32 to index
        %get3A_533 = tpu.vector_load %arg19[%get3A_532] {strides = array<i32>} : memref<8192xf32, #tpu.memory_space<vmem>>, vector<16xf32>,
        %get3A_534 = vector.shape_cast %get3A_533 : vector<16xf32> to vector<16xf32>
        %eq3A_535 = arith.cmpf oeq, %get3A_534, %min3A_402 : vector<16xf32>
        %mul3A_536 = arith.constant 16 : i32
        %mul3A_537 = arith.muli %shift_right_arithmetic3A_438, %mul3A_536 : i32
        %add3A_538 = arith.constant 3 : i32
        %add3A_539 = arith.addi %mul3A_537, %add3A_538 : i32
        %mul3A_540 = arith.constant 16 : i32
        %mul3A_541 = arith.muli %add3A_539, %mul3A_540 : i32
        %add3A_542 = vector.broadcast %mul3A_541 : i32 to vector<16xi32>
        %add3A_543 = arith.addi %add3A_542, %iota3A : vector<16xi32>
        %broadcast_in_dim3A_544 = vector.broadcast %scan3A_47 : i32 to vector<16xi32>
        %select_n3A_545 = arith.select %eq3A_535, %add3A_543, %broadcast_in_dim3A_544 : vector<16xi1>, vector<16xi32>
        %min3A_546 = arith.minsi %min3A_520, %select_n3A_545 : vector<16xi32>
        %broadcast_in_dim3A_547 = vector.broadcast %scan3A_46 : f32 to vector<16xf32>
        %select_n3A_548 = arith.select %eq3A_535, %broadcast_in_dim3A_547, %get3A_534 : vector<16xi1>, vector<16xf32>
        %swap3A_549 = arith.index_cast %add3A_531 : i32 to index
        %swap3A_550 = tpu.vector_load %arg19[%swap3A_549] {strides = array<i32>} : memref<8192xf32, #tpu.memory_space<vmem>>, vector<16xf32>,
        %swap3A_551 = vector.shape_cast %swap3A_550 : vector<16xf32> to vector<16xf32>
        %swap3A_552 = vector.shape_cast %select_n3A_548 : vector<16xf32> to vector<16xf32>
        tpu.vector_store %arg19[%swap3A_549], %swap3A_552 {strides = array<i32>} : memref<8192xf32, #tpu.memory_space<vmem>>, vector<16xf32>,
        %min3A_553 = arith.minimumf %min3A_527, %select_n3A_548 : vector<16xf32>
        %mul3A_554 = arith.constant 256 : i32
        %mul3A_555 = arith.muli %shift_right_arithmetic3A_438, %mul3A_554 : i32
        %add3A_556 = arith.constant 64 : i32
        %add3A_557 = arith.addi %mul3A_555, %add3A_556 : i32
        %get3A_558 = arith.index_cast %add3A_557 : i32 to index
        %get3A_559 = tpu.vector_load %arg19[%get3A_558] {strides = array<i32>} : memref<8192xf32, #tpu.memory_space<vmem>>, vector<16xf32>,
        %get3A_560 = vector.shape_cast %get3A_559 : vector<16xf32> to vector<16xf32>
        %eq3A_561 = arith.cmpf oeq, %get3A_560, %min3A_402 : vector<16xf32>
        %mul3A_562 = arith.constant 16 : i32
        %mul3A_563 = arith.muli %shift_right_arithmetic3A_438, %mul3A_562 : i32
        %add3A_564 = arith.constant 4 : i32
        %add3A_565 = arith.addi %mul3A_563, %add3A_564 : i32
        %mul3A_566 = arith.constant 16 : i32
        %mul3A_567 = arith.muli %add3A_565, %mul3A_566 : i32
        %add3A_568 = vector.broadcast %mul3A_567 : i32 to vector<16xi32>
        %add3A_569 = arith.addi %add3A_568, %iota3A : vector<16xi32>
        %broadcast_in_dim3A_570 = vector.broadcast %scan3A_47 : i32 to vector<16xi32>
        %select_n3A_571 = arith.select %eq3A_561, %add3A_569, %broadcast_in_dim3A_570 : vector<16xi1>, vector<16xi32>
        %min3A_572 = arith.minsi %min3A_546, %select_n3A_571 : vector<16xi32>
        %broadcast_in_dim3A_573 = vector.broadcast %scan3A_46 : f32 to vector<16xf32>
        %select_n3A_574 = arith.select %eq3A_561, %broadcast_in_dim3A_573, %get3A_560 : vector<16xi1>, vector<16xf32>
        %swap3A_575 = arith.index_cast %add3A_557 : i32 to index
        %swap3A_576 = tpu.vector_load %arg19[%swap3A_575] {strides = array<i32>} : memref<8192xf32, #tpu.memory_space<vmem>>, vector<16xf32>,
        %swap3A_577 = vector.shape_cast %swap3A_576 : vector<16xf32> to vector<16xf32>
        %swap3A_578 = vector.shape_cast %select_n3A_574 : vector<16xf32> to vector<16xf32>
        tpu.vector_store %arg19[%swap3A_575], %swap3A_578 {strides = array<i32>} : memref<8192xf32, #tpu.memory_space<vmem>>, vector<16xf32>,
        %min3A_579 = arith.minimumf %min3A_553, %select_n3A_574 : vector<16xf32>
        %mul3A_580 = arith.constant 256 : i32
        %mul3A_581 = arith.muli %shift_right_arithmetic3A_438, %mul3A_580 : i32
        %add3A_582 = arith.constant 80 : i32
        %add3A_583 = arith.addi %mul3A_581, %add3A_582 : i32
        %get3A_584 = arith.index_cast %add3A_583 : i32 to index
        %get3A_585 = tpu.vector_load %arg19[%get3A_584] {strides = array<i32>} : memref<8192xf32, #tpu.memory_space<vmem>>, vector<16xf32>,
        %get3A_586 = vector.shape_cast %get3A_585 : vector<16xf32> to vector<16xf32>
        %eq3A_587 = arith.cmpf oeq, %get3A_586, %min3A_402 : vector<16xf32>
        %mul3A_588 = arith.constant 16 : i32
        %mul3A_589 = arith.muli %shift_right_arithmetic3A_438, %mul3A_588 : i32
        %add3A_590 = arith.constant 5 : i32
        %add3A_591 = arith.addi %mul3A_589, %add3A_590 : i32
        %mul3A_592 = arith.constant 16 : i32
        %mul3A_593 = arith.muli %add3A_591, %mul3A_592 : i32
        %add3A_594 = vector.broadcast %mul3A_593 : i32 to vector<16xi32>
        %add3A_595 = arith.addi %add3A_594, %iota3A : vector<16xi32>
        %broadcast_in_dim3A_596 = vector.broadcast %scan3A_47 : i32 to vector<16xi32>
        %select_n3A_597 = arith.select %eq3A_587, %add3A_595, %broadcast_in_dim3A_596 : vector<16xi1>, vector<16xi32>
        %min3A_598 = arith.minsi %min3A_572, %select_n3A_597 : vector<16xi32>
        %broadcast_in_dim3A_599 = vector.broadcast %scan3A_46 : f32 to vector<16xf32>
        %select_n3A_600 = arith.select %eq3A_587, %broadcast_in_dim3A_599, %get3A_586 : vector<16xi1>, vector<16xf32>
        %swap3A_601 = arith.index_cast %add3A_583 : i32 to index
        %swap3A_602 = tpu.vector_load %arg19[%swap3A_601] {strides = array<i32>} : memref<8192xf32, #tpu.memory_space<vmem>>, vector<16xf32>,
        %swap3A_603 = vector.shape_cast %swap3A_602 : vector<16xf32> to vector<16xf32>
        %swap3A_604 = vector.shape_cast %select_n3A_600 : vector<16xf32> to vector<16xf32>
        tpu.vector_store %arg19[%swap3A_601], %swap3A_604 {strides = array<i32>} : memref<8192xf32, #tpu.memory_space<vmem>>, vector<16xf32>,
        %min3A_605 = arith.minimumf %min3A_579, %select_n3A_600 : vector<16xf32>
        %mul3A_606 = arith.constant 256 : i32
        %mul3A_607 = arith.muli %shift_right_arithmetic3A_438, %mul3A_606 : i32
        %add3A_608 = arith.constant 96 : i32
        %add3A_609 = arith.addi %mul3A_607, %add3A_608 : i32
        %get3A_610 = arith.index_cast %add3A_609 : i32 to index
        %get3A_611 = tpu.vector_load %arg19[%get3A_610] {strides = array<i32>} : memref<8192xf32, #tpu.memory_space<vmem>>, vector<16xf32>,
        %get3A_612 = vector.shape_cast %get3A_611 : vector<16xf32> to vector<16xf32>
        %eq3A_613 = arith.cmpf oeq, %get3A_612, %min3A_402 : vector<16xf32>
        %mul3A_614 = arith.constant 16 : i32
        %mul3A_615 = arith.muli %shift_right_arithmetic3A_438, %mul3A_614 : i32
        %add3A_616 = arith.constant 6 : i32
        %add3A_617 = arith.addi %mul3A_615, %add3A_616 : i32
        %mul3A_618 = arith.constant 16 : i32
        %mul3A_619 = arith.muli %add3A_617, %mul3A_618 : i32
        %add3A_620 = vector.broadcast %mul3A_619 : i32 to vector<16xi32>
        %add3A_621 = arith.addi %add3A_620, %iota3A : vector<16xi32>
        %broadcast_in_dim3A_622 = vector.broadcast %scan3A_47 : i32 to vector<16xi32>
        %select_n3A_623 = arith.select %eq3A_613, %add3A_621, %broadcast_in_dim3A_622 : vector<16xi1>, vector<16xi32>
        %min3A_624 = arith.minsi %min3A_598, %select_n3A_623 : vector<16xi32>
        %broadcast_in_dim3A_625 = vector.broadcast %scan3A_46 : f32 to vector<16xf32>
        %select_n3A_626 = arith.select %eq3A_613, %broadcast_in_dim3A_625, %get3A_612 : vector<16xi1>, vector<16xf32>
        %swap3A_627 = arith.index_cast %add3A_609 : i32 to index
        %swap3A_628 = tpu.vector_load %arg19[%swap3A_627] {strides = array<i32>} : memref<8192xf32, #tpu.memory_space<vmem>>, vector<16xf32>,
        %swap3A_629 = vector.shape_cast %swap3A_628 : vector<16xf32> to vector<16xf32>
        %swap3A_630 = vector.shape_cast %select_n3A_626 : vector<16xf32> to vector<16xf32>
        tpu.vector_store %arg19[%swap3A_627], %swap3A_630 {strides = array<i32>} : memref<8192xf32, #tpu.memory_space<vmem>>, vector<16xf32>,
        %min3A_631 = arith.minimumf %min3A_605, %select_n3A_626 : vector<16xf32>
        %mul3A_632 = arith.constant 256 : i32
        %mul3A_633 = arith.muli %shift_right_arithmetic3A_438, %mul3A_632 : i32
        %add3A_634 = arith.constant 112 : i32
        %add3A_635 = arith.addi %mul3A_633, %add3A_634 : i32
        %get3A_636 = arith.index_cast %add3A_635 : i32 to index
        %get3A_637 = tpu.vector_load %arg19[%get3A_636] {strides = array<i32>} : memref<8192xf32, #tpu.memory_space<vmem>>, vector<16xf32>,
        %get3A_638 = vector.shape_cast %get3A_637 : vector<16xf32> to vector<16xf32>
        %eq3A_639 = arith.cmpf oeq, %get3A_638, %min3A_402 : vector<16xf32>
        %mul3A_640 = arith.constant 16 : i32
        %mul3A_641 = arith.muli %shift_right_arithmetic3A_438, %mul3A_640 : i32
        %add3A_642 = arith.constant 7 : i32
        %add3A_643 = arith.addi %mul3A_641, %add3A_642 : i32
        %mul3A_644 = arith.constant 16 : i32
        %mul3A_645 = arith.muli %add3A_643, %mul3A_644 : i32
        %add3A_646 = vector.broadcast %mul3A_645 : i32 to vector<16xi32>
        %add3A_647 = arith.addi %add3A_646, %iota3A : vector<16xi32>
        %broadcast_in_dim3A_648 = vector.broadcast %scan3A_47 : i32 to vector<16xi32>
        %select_n3A_649 = arith.select %eq3A_639, %add3A_647, %broadcast_in_dim3A_648 : vector<16xi1>, vector<16xi32>
        %min3A_650 = arith.minsi %min3A_624, %select_n3A_649 : vector<16xi32>
        %broadcast_in_dim3A_651 = vector.broadcast %scan3A_46 : f32 to vector<16xf32>
        %select_n3A_652 = arith.select %eq3A_639, %broadcast_in_dim3A_651, %get3A_638 : vector<16xi1>, vector<16xf32>
        %swap3A_653 = arith.index_cast %add3A_635 : i32 to index
        %swap3A_654 = tpu.vector_load %arg19[%swap3A_653] {strides = array<i32>} : memref<8192xf32, #tpu.memory_space<vmem>>, vector<16xf32>,
        %swap3A_655 = vector.shape_cast %swap3A_654 : vector<16xf32> to vector<16xf32>
        %swap3A_656 = vector.shape_cast %select_n3A_652 : vector<16xf32> to vector<16xf32>
        tpu.vector_store %arg19[%swap3A_653], %swap3A_656 {strides = array<i32>} : memref<8192xf32, #tpu.memory_space<vmem>>, vector<16xf32>,
        %min3A_657 = arith.minimumf %min3A_631, %select_n3A_652 : vector<16xf32>
        %mul3A_658 = arith.constant 256 : i32
        %mul3A_659 = arith.muli %shift_right_arithmetic3A_438, %mul3A_658 : i32
        %add3A_660 = arith.constant 128 : i32
        %add3A_661 = arith.addi %mul3A_659, %add3A_660 : i32
        %get3A_662 = arith.index_cast %add3A_661 : i32 to index
        %get3A_663 = tpu.vector_load %arg19[%get3A_662] {strides = array<i32>} : memref<8192xf32, #tpu.memory_space<vmem>>, vector<16xf32>,
        %get3A_664 = vector.shape_cast %get3A_663 : vector<16xf32> to vector<16xf32>
        %eq3A_665 = arith.cmpf oeq, %get3A_664, %min3A_402 : vector<16xf32>
        %mul3A_666 = arith.constant 16 : i32
        %mul3A_667 = arith.muli %shift_right_arithmetic3A_438, %mul3A_666 : i32
        %add3A_668 = arith.constant 8 : i32
        %add3A_669 = arith.addi %mul3A_667, %add3A_668 : i32
        %mul3A_670 = arith.constant 16 : i32
        %mul3A_671 = arith.muli %add3A_669, %mul3A_670 : i32
        %add3A_672 = vector.broadcast %mul3A_671 : i32 to vector<16xi32>
        %add3A_673 = arith.addi %add3A_672, %iota3A : vector<16xi32>
        %broadcast_in_dim3A_674 = vector.broadcast %scan3A_47 : i32 to vector<16xi32>
        %select_n3A_675 = arith.select %eq3A_665, %add3A_673, %broadcast_in_dim3A_674 : vector<16xi1>, vector<16xi32>
        %min3A_676 = arith.minsi %min3A_650, %select_n3A_675 : vector<16xi32>
        %broadcast_in_dim3A_677 = vector.broadcast %scan3A_46 : f32 to vector<16xf32>
        %select_n3A_678 = arith.select %eq3A_665, %broadcast_in_dim3A_677, %get3A_664 : vector<16xi1>, vector<16xf32>
        %swap3A_679 = arith.index_cast %add3A_661 : i32 to index
        %swap3A_680 = tpu.vector_load %arg19[%swap3A_679] {strides = array<i32>} : memref<8192xf32, #tpu.memory_space<vmem>>, vector<16xf32>,
        %swap3A_681 = vector.shape_cast %swap3A_680 : vector<16xf32> to vector<16xf32>
        %swap3A_682 = vector.shape_cast %select_n3A_678 : vector<16xf32> to vector<16xf32>
        tpu.vector_store %arg19[%swap3A_679], %swap3A_682 {strides = array<i32>} : memref<8192xf32, #tpu.memory_space<vmem>>, vector<16xf32>,
        %min3A_683 = arith.minimumf %min3A_657, %select_n3A_678 : vector<16xf32>
        %mul3A_684 = arith.constant 256 : i32
        %mul3A_685 = arith.muli %shift_right_arithmetic3A_438, %mul3A_684 : i32
        %add3A_686 = arith.constant 144 : i32
        %add3A_687 = arith.addi %mul3A_685, %add3A_686 : i32
        %get3A_688 = arith.index_cast %add3A_687 : i32 to index
        %get3A_689 = tpu.vector_load %arg19[%get3A_688] {strides = array<i32>} : memref<8192xf32, #tpu.memory_space<vmem>>, vector<16xf32>,
        %get3A_690 = vector.shape_cast %get3A_689 : vector<16xf32> to vector<16xf32>
        %eq3A_691 = arith.cmpf oeq, %get3A_690, %min3A_402 : vector<16xf32>
        %mul3A_692 = arith.constant 16 : i32
        %mul3A_693 = arith.muli %shift_right_arithmetic3A_438, %mul3A_692 : i32
        %add3A_694 = arith.constant 9 : i32
        %add3A_695 = arith.addi %mul3A_693, %add3A_694 : i32
        %mul3A_696 = arith.constant 16 : i32
        %mul3A_697 = arith.muli %add3A_695, %mul3A_696 : i32
        %add3A_698 = vector.broadcast %mul3A_697 : i32 to vector<16xi32>
        %add3A_699 = arith.addi %add3A_698, %iota3A : vector<16xi32>
        %broadcast_in_dim3A_700 = vector.broadcast %scan3A_47 : i32 to vector<16xi32>
        %select_n3A_701 = arith.select %eq3A_691, %add3A_699, %broadcast_in_dim3A_700 : vector<16xi1>, vector<16xi32>
        %min3A_702 = arith.minsi %min3A_676, %select_n3A_701 : vector<16xi32>
        %broadcast_in_dim3A_703 = vector.broadcast %scan3A_46 : f32 to vector<16xf32>
        %select_n3A_704 = arith.select %eq3A_691, %broadcast_in_dim3A_703, %get3A_690 : vector<16xi1>, vector<16xf32>
        %swap3A_705 = arith.index_cast %add3A_687 : i32 to index
        %swap3A_706 = tpu.vector_load %arg19[%swap3A_705] {strides = array<i32>} : memref<8192xf32, #tpu.memory_space<vmem>>, vector<16xf32>,
        %swap3A_707 = vector.shape_cast %swap3A_706 : vector<16xf32> to vector<16xf32>
        %swap3A_708 = vector.shape_cast %select_n3A_704 : vector<16xf32> to vector<16xf32>
        tpu.vector_store %arg19[%swap3A_705], %swap3A_708 {strides = array<i32>} : memref<8192xf32, #tpu.memory_space<vmem>>, vector<16xf32>,
        %min3A_709 = arith.minimumf %min3A_683, %select_n3A_704 : vector<16xf32>
        %mul3A_710 = arith.constant 256 : i32
        %mul3A_711 = arith.muli %shift_right_arithmetic3A_438, %mul3A_710 : i32
        %add3A_712 = arith.constant 160 : i32
        %add3A_713 = arith.addi %mul3A_711, %add3A_712 : i32
        %get3A_714 = arith.index_cast %add3A_713 : i32 to index
        %get3A_715 = tpu.vector_load %arg19[%get3A_714] {strides = array<i32>} : memref<8192xf32, #tpu.memory_space<vmem>>, vector<16xf32>,
        %get3A_716 = vector.shape_cast %get3A_715 : vector<16xf32> to vector<16xf32>
        %eq3A_717 = arith.cmpf oeq, %get3A_716, %min3A_402 : vector<16xf32>
        %mul3A_718 = arith.constant 16 : i32
        %mul3A_719 = arith.muli %shift_right_arithmetic3A_438, %mul3A_718 : i32
        %add3A_720 = arith.constant 10 : i32
        %add3A_721 = arith.addi %mul3A_719, %add3A_720 : i32
        %mul3A_722 = arith.constant 16 : i32
        %mul3A_723 = arith.muli %add3A_721, %mul3A_722 : i32
        %add3A_724 = vector.broadcast %mul3A_723 : i32 to vector<16xi32>
        %add3A_725 = arith.addi %add3A_724, %iota3A : vector<16xi32>
        %broadcast_in_dim3A_726 = vector.broadcast %scan3A_47 : i32 to vector<16xi32>
        %select_n3A_727 = arith.select %eq3A_717, %add3A_725, %broadcast_in_dim3A_726 : vector<16xi1>, vector<16xi32>
        %min3A_728 = arith.minsi %min3A_702, %select_n3A_727 : vector<16xi32>
        %broadcast_in_dim3A_729 = vector.broadcast %scan3A_46 : f32 to vector<16xf32>
        %select_n3A_730 = arith.select %eq3A_717, %broadcast_in_dim3A_729, %get3A_716 : vector<16xi1>, vector<16xf32>
        %swap3A_731 = arith.index_cast %add3A_713 : i32 to index
        %swap3A_732 = tpu.vector_load %arg19[%swap3A_731] {strides = array<i32>} : memref<8192xf32, #tpu.memory_space<vmem>>, vector<16xf32>,
        %swap3A_733 = vector.shape_cast %swap3A_732 : vector<16xf32> to vector<16xf32>
        %swap3A_734 = vector.shape_cast %select_n3A_730 : vector<16xf32> to vector<16xf32>
        tpu.vector_store %arg19[%swap3A_731], %swap3A_734 {strides = array<i32>} : memref<8192xf32, #tpu.memory_space<vmem>>, vector<16xf32>,
        %min3A_735 = arith.minimumf %min3A_709, %select_n3A_730 : vector<16xf32>
        %mul3A_736 = arith.constant 256 : i32
        %mul3A_737 = arith.muli %shift_right_arithmetic3A_438, %mul3A_736 : i32
        %add3A_738 = arith.constant 176 : i32
        %add3A_739 = arith.addi %mul3A_737, %add3A_738 : i32
        %get3A_740 = arith.index_cast %add3A_739 : i32 to index
        %get3A_741 = tpu.vector_load %arg19[%get3A_740] {strides = array<i32>} : memref<8192xf32, #tpu.memory_space<vmem>>, vector<16xf32>,
        %get3A_742 = vector.shape_cast %get3A_741 : vector<16xf32> to vector<16xf32>
        %eq3A_743 = arith.cmpf oeq, %get3A_742, %min3A_402 : vector<16xf32>
        %mul3A_744 = arith.constant 16 : i32
        %mul3A_745 = arith.muli %shift_right_arithmetic3A_438, %mul3A_744 : i32
        %add3A_746 = arith.constant 11 : i32
        %add3A_747 = arith.addi %mul3A_745, %add3A_746 : i32
        %mul3A_748 = arith.constant 16 : i32
        %mul3A_749 = arith.muli %add3A_747, %mul3A_748 : i32
        %add3A_750 = vector.broadcast %mul3A_749 : i32 to vector<16xi32>
        %add3A_751 = arith.addi %add3A_750, %iota3A : vector<16xi32>
        %broadcast_in_dim3A_752 = vector.broadcast %scan3A_47 : i32 to vector<16xi32>
        %select_n3A_753 = arith.select %eq3A_743, %add3A_751, %broadcast_in_dim3A_752 : vector<16xi1>, vector<16xi32>
        %min3A_754 = arith.minsi %min3A_728, %select_n3A_753 : vector<16xi32>
        %broadcast_in_dim3A_755 = vector.broadcast %scan3A_46 : f32 to vector<16xf32>
        %select_n3A_756 = arith.select %eq3A_743, %broadcast_in_dim3A_755, %get3A_742 : vector<16xi1>, vector<16xf32>
        %swap3A_757 = arith.index_cast %add3A_739 : i32 to index
        %swap3A_758 = tpu.vector_load %arg19[%swap3A_757] {strides = array<i32>} : memref<8192xf32, #tpu.memory_space<vmem>>, vector<16xf32>,
        %swap3A_759 = vector.shape_cast %swap3A_758 : vector<16xf32> to vector<16xf32>
        %swap3A_760 = vector.shape_cast %select_n3A_756 : vector<16xf32> to vector<16xf32>
        tpu.vector_store %arg19[%swap3A_757], %swap3A_760 {strides = array<i32>} : memref<8192xf32, #tpu.memory_space<vmem>>, vector<16xf32>,
        %min3A_761 = arith.minimumf %min3A_735, %select_n3A_756 : vector<16xf32>
        %mul3A_762 = arith.constant 256 : i32
        %mul3A_763 = arith.muli %shift_right_arithmetic3A_438, %mul3A_762 : i32
        %add3A_764 = arith.constant 192 : i32
        %add3A_765 = arith.addi %mul3A_763, %add3A_764 : i32
        %get3A_766 = arith.index_cast %add3A_765 : i32 to index
        %get3A_767 = tpu.vector_load %arg19[%get3A_766] {strides = array<i32>} : memref<8192xf32, #tpu.memory_space<vmem>>, vector<16xf32>,
        %get3A_768 = vector.shape_cast %get3A_767 : vector<16xf32> to vector<16xf32>
        %eq3A_769 = arith.cmpf oeq, %get3A_768, %min3A_402 : vector<16xf32>
        %mul3A_770 = arith.constant 16 : i32
        %mul3A_771 = arith.muli %shift_right_arithmetic3A_438, %mul3A_770 : i32
        %add3A_772 = arith.constant 12 : i32
        %add3A_773 = arith.addi %mul3A_771, %add3A_772 : i32
        %mul3A_774 = arith.constant 16 : i32
        %mul3A_775 = arith.muli %add3A_773, %mul3A_774 : i32
        %add3A_776 = vector.broadcast %mul3A_775 : i32 to vector<16xi32>
        %add3A_777 = arith.addi %add3A_776, %iota3A : vector<16xi32>
        %broadcast_in_dim3A_778 = vector.broadcast %scan3A_47 : i32 to vector<16xi32>
        %select_n3A_779 = arith.select %eq3A_769, %add3A_777, %broadcast_in_dim3A_778 : vector<16xi1>, vector<16xi32>
        %min3A_780 = arith.minsi %min3A_754, %select_n3A_779 : vector<16xi32>
        %broadcast_in_dim3A_781 = vector.broadcast %scan3A_46 : f32 to vector<16xf32>
        %select_n3A_782 = arith.select %eq3A_769, %broadcast_in_dim3A_781, %get3A_768 : vector<16xi1>, vector<16xf32>
        %swap3A_783 = arith.index_cast %add3A_765 : i32 to index
        %swap3A_784 = tpu.vector_load %arg19[%swap3A_783] {strides = array<i32>} : memref<8192xf32, #tpu.memory_space<vmem>>, vector<16xf32>,
        %swap3A_785 = vector.shape_cast %swap3A_784 : vector<16xf32> to vector<16xf32>
        %swap3A_786 = vector.shape_cast %select_n3A_782 : vector<16xf32> to vector<16xf32>
        tpu.vector_store %arg19[%swap3A_783], %swap3A_786 {strides = array<i32>} : memref<8192xf32, #tpu.memory_space<vmem>>, vector<16xf32>,
        %min3A_787 = arith.minimumf %min3A_761, %select_n3A_782 : vector<16xf32>
        %mul3A_788 = arith.constant 256 : i32
        %mul3A_789 = arith.muli %shift_right_arithmetic3A_438, %mul3A_788 : i32
        %add3A_790 = arith.constant 208 : i32
        %add3A_791 = arith.addi %mul3A_789, %add3A_790 : i32
        %get3A_792 = arith.index_cast %add3A_791 : i32 to index
        %get3A_793 = tpu.vector_load %arg19[%get3A_792] {strides = array<i32>} : memref<8192xf32, #tpu.memory_space<vmem>>, vector<16xf32>,
        %get3A_794 = vector.shape_cast %get3A_793 : vector<16xf32> to vector<16xf32>
        %eq3A_795 = arith.cmpf oeq, %get3A_794, %min3A_402 : vector<16xf32>
        %mul3A_796 = arith.constant 16 : i32
        %mul3A_797 = arith.muli %shift_right_arithmetic3A_438, %mul3A_796 : i32
        %add3A_798 = arith.constant 13 : i32
        %add3A_799 = arith.addi %mul3A_797, %add3A_798 : i32
        %mul3A_800 = arith.constant 16 : i32
        %mul3A_801 = arith.muli %add3A_799, %mul3A_800 : i32
        %add3A_802 = vector.broadcast %mul3A_801 : i32 to vector<16xi32>
        %add3A_803 = arith.addi %add3A_802, %iota3A : vector<16xi32>
        %broadcast_in_dim3A_804 = vector.broadcast %scan3A_47 : i32 to vector<16xi32>
        %select_n3A_805 = arith.select %eq3A_795, %add3A_803, %broadcast_in_dim3A_804 : vector<16xi1>, vector<16xi32>
        %min3A_806 = arith.minsi %min3A_780, %select_n3A_805 : vector<16xi32>
        %broadcast_in_dim3A_807 = vector.broadcast %scan3A_46 : f32 to vector<16xf32>
        %select_n3A_808 = arith.select %eq3A_795, %broadcast_in_dim3A_807, %get3A_794 : vector<16xi1>, vector<16xf32>
        %swap3A_809 = arith.index_cast %add3A_791 : i32 to index
        %swap3A_810 = tpu.vector_load %arg19[%swap3A_809] {strides = array<i32>} : memref<8192xf32, #tpu.memory_space<vmem>>, vector<16xf32>,
        %swap3A_811 = vector.shape_cast %swap3A_810 : vector<16xf32> to vector<16xf32>
        %swap3A_812 = vector.shape_cast %select_n3A_808 : vector<16xf32> to vector<16xf32>
        tpu.vector_store %arg19[%swap3A_809], %swap3A_812 {strides = array<i32>} : memref<8192xf32, #tpu.memory_space<vmem>>, vector<16xf32>,
        %min3A_813 = arith.minimumf %min3A_787, %select_n3A_808 : vector<16xf32>
        %mul3A_814 = arith.constant 256 : i32
        %mul3A_815 = arith.muli %shift_right_arithmetic3A_438, %mul3A_814 : i32
        %add3A_816 = arith.constant 224 : i32
        %add3A_817 = arith.addi %mul3A_815, %add3A_816 : i32
        %get3A_818 = arith.index_cast %add3A_817 : i32 to index
        %get3A_819 = tpu.vector_load %arg19[%get3A_818] {strides = array<i32>} : memref<8192xf32, #tpu.memory_space<vmem>>, vector<16xf32>,
        %get3A_820 = vector.shape_cast %get3A_819 : vector<16xf32> to vector<16xf32>
        %eq3A_821 = arith.cmpf oeq, %get3A_820, %min3A_402 : vector<16xf32>
        %mul3A_822 = arith.constant 16 : i32
        %mul3A_823 = arith.muli %shift_right_arithmetic3A_438, %mul3A_822 : i32
        %add3A_824 = arith.constant 14 : i32
        %add3A_825 = arith.addi %mul3A_823, %add3A_824 : i32
        %mul3A_826 = arith.constant 16 : i32
        %mul3A_827 = arith.muli %add3A_825, %mul3A_826 : i32
        %add3A_828 = vector.broadcast %mul3A_827 : i32 to vector<16xi32>
        %add3A_829 = arith.addi %add3A_828, %iota3A : vector<16xi32>
        %broadcast_in_dim3A_830 = vector.broadcast %scan3A_47 : i32 to vector<16xi32>
        %select_n3A_831 = arith.select %eq3A_821, %add3A_829, %broadcast_in_dim3A_830 : vector<16xi1>, vector<16xi32>
        %min3A_832 = arith.minsi %min3A_806, %select_n3A_831 : vector<16xi32>
        %broadcast_in_dim3A_833 = vector.broadcast %scan3A_46 : f32 to vector<16xf32>
        %select_n3A_834 = arith.select %eq3A_821, %broadcast_in_dim3A_833, %get3A_820 : vector<16xi1>, vector<16xf32>
        %swap3A_835 = arith.index_cast %add3A_817 : i32 to index
        %swap3A_836 = tpu.vector_load %arg19[%swap3A_835] {strides = array<i32>} : memref<8192xf32, #tpu.memory_space<vmem>>, vector<16xf32>,
        %swap3A_837 = vector.shape_cast %swap3A_836 : vector<16xf32> to vector<16xf32>
        %swap3A_838 = vector.shape_cast %select_n3A_834 : vector<16xf32> to vector<16xf32>
        tpu.vector_store %arg19[%swap3A_835], %swap3A_838 {strides = array<i32>} : memref<8192xf32, #tpu.memory_space<vmem>>, vector<16xf32>,
        %min3A_839 = arith.minimumf %min3A_813, %select_n3A_834 : vector<16xf32>
        %mul3A_840 = arith.constant 256 : i32
        %mul3A_841 = arith.muli %shift_right_arithmetic3A_438, %mul3A_840 : i32
        %add3A_842 = arith.constant 240 : i32
        %add3A_843 = arith.addi %mul3A_841, %add3A_842 : i32
        %get3A_844 = arith.index_cast %add3A_843 : i32 to index
        %get3A_845 = tpu.vector_load %arg19[%get3A_844] {strides = array<i32>} : memref<8192xf32, #tpu.memory_space<vmem>>, vector<16xf32>,
        %get3A_846 = vector.shape_cast %get3A_845 : vector<16xf32> to vector<16xf32>
        %eq3A_847 = arith.cmpf oeq, %get3A_846, %min3A_402 : vector<16xf32>
        %mul3A_848 = arith.constant 16 : i32
        %mul3A_849 = arith.muli %shift_right_arithmetic3A_438, %mul3A_848 : i32
        %add3A_850 = arith.constant 15 : i32
        %add3A_851 = arith.addi %mul3A_849, %add3A_850 : i32
        %mul3A_852 = arith.constant 16 : i32
        %mul3A_853 = arith.muli %add3A_851, %mul3A_852 : i32
        %add3A_854 = vector.broadcast %mul3A_853 : i32 to vector<16xi32>
        %add3A_855 = arith.addi %add3A_854, %iota3A : vector<16xi32>
        %broadcast_in_dim3A_856 = vector.broadcast %scan3A_47 : i32 to vector<16xi32>
        %select_n3A_857 = arith.select %eq3A_847, %add3A_855, %broadcast_in_dim3A_856 : vector<16xi1>, vector<16xi32>
        %min3A_858 = arith.minsi %min3A_832, %select_n3A_857 : vector<16xi32>
        %broadcast_in_dim3A_859 = vector.broadcast %scan3A_46 : f32 to vector<16xf32>
        %select_n3A_860 = arith.select %eq3A_847, %broadcast_in_dim3A_859, %get3A_846 : vector<16xi1>, vector<16xf32>
        %swap3A_861 = arith.index_cast %add3A_843 : i32 to index
        %swap3A_862 = tpu.vector_load %arg19[%swap3A_861] {strides = array<i32>} : memref<8192xf32, #tpu.memory_space<vmem>>, vector<16xf32>,
        %swap3A_863 = vector.shape_cast %swap3A_862 : vector<16xf32> to vector<16xf32>
        %swap3A_864 = vector.shape_cast %select_n3A_860 : vector<16xf32> to vector<16xf32>
        tpu.vector_store %arg19[%swap3A_861], %swap3A_864 {strides = array<i32>} : memref<8192xf32, #tpu.memory_space<vmem>>, vector<16xf32>,
        %min3A_865 = arith.minimumf %min3A_839, %select_n3A_860 : vector<16xf32>
        %mul3A_866 = arith.constant 16 : i32
        %mul3A_867 = arith.muli %shift_right_arithmetic3A_438, %mul3A_866 : i32
        %swap3A_868 = arith.index_cast %mul3A_867 : i32 to index
        %swap3A_869 = tpu.vector_load %arg24[%swap3A_868] {strides = array<i32>} : memref<512xf32, #tpu.memory_space<vmem>>, vector<16xf32>,
        %swap3A_870 = vector.shape_cast %swap3A_869 : vector<16xf32> to vector<16xf32>
        %swap3A_871 = vector.shape_cast %min3A_865 : vector<16xf32> to vector<16xf32>
        tpu.vector_store %arg24[%swap3A_868], %swap3A_871 {strides = array<i32>} : memref<512xf32, #tpu.memory_space<vmem>>, vector<16xf32>,
        %xor3A_872 = arith.constant 1 : i32
        %xor3A_873 = vector.broadcast %xor3A_872 : i32 to vector<16xi32>
        %xor3A_874 = arith.xori %iota3A, %xor3A_873 : vector<16xi32>
        %broadcast_in_dim3A_875 = vector.shape_cast %xor3A_874 : vector<16xi32> to vector<16x1xi32>
        %gather3A_876 = vector.shape_cast %broadcast_in_dim3A_875 : vector<16x1xi32> to vector<16xi32>
        %gather3A_877 = tpu.dynamic_gather %min3A_858[%gather3A_876] in [0] : vector<16xi32>, vector<16xi32> -> vector<16xi32>
        %min3A_878 = arith.minsi %min3A_858, %gather3A_877 : vector<16xi32>
        %xor3A_879 = arith.constant 2 : i32
        %xor3A_880 = vector.broadcast %xor3A_879 : i32 to vector<16xi32>
        %xor3A_881 = arith.xori %iota3A, %xor3A_880 : vector<16xi32>
        %broadcast_in_dim3A_882 = vector.shape_cast %xor3A_881 : vector<16xi32> to vector<16x1xi32>
        %gather3A_883 = vector.shape_cast %broadcast_in_dim3A_882 : vector<16x1xi32> to vector<16xi32>
        %gather3A_884 = tpu.dynamic_gather %min3A_878[%gather3A_883] in [0] : vector<16xi32>, vector<16xi32> -> vector<16xi32>
        %min3A_885 = arith.minsi %min3A_878, %gather3A_884 : vector<16xi32>
        %xor3A_886 = arith.constant 4 : i32
        %xor3A_887 = vector.broadcast %xor3A_886 : i32 to vector<16xi32>
        %xor3A_888 = arith.xori %iota3A, %xor3A_887 : vector<16xi32>
        %broadcast_in_dim3A_889 = vector.shape_cast %xor3A_888 : vector<16xi32> to vector<16x1xi32>
        %gather3A_890 = vector.shape_cast %broadcast_in_dim3A_889 : vector<16x1xi32> to vector<16xi32>
        %gather3A_891 = tpu.dynamic_gather %min3A_885[%gather3A_890] in [0] : vector<16xi32>, vector<16xi32> -> vector<16xi32>
        %min3A_892 = arith.minsi %min3A_885, %gather3A_891 : vector<16xi32>
        %xor3A_893 = arith.constant 8 : i32
        %xor3A_894 = vector.broadcast %xor3A_893 : i32 to vector<16xi32>
        %xor3A_895 = arith.xori %iota3A, %xor3A_894 : vector<16xi32>
        %broadcast_in_dim3A_896 = vector.shape_cast %xor3A_895 : vector<16xi32> to vector<16x1xi32>
        %gather3A_897 = vector.shape_cast %broadcast_in_dim3A_896 : vector<16x1xi32> to vector<16xi32>
        %gather3A_898 = tpu.dynamic_gather %min3A_892[%gather3A_897] in [0] : vector<16xi32>, vector<16xi32> -> vector<16xi32>
        %min3A_899 = arith.minsi %min3A_892, %gather3A_898 : vector<16xi32>
        %slice3A_900 = vector.extract_strided_slice %min3A_899 {offsets = [0], sizes = [1], strides = [1]} : vector<16xi32> to vector<1xi32>
        %squeeze3A_901 = vector.extract %slice3A_900[0] : i32 from vector<1xi32>
        %and3A_902 = arith.constant 15 : i32
        %and3A_903 = vector.broadcast %and3A_902 : i32 to vector<16xi32>
        %and3A_904 = arith.andi %min3A_899, %and3A_903 : vector<16xi32>
        %shift_right_arithmetic3A_905 = arith.constant 4 : i32
        %shift_right_arithmetic3A_906 = arith.shrsi %squeeze3A_901, %shift_right_arithmetic3A_905 : i32
        %mul3A_907 = arith.constant 16 : i32
        %mul3A_908 = arith.muli %shift_right_arithmetic3A_906, %mul3A_907 : i32
        %get3A_909 = arith.index_cast %mul3A_908 : i32 to index
        %get3A_910 = tpu.vector_load %arg12[%get3A_909] {strides = array<i32>} : memref<8192xf32, #tpu.memory_space<vmem>>, vector<16xf32>,
        %get3A_911 = vector.shape_cast %get3A_910 : vector<16xf32> to vector<16xf32>
        %broadcast_in_dim3A_912 = vector.shape_cast %and3A_904 : vector<16xi32> to vector<16x1xi32>
        %gather3A_913 = vector.shape_cast %broadcast_in_dim3A_912 : vector<16x1xi32> to vector<16xi32>
        %gather3A_914 = tpu.dynamic_gather %get3A_911[%gather3A_913] in [0] : vector<16xf32>, vector<16xi32> -> vector<16xf32>
        %sub3A_915 = arith.subf %gather3A_914, %gather3A_114 : vector<16xf32>
        %get3A_916 = arith.index_cast %mul3A_908 : i32 to index
        %get3A_917 = tpu.vector_load %arg13[%get3A_916] {strides = array<i32>} : memref<8192xf32, #tpu.memory_space<vmem>>, vector<16xf32>,
        %get3A_918 = vector.shape_cast %get3A_917 : vector<16xf32> to vector<16xf32>
        %broadcast_in_dim3A_919 = vector.shape_cast %and3A_904 : vector<16xi32> to vector<16x1xi32>
        %gather3A_920 = vector.shape_cast %broadcast_in_dim3A_919 : vector<16x1xi32> to vector<16xi32>
        %gather3A_921 = tpu.dynamic_gather %get3A_918[%gather3A_920] in [0] : vector<16xf32>, vector<16xi32> -> vector<16xf32>
        %sub3A_922 = arith.subf %gather3A_921, %gather3A_167 : vector<16xf32>
        %get3A_923 = arith.index_cast %mul3A_908 : i32 to index
        %get3A_924 = tpu.vector_load %arg14[%get3A_923] {strides = array<i32>} : memref<8192xf32, #tpu.memory_space<vmem>>, vector<16xf32>,
        %get3A_925 = vector.shape_cast %get3A_924 : vector<16xf32> to vector<16xf32>
        %broadcast_in_dim3A_926 = vector.shape_cast %and3A_904 : vector<16xi32> to vector<16x1xi32>
        %gather3A_927 = vector.shape_cast %broadcast_in_dim3A_926 : vector<16x1xi32> to vector<16xi32>
        %gather3A_928 = tpu.dynamic_gather %get3A_925[%gather3A_927] in [0] : vector<16xf32>, vector<16xi32> -> vector<16xf32>
        %sub3A_929 = arith.subf %gather3A_928, %gather3A_220 : vector<16xf32>
        %eq3A_930 = vector.broadcast %scan3A_353 : i32 to vector<16xi32>
        %eq3A_931 = arith.cmpi eq, %iota3A, %eq3A_930 : vector<16xi32>
        %sub3A_932 = arith.constant 16 : i32
        %sub3A_933 = arith.subi %scan3A_353, %sub3A_932 : i32
        %eq3A_934 = vector.broadcast %sub3A_933 : i32 to vector<16xi32>
        %eq3A_935 = arith.cmpi eq, %iota3A, %eq3A_934 : vector<16xi32>
        %select_n3A_936 = arith.select %eq3A_931, %min3A_899, %scan3A_354 : vector<16xi1>, vector<16xi32>
        %select_n3A_937 = arith.select %eq3A_935, %min3A_899, %scan3A_355 : vector<16xi1>, vector<16xi32>
        %select_n3A_938 = arith.select %eq3A_931, %sub3A_915, %scan3A_356 : vector<16xi1>, vector<16xf32>
        %select_n3A_939 = arith.select %eq3A_935, %sub3A_915, %scan3A_357 : vector<16xi1>, vector<16xf32>
        %select_n3A_940 = arith.select %eq3A_931, %sub3A_922, %scan3A_358 : vector<16xi1>, vector<16xf32>
        %select_n3A_941 = arith.select %eq3A_935, %sub3A_922, %scan3A_359 : vector<16xi1>, vector<16xf32>
        %select_n3A_942 = arith.select %eq3A_931, %sub3A_929, %scan3A_360 : vector<16xi1>, vector<16xf32>
        %select_n3A_943 = arith.select %eq3A_935, %sub3A_929, %scan3A_361 : vector<16xi1>, vector<16xf32>
        scf.yield %select_n3A_936, %select_n3A_937, %select_n3A_938, %select_n3A_939, %select_n3A_940, %select_n3A_941, %select_n3A_942, %select_n3A_943 : vector<16xi32>, vector<16xi32>, vector<16xf32>, vector<16xf32>, vector<16xf32>, vector<16xf32>, vector<16xf32>, vector<16xf32>
      }
      %scan3A_310 = arith.constant 32 : i32
      %mul3A_311 = arith.constant 32 : i32
      %mul3A_312 = arith.muli %scan3A_63, %mul3A_311 : i32
      %swap3A = arith.index_cast %mul3A_312 : i32 to index
      %swap3A_313 = tpu.vector_load %arg25[%swap3A] {strides = array<i32>} : memref<4096xi32, #tpu.memory_space<vmem>>, vector<16xi32>,
      %swap3A_314 = vector.shape_cast %swap3A_313 : vector<16xi32> to vector<16xi32>
      %swap3A_315 = vector.shape_cast %scan3A_309#0 : vector<16xi32> to vector<16xi32>
      tpu.vector_store %arg25[%swap3A], %swap3A_315 {strides = array<i32>} : memref<4096xi32, #tpu.memory_space<vmem>>, vector<16xi32>,
      %add3A_316 = arith.constant 16 : i32
      %add3A_317 = arith.addi %mul3A_312, %add3A_316 : i32
      %swap3A_318 = arith.index_cast %add3A_317 : i32 to index
      %swap3A_319 = tpu.vector_load %arg25[%swap3A_318] {strides = array<i32>} : memref<4096xi32, #tpu.memory_space<vmem>>, vector<16xi32>,
      %swap3A_320 = vector.shape_cast %swap3A_319 : vector<16xi32> to vector<16xi32>
      %swap3A_321 = vector.shape_cast %scan3A_309#1 : vector<16xi32> to vector<16xi32>
      tpu.vector_store %arg25[%swap3A_318], %swap3A_321 {strides = array<i32>} : memref<4096xi32, #tpu.memory_space<vmem>>, vector<16xi32>,
      %swap3A_322 = arith.index_cast %mul3A_312 : i32 to index
      %swap3A_323 = tpu.vector_load %arg26[%swap3A_322] {strides = array<i32>} : memref<4096xf32, #tpu.memory_space<vmem>>, vector<16xf32>,
      %swap3A_324 = vector.shape_cast %swap3A_323 : vector<16xf32> to vector<16xf32>
      %swap3A_325 = vector.shape_cast %scan3A_309#2 : vector<16xf32> to vector<16xf32>
      tpu.vector_store %arg26[%swap3A_322], %swap3A_325 {strides = array<i32>} : memref<4096xf32, #tpu.memory_space<vmem>>, vector<16xf32>,
      %add3A_326 = arith.constant 16 : i32
      %add3A_327 = arith.addi %mul3A_312, %add3A_326 : i32
      %swap3A_328 = arith.index_cast %add3A_327 : i32 to index
      %swap3A_329 = tpu.vector_load %arg26[%swap3A_328] {strides = array<i32>} : memref<4096xf32, #tpu.memory_space<vmem>>, vector<16xf32>,
      %swap3A_330 = vector.shape_cast %swap3A_329 : vector<16xf32> to vector<16xf32>
      %swap3A_331 = vector.shape_cast %scan3A_309#3 : vector<16xf32> to vector<16xf32>
      tpu.vector_store %arg26[%swap3A_328], %swap3A_331 {strides = array<i32>} : memref<4096xf32, #tpu.memory_space<vmem>>, vector<16xf32>,
      %swap3A_332 = arith.index_cast %mul3A_312 : i32 to index
      %swap3A_333 = tpu.vector_load %arg27[%swap3A_332] {strides = array<i32>} : memref<4096xf32, #tpu.memory_space<vmem>>, vector<16xf32>,
      %swap3A_334 = vector.shape_cast %swap3A_333 : vector<16xf32> to vector<16xf32>
      %swap3A_335 = vector.shape_cast %scan3A_309#4 : vector<16xf32> to vector<16xf32>
      tpu.vector_store %arg27[%swap3A_332], %swap3A_335 {strides = array<i32>} : memref<4096xf32, #tpu.memory_space<vmem>>, vector<16xf32>,
      %add3A_336 = arith.constant 16 : i32
      %add3A_337 = arith.addi %mul3A_312, %add3A_336 : i32
      %swap3A_338 = arith.index_cast %add3A_337 : i32 to index
      %swap3A_339 = tpu.vector_load %arg27[%swap3A_338] {strides = array<i32>} : memref<4096xf32, #tpu.memory_space<vmem>>, vector<16xf32>,
      %swap3A_340 = vector.shape_cast %swap3A_339 : vector<16xf32> to vector<16xf32>
      %swap3A_341 = vector.shape_cast %scan3A_309#5 : vector<16xf32> to vector<16xf32>
      tpu.vector_store %arg27[%swap3A_338], %swap3A_341 {strides = array<i32>} : memref<4096xf32, #tpu.memory_space<vmem>>, vector<16xf32>,
      %swap3A_342 = arith.index_cast %mul3A_312 : i32 to index
      %swap3A_343 = tpu.vector_load %arg28[%swap3A_342] {strides = array<i32>} : memref<4096xf32, #tpu.memory_space<vmem>>, vector<16xf32>,
      %swap3A_344 = vector.shape_cast %swap3A_343 : vector<16xf32> to vector<16xf32>
      %swap3A_345 = vector.shape_cast %scan3A_309#6 : vector<16xf32> to vector<16xf32>
      tpu.vector_store %arg28[%swap3A_342], %swap3A_345 {strides = array<i32>} : memref<4096xf32, #tpu.memory_space<vmem>>, vector<16xf32>,
      %add3A_346 = arith.constant 16 : i32
      %add3A_347 = arith.addi %mul3A_312, %add3A_346 : i32
      %swap3A_348 = arith.index_cast %add3A_347 : i32 to index
      %swap3A_349 = tpu.vector_load %arg28[%swap3A_348] {strides = array<i32>} : memref<4096xf32, #tpu.memory_space<vmem>>, vector<16xf32>,
      %swap3A_350 = vector.shape_cast %swap3A_349 : vector<16xf32> to vector<16xf32>
      %swap3A_351 = vector.shape_cast %scan3A_309#7 : vector<16xf32> to vector<16xf32>
      tpu.vector_store %arg28[%swap3A_348], %swap3A_351 {strides = array<i32>} : memref<4096xf32, #tpu.memory_space<vmem>>, vector<16xf32>,
      %scan3A_352 = arith.constant 0 : i32
      scf.yield %scan3A_352 : i32
    }
    %scan3A_54 = arith.constant 128 : i32
    %mul3A_55 = arith.constant 32 : i32
    %mul3A_56 = arith.muli %mul3A_32, %mul3A_55 : i32
    "tpu.region"() ({
      %run_scoped3A = tpu.sem_alloc : memref<!tpu.dma_semaphore, #tpu.memory_space<semaphore_mem>>
      %dma_start3A = tpu.memref_slice %arg8[%select_n3A, %mul3A_56] : memref<8x16384xi32, #tpu.memory_space<hbm>> -> memref<1x4096xi32, #tpu.memory_space<hbm>>
      %dma_start3A_63 = tpu.memref_squeeze %dma_start3A : memref<1x4096xi32, #tpu.memory_space<hbm>> -> memref<4096xi32, #tpu.memory_space<hbm>>
      %dma_start3A_64 = tpu.memref_slice %arg8[%select_n3A, %mul3A_56] : memref<8x16384xi32, #tpu.memory_space<hbm>> -> memref<1x4096xi32, #tpu.memory_space<hbm>>
      %dma_start3A_65 = tpu.memref_squeeze %dma_start3A_64 : memref<1x4096xi32, #tpu.memory_space<hbm>> -> memref<4096xi32, #tpu.memory_space<hbm>>
      tpu.enqueue_dma source(%arg25 : memref<4096xi32, #tpu.memory_space<vmem>>) target(%dma_start3A_65 : memref<4096xi32, #tpu.memory_space<hbm>>) target_semaphore(%run_scoped3A : memref<!tpu.dma_semaphore, #tpu.memory_space<semaphore_mem>>)
      %dma_wait3A = tpu.memref_slice %arg8[%select_n3A, %mul3A_56] : memref<8x16384xi32, #tpu.memory_space<hbm>> -> memref<1x4096xi32, #tpu.memory_space<hbm>>
      %dma_wait3A_66 = tpu.memref_squeeze %dma_wait3A : memref<1x4096xi32, #tpu.memory_space<hbm>> -> memref<4096xi32, #tpu.memory_space<hbm>>
      %dma_wait3A_67 = tpu.memref_slice %arg8[%select_n3A, %mul3A_56] : memref<8x16384xi32, #tpu.memory_space<hbm>> -> memref<1x4096xi32, #tpu.memory_space<hbm>>
      %dma_wait3A_68 = tpu.memref_squeeze %dma_wait3A_67 : memref<1x4096xi32, #tpu.memory_space<hbm>> -> memref<4096xi32, #tpu.memory_space<hbm>>
      tpu.wait_dma2 semaphore(%run_scoped3A : memref<!tpu.dma_semaphore, #tpu.memory_space<semaphore_mem>>) src(%arg25 : memref<4096xi32, #tpu.memory_space<vmem>>) dst(%dma_wait3A_68 : memref<4096xi32, #tpu.memory_space<hbm>>)
      tpu.yield
    }) : () -> ()
    %mul3A_57 = arith.constant 32 : i32
    %mul3A_58 = arith.muli %mul3A_32, %mul3A_57 : i32
    "tpu.region"() ({
      %run_scoped3A = tpu.sem_alloc : memref<!tpu.dma_semaphore, #tpu.memory_space<semaphore_mem>>
      %dma_start3A = tpu.memref_slice %arg9[%select_n3A, %mul3A_58] : memref<8x16384xf32, #tpu.memory_space<hbm>> -> memref<1x4096xf32, #tpu.memory_space<hbm>>
      %dma_start3A_63 = tpu.memref_squeeze %dma_start3A : memref<1x4096xf32, #tpu.memory_space<hbm>> -> memref<4096xf32, #tpu.memory_space<hbm>>
      %dma_start3A_64 = tpu.memref_slice %arg9[%select_n3A, %mul3A_58] : memref<8x16384xf32, #tpu.memory_space<hbm>> -> memref<1x4096xf32, #tpu.memory_space<hbm>>
      %dma_start3A_65 = tpu.memref_squeeze %dma_start3A_64 : memref<1x4096xf32, #tpu.memory_space<hbm>> -> memref<4096xf32, #tpu.memory_space<hbm>>
      tpu.enqueue_dma source(%arg26 : memref<4096xf32, #tpu.memory_space<vmem>>) target(%dma_start3A_65 : memref<4096xf32, #tpu.memory_space<hbm>>) target_semaphore(%run_scoped3A : memref<!tpu.dma_semaphore, #tpu.memory_space<semaphore_mem>>)
      %dma_wait3A = tpu.memref_slice %arg9[%select_n3A, %mul3A_58] : memref<8x16384xf32, #tpu.memory_space<hbm>> -> memref<1x4096xf32, #tpu.memory_space<hbm>>
      %dma_wait3A_66 = tpu.memref_squeeze %dma_wait3A : memref<1x4096xf32, #tpu.memory_space<hbm>> -> memref<4096xf32, #tpu.memory_space<hbm>>
      %dma_wait3A_67 = tpu.memref_slice %arg9[%select_n3A, %mul3A_58] : memref<8x16384xf32, #tpu.memory_space<hbm>> -> memref<1x4096xf32, #tpu.memory_space<hbm>>
      %dma_wait3A_68 = tpu.memref_squeeze %dma_wait3A_67 : memref<1x4096xf32, #tpu.memory_space<hbm>> -> memref<4096xf32, #tpu.memory_space<hbm>>
      tpu.wait_dma2 semaphore(%run_scoped3A : memref<!tpu.dma_semaphore, #tpu.memory_space<semaphore_mem>>) src(%arg26 : memref<4096xf32, #tpu.memory_space<vmem>>) dst(%dma_wait3A_68 : memref<4096xf32, #tpu.memory_space<hbm>>)
      tpu.yield
    }) : () -> ()
    %mul3A_59 = arith.constant 32 : i32
    %mul3A_60 = arith.muli %mul3A_32, %mul3A_59 : i32
    "tpu.region"() ({
      %run_scoped3A = tpu.sem_alloc : memref<!tpu.dma_semaphore, #tpu.memory_space<semaphore_mem>>
      %dma_start3A = tpu.memref_slice %arg10[%select_n3A, %mul3A_60] : memref<8x16384xf32, #tpu.memory_space<hbm>> -> memref<1x4096xf32, #tpu.memory_space<hbm>>
      %dma_start3A_63 = tpu.memref_squeeze %dma_start3A : memref<1x4096xf32, #tpu.memory_space<hbm>> -> memref<4096xf32, #tpu.memory_space<hbm>>
      %dma_start3A_64 = tpu.memref_slice %arg10[%select_n3A, %mul3A_60] : memref<8x16384xf32, #tpu.memory_space<hbm>> -> memref<1x4096xf32, #tpu.memory_space<hbm>>
      %dma_start3A_65 = tpu.memref_squeeze %dma_start3A_64 : memref<1x4096xf32, #tpu.memory_space<hbm>> -> memref<4096xf32, #tpu.memory_space<hbm>>
      tpu.enqueue_dma source(%arg27 : memref<4096xf32, #tpu.memory_space<vmem>>) target(%dma_start3A_65 : memref<4096xf32, #tpu.memory_space<hbm>>) target_semaphore(%run_scoped3A : memref<!tpu.dma_semaphore, #tpu.memory_space<semaphore_mem>>)
      %dma_wait3A = tpu.memref_slice %arg10[%select_n3A, %mul3A_60] : memref<8x16384xf32, #tpu.memory_space<hbm>> -> memref<1x4096xf32, #tpu.memory_space<hbm>>
      %dma_wait3A_66 = tpu.memref_squeeze %dma_wait3A : memref<1x4096xf32, #tpu.memory_space<hbm>> -> memref<4096xf32, #tpu.memory_space<hbm>>
      %dma_wait3A_67 = tpu.memref_slice %arg10[%select_n3A, %mul3A_60] : memref<8x16384xf32, #tpu.memory_space<hbm>> -> memref<1x4096xf32, #tpu.memory_space<hbm>>
      %dma_wait3A_68 = tpu.memref_squeeze %dma_wait3A_67 : memref<1x4096xf32, #tpu.memory_space<hbm>> -> memref<4096xf32, #tpu.memory_space<hbm>>
      tpu.wait_dma2 semaphore(%run_scoped3A : memref<!tpu.dma_semaphore, #tpu.memory_space<semaphore_mem>>) src(%arg27 : memref<4096xf32, #tpu.memory_space<vmem>>) dst(%dma_wait3A_68 : memref<4096xf32, #tpu.memory_space<hbm>>)
      tpu.yield
    }) : () -> ()
    %mul3A_61 = arith.constant 32 : i32
    %mul3A_62 = arith.muli %mul3A_32, %mul3A_61 : i32
    "tpu.region"() ({
      %run_scoped3A = tpu.sem_alloc : memref<!tpu.dma_semaphore, #tpu.memory_space<semaphore_mem>>
      %dma_start3A = tpu.memref_slice %arg11[%select_n3A, %mul3A_62] : memref<8x16384xf32, #tpu.memory_space<hbm>> -> memref<1x4096xf32, #tpu.memory_space<hbm>>
      %dma_start3A_63 = tpu.memref_squeeze %dma_start3A : memref<1x4096xf32, #tpu.memory_space<hbm>> -> memref<4096xf32, #tpu.memory_space<hbm>>
      %dma_start3A_64 = tpu.memref_slice %arg11[%select_n3A, %mul3A_62] : memref<8x16384xf32, #tpu.memory_space<hbm>> -> memref<1x4096xf32, #tpu.memory_space<hbm>>
      %dma_start3A_65 = tpu.memref_squeeze %dma_start3A_64 : memref<1x4096xf32, #tpu.memory_space<hbm>> -> memref<4096xf32, #tpu.memory_space<hbm>>
      tpu.enqueue_dma source(%arg28 : memref<4096xf32, #tpu.memory_space<vmem>>) target(%dma_start3A_65 : memref<4096xf32, #tpu.memory_space<hbm>>) target_semaphore(%run_scoped3A : memref<!tpu.dma_semaphore, #tpu.memory_space<semaphore_mem>>)
      %dma_wait3A = tpu.memref_slice %arg11[%select_n3A, %mul3A_62] : memref<8x16384xf32, #tpu.memory_space<hbm>> -> memref<1x4096xf32, #tpu.memory_space<hbm>>
      %dma_wait3A_66 = tpu.memref_squeeze %dma_wait3A : memref<1x4096xf32, #tpu.memory_space<hbm>> -> memref<4096xf32, #tpu.memory_space<hbm>>
      %dma_wait3A_67 = tpu.memref_slice %arg11[%select_n3A, %mul3A_62] : memref<8x16384xf32, #tpu.memory_space<hbm>> -> memref<1x4096xf32, #tpu.memory_space<hbm>>
      %dma_wait3A_68 = tpu.memref_squeeze %dma_wait3A_67 : memref<1x4096xf32, #tpu.memory_space<hbm>> -> memref<4096xf32, #tpu.memory_space<hbm>>
      tpu.wait_dma2 semaphore(%run_scoped3A : memref<!tpu.dma_semaphore, #tpu.memory_space<semaphore_mem>>) src(%arg28 : memref<4096xf32, #tpu.memory_space<vmem>>) dst(%dma_wait3A_68 : memref<4096xf32, #tpu.memory_space<hbm>>)
      tpu.yield
    }) : () -> ()
    return
  }
}

module attributes {stable_mosaic.version = 14 : i64} {
  func.func @_fps_body(%arg0: memref<8x8192xf32, #tpu.memory_space<vmem>>, %arg1: memref<8x8192xf32, #tpu.memory_space<vmem>>, %arg2: memref<8x8192xf32, #tpu.memory_space<vmem>>, %arg3: memref<8x512xi32, #tpu.memory_space<vmem>>, %arg4: memref<8x512xf32, #tpu.memory_space<vmem>>, %arg5: memref<8x512xf32, #tpu.memory_space<vmem>>, %arg6: memref<8x512xf32, #tpu.memory_space<vmem>>, %arg7: memref<8x8192xf32, #tpu.memory_space<vmem>>) attributes {dimension_semantics = [], scalar_prefetch = 0 : i64, scratch_operands = 1 : i64, tpu.core_type = #tpu.core_type<tc>} {
    %get3A = arith.constant 0 : index
    %get3A_0 = arith.constant 0 : index
    %get3A_1 = vector.load %arg0[%get3A, %get3A_0] : memref<8x8192xf32, #tpu.memory_space<vmem>>, vector<8x8192xf32>
    %get3A_2 = arith.constant 0 : index
    %get3A_3 = arith.constant 0 : index
    %get3A_4 = vector.load %arg1[%get3A_2, %get3A_3] : memref<8x8192xf32, #tpu.memory_space<vmem>>, vector<8x8192xf32>
    %get3A_5 = arith.constant 0 : index
    %get3A_6 = arith.constant 0 : index
    %get3A_7 = vector.load %arg2[%get3A_5, %get3A_6] : memref<8x8192xf32, #tpu.memory_space<vmem>>, vector<8x8192xf32>
    %iota3A = tpu.iota {dimensions = array<i32: 1>} : vector<8x8192xi32>
    %iota3A_8 = tpu.iota {dimensions = array<i32: 1>} : vector<8x512xi32>
    %broadcast_in_dim3A = arith.constant 0x7F800000 : f32
    %broadcast_in_dim3A_9 = vector.broadcast %broadcast_in_dim3A : f32 to vector<8x8192xf32>
    %swap3A = arith.constant 0 : index
    %swap3A_10 = arith.constant 0 : index
    %swap3A_11 = vector.load %arg7[%swap3A, %swap3A_10] : memref<8x8192xf32, #tpu.memory_space<vmem>>, vector<8x8192xf32>
    tpu.vector_store %arg7[%swap3A, %swap3A_10], %broadcast_in_dim3A_9 {strides = array<i32>} : memref<8x8192xf32, #tpu.memory_space<vmem>>, vector<8x8192xf32>,
    %broadcast_in_dim3A_12 = arith.constant 0 : i32
    %broadcast_in_dim3A_13 = vector.broadcast %broadcast_in_dim3A_12 : i32 to vector<8x512xi32>
    %swap3A_14 = arith.constant 0 : index
    %swap3A_15 = arith.constant 0 : index
    %swap3A_16 = vector.load %arg3[%swap3A_14, %swap3A_15] : memref<8x512xi32, #tpu.memory_space<vmem>>, vector<8x512xi32>
    tpu.vector_store %arg3[%swap3A_14, %swap3A_15], %broadcast_in_dim3A_13 {strides = array<i32>} : memref<8x512xi32, #tpu.memory_space<vmem>>, vector<8x512xi32>,
    %broadcast_in_dim3A_17 = arith.constant 0.000000e+00 : f32
    %broadcast_in_dim3A_18 = vector.broadcast %broadcast_in_dim3A_17 : f32 to vector<8x512xf32>
    %swap3A_19 = arith.constant 0 : index
    %swap3A_20 = arith.constant 0 : index
    %swap3A_21 = vector.load %arg4[%swap3A_19, %swap3A_20] : memref<8x512xf32, #tpu.memory_space<vmem>>, vector<8x512xf32>
    tpu.vector_store %arg4[%swap3A_19, %swap3A_20], %broadcast_in_dim3A_18 {strides = array<i32>} : memref<8x512xf32, #tpu.memory_space<vmem>>, vector<8x512xf32>,
    %broadcast_in_dim3A_22 = arith.constant 0.000000e+00 : f32
    %broadcast_in_dim3A_23 = vector.broadcast %broadcast_in_dim3A_22 : f32 to vector<8x512xf32>
    %swap3A_24 = arith.constant 0 : index
    %swap3A_25 = arith.constant 0 : index
    %swap3A_26 = vector.load %arg5[%swap3A_24, %swap3A_25] : memref<8x512xf32, #tpu.memory_space<vmem>>, vector<8x512xf32>
    tpu.vector_store %arg5[%swap3A_24, %swap3A_25], %broadcast_in_dim3A_23 {strides = array<i32>} : memref<8x512xf32, #tpu.memory_space<vmem>>, vector<8x512xf32>,
    %broadcast_in_dim3A_27 = arith.constant 0.000000e+00 : f32
    %broadcast_in_dim3A_28 = vector.broadcast %broadcast_in_dim3A_27 : f32 to vector<8x512xf32>
    %swap3A_29 = arith.constant 0 : index
    %swap3A_30 = arith.constant 0 : index
    %swap3A_31 = vector.load %arg6[%swap3A_29, %swap3A_30] : memref<8x512xf32, #tpu.memory_space<vmem>>, vector<8x512xf32>
    tpu.vector_store %arg6[%swap3A_29, %swap3A_30], %broadcast_in_dim3A_28 {strides = array<i32>} : memref<8x512xf32, #tpu.memory_space<vmem>>, vector<8x512xf32>,
    %broadcast_in_dim3A_32 = arith.constant 0 : i32
    %broadcast_in_dim3A_33 = vector.broadcast %broadcast_in_dim3A_32 : i32 to vector<8x1xi32>
    %scan3A = arith.constant 0 : i32
    %scan3A_34 = arith.constant 512 : i32
    %scan3A_35 = arith.addi %scan3A, %scan3A_34 : i32
    %scan3A_36 = arith.constant 1 : i32
    %scan3A_37 = scf.for %scan3A_39 = %scan3A to %scan3A_35 step %scan3A_36 iter_args(%scan3A_40 = %broadcast_in_dim3A_33) -> (vector<8x1xi32>)  : i32 {
      %eq3A = vector.broadcast %scan3A_40 : vector<8x1xi32> to vector<8x8192xi32>
      %eq3A_41 = arith.cmpi eq, %iota3A, %eq3A : vector<8x8192xi32>
      %jit3A = arith.constant 0.000000e+00 : f32
      %broadcast_in_dim3A_42 = vector.broadcast %jit3A : f32 to vector<8x8192xf32>
      %select_n3A = arith.select %eq3A_41, %get3A_1, %broadcast_in_dim3A_42 : vector<8x8192xi1>, vector<8x8192xf32>
      %reduce_sum3A = arith.constant dense<0.000000e+00> : vector<8xf32>
      %reduce_sum3A_43 = vector.multi_reduction <add>, %select_n3A, %reduce_sum3A [1] : vector<8x8192xf32> to vector<8xf32>
      %broadcast_in_dim3A_44 = vector.shape_cast %reduce_sum3A_43 : vector<8xf32> to vector<8x1xf32>
      %jit3A_45 = arith.constant 0.000000e+00 : f32
      %broadcast_in_dim3A_46 = vector.broadcast %jit3A_45 : f32 to vector<8x8192xf32>
      %select_n3A_47 = arith.select %eq3A_41, %get3A_4, %broadcast_in_dim3A_46 : vector<8x8192xi1>, vector<8x8192xf32>
      %reduce_sum3A_48 = arith.constant dense<0.000000e+00> : vector<8xf32>
      %reduce_sum3A_49 = vector.multi_reduction <add>, %select_n3A_47, %reduce_sum3A_48 [1] : vector<8x8192xf32> to vector<8xf32>
      %broadcast_in_dim3A_50 = vector.shape_cast %reduce_sum3A_49 : vector<8xf32> to vector<8x1xf32>
      %jit3A_51 = arith.constant 0.000000e+00 : f32
      %broadcast_in_dim3A_52 = vector.broadcast %jit3A_51 : f32 to vector<8x8192xf32>
      %select_n3A_53 = arith.select %eq3A_41, %get3A_7, %broadcast_in_dim3A_52 : vector<8x8192xi1>, vector<8x8192xf32>
      %reduce_sum3A_54 = arith.constant dense<0.000000e+00> : vector<8xf32>
      %reduce_sum3A_55 = vector.multi_reduction <add>, %select_n3A_53, %reduce_sum3A_54 [1] : vector<8x8192xf32> to vector<8xf32>
      %broadcast_in_dim3A_56 = vector.shape_cast %reduce_sum3A_55 : vector<8xf32> to vector<8x1xf32>
      %eq3A_57 = vector.broadcast %scan3A_39 : i32 to vector<8x512xi32>
      %eq3A_58 = arith.cmpi eq, %iota3A_8, %eq3A_57 : vector<8x512xi32>
      %convert_element_type3A = arith.extui %eq3A_58 : vector<8x512xi1> to vector<8x512xi32>
      %convert_element_type3A_59 = arith.extui %eq3A_58 : vector<8x512xi1> to vector<8x512xi32>
      %convert_element_type3A_60 = arith.sitofp %convert_element_type3A_59 : vector<8x512xi32> to vector<8x512xf32>
      %get3A_61 = arith.constant 0 : index
      %get3A_62 = arith.constant 0 : index
      %get3A_63 = vector.load %arg3[%get3A_61, %get3A_62] : memref<8x512xi32, #tpu.memory_space<vmem>>, vector<8x512xi32>
      %mul3A = vector.broadcast %scan3A_40 : vector<8x1xi32> to vector<8x512xi32>
      %mul3A_64 = arith.muli %convert_element_type3A, %mul3A : vector<8x512xi32>
      %add3A = arith.addi %get3A_63, %mul3A_64 : vector<8x512xi32>
      %swap3A_65 = arith.constant 0 : index
      %swap3A_66 = arith.constant 0 : index
      %swap3A_67 = vector.load %arg3[%swap3A_65, %swap3A_66] : memref<8x512xi32, #tpu.memory_space<vmem>>, vector<8x512xi32>
      tpu.vector_store %arg3[%swap3A_65, %swap3A_66], %add3A {strides = array<i32>} : memref<8x512xi32, #tpu.memory_space<vmem>>, vector<8x512xi32>,
      %get3A_68 = arith.constant 0 : index
      %get3A_69 = arith.constant 0 : index
      %get3A_70 = vector.load %arg4[%get3A_68, %get3A_69] : memref<8x512xf32, #tpu.memory_space<vmem>>, vector<8x512xf32>
      %mul3A_71 = vector.broadcast %broadcast_in_dim3A_44 : vector<8x1xf32> to vector<8x512xf32>
      %mul3A_72 = arith.mulf %convert_element_type3A_60, %mul3A_71 : vector<8x512xf32>
      %add3A_73 = arith.addf %get3A_70, %mul3A_72 : vector<8x512xf32>
      %swap3A_74 = arith.constant 0 : index
      %swap3A_75 = arith.constant 0 : index
      %swap3A_76 = vector.load %arg4[%swap3A_74, %swap3A_75] : memref<8x512xf32, #tpu.memory_space<vmem>>, vector<8x512xf32>
      tpu.vector_store %arg4[%swap3A_74, %swap3A_75], %add3A_73 {strides = array<i32>} : memref<8x512xf32, #tpu.memory_space<vmem>>, vector<8x512xf32>,
      %get3A_77 = arith.constant 0 : index
      %get3A_78 = arith.constant 0 : index
      %get3A_79 = vector.load %arg5[%get3A_77, %get3A_78] : memref<8x512xf32, #tpu.memory_space<vmem>>, vector<8x512xf32>
      %mul3A_80 = vector.broadcast %broadcast_in_dim3A_50 : vector<8x1xf32> to vector<8x512xf32>
      %mul3A_81 = arith.mulf %convert_element_type3A_60, %mul3A_80 : vector<8x512xf32>
      %add3A_82 = arith.addf %get3A_79, %mul3A_81 : vector<8x512xf32>
      %swap3A_83 = arith.constant 0 : index
      %swap3A_84 = arith.constant 0 : index
      %swap3A_85 = vector.load %arg5[%swap3A_83, %swap3A_84] : memref<8x512xf32, #tpu.memory_space<vmem>>, vector<8x512xf32>
      tpu.vector_store %arg5[%swap3A_83, %swap3A_84], %add3A_82 {strides = array<i32>} : memref<8x512xf32, #tpu.memory_space<vmem>>, vector<8x512xf32>,
      %get3A_86 = arith.constant 0 : index
      %get3A_87 = arith.constant 0 : index
      %get3A_88 = vector.load %arg6[%get3A_86, %get3A_87] : memref<8x512xf32, #tpu.memory_space<vmem>>, vector<8x512xf32>
      %mul3A_89 = vector.broadcast %broadcast_in_dim3A_56 : vector<8x1xf32> to vector<8x512xf32>
      %mul3A_90 = arith.mulf %convert_element_type3A_60, %mul3A_89 : vector<8x512xf32>
      %add3A_91 = arith.addf %get3A_88, %mul3A_90 : vector<8x512xf32>
      %swap3A_92 = arith.constant 0 : index
      %swap3A_93 = arith.constant 0 : index
      %swap3A_94 = vector.load %arg6[%swap3A_92, %swap3A_93] : memref<8x512xf32, #tpu.memory_space<vmem>>, vector<8x512xf32>
      tpu.vector_store %arg6[%swap3A_92, %swap3A_93], %add3A_91 {strides = array<i32>} : memref<8x512xf32, #tpu.memory_space<vmem>>, vector<8x512xf32>,
      %sub3A = vector.broadcast %broadcast_in_dim3A_44 : vector<8x1xf32> to vector<8x8192xf32>
      %sub3A_95 = arith.subf %get3A_1, %sub3A : vector<8x8192xf32>
      %sub3A_96 = vector.broadcast %broadcast_in_dim3A_50 : vector<8x1xf32> to vector<8x8192xf32>
      %sub3A_97 = arith.subf %get3A_4, %sub3A_96 : vector<8x8192xf32>
      %sub3A_98 = vector.broadcast %broadcast_in_dim3A_56 : vector<8x1xf32> to vector<8x8192xf32>
      %sub3A_99 = arith.subf %get3A_7, %sub3A_98 : vector<8x8192xf32>
      %mul3A_100 = arith.mulf %sub3A_95, %sub3A_95 : vector<8x8192xf32>
      %mul3A_101 = arith.mulf %sub3A_97, %sub3A_97 : vector<8x8192xf32>
      %add3A_102 = arith.addf %mul3A_100, %mul3A_101 : vector<8x8192xf32>
      %mul3A_103 = arith.mulf %sub3A_99, %sub3A_99 : vector<8x8192xf32>
      %add3A_104 = arith.addf %add3A_102, %mul3A_103 : vector<8x8192xf32>
      %get3A_105 = arith.constant 0 : index
      %get3A_106 = arith.constant 0 : index
      %get3A_107 = vector.load %arg7[%get3A_105, %get3A_106] : memref<8x8192xf32, #tpu.memory_space<vmem>>, vector<8x8192xf32>
      %min3A = arith.minimumf %get3A_107, %add3A_104 : vector<8x8192xf32>
      %swap3A_108 = arith.constant 0 : index
      %swap3A_109 = arith.constant 0 : index
      %swap3A_110 = vector.load %arg7[%swap3A_108, %swap3A_109] : memref<8x8192xf32, #tpu.memory_space<vmem>>, vector<8x8192xf32>
      tpu.vector_store %arg7[%swap3A_108, %swap3A_109], %min3A {strides = array<i32>} : memref<8x8192xf32, #tpu.memory_space<vmem>>, vector<8x8192xf32>,
      %reduce_max3A = arith.constant dense<0xFF800000> : vector<8xf32>
      %reduce_max3A_111 = vector.multi_reduction <maximumf>, %min3A, %reduce_max3A [1] : vector<8x8192xf32> to vector<8xf32>
      %broadcast_in_dim3A_112 = vector.shape_cast %reduce_max3A_111 : vector<8xf32> to vector<8x1xf32>
      %eq3A_113 = vector.broadcast %broadcast_in_dim3A_112 : vector<8x1xf32> to vector<8x8192xf32>
      %eq3A_114 = arith.cmpf oeq, %min3A, %eq3A_113 : vector<8x8192xf32>
      %jit3A_115 = arith.constant 8192 : i32
      %broadcast_in_dim3A_116 = vector.broadcast %jit3A_115 : i32 to vector<8x8192xi32>
      %select_n3A_117 = arith.select %eq3A_114, %iota3A, %broadcast_in_dim3A_116 : vector<8x8192xi1>, vector<8x8192xi32>
      %reduce_min3A = arith.constant dense<2147483647> : vector<8xi32>
      %reduce_min3A_118 = vector.multi_reduction <minsi>, %select_n3A_117, %reduce_min3A [1] : vector<8x8192xi32> to vector<8xi32>
      %broadcast_in_dim3A_119 = vector.shape_cast %reduce_min3A_118 : vector<8xi32> to vector<8x1xi32>
      scf.yield %broadcast_in_dim3A_119 : vector<8x1xi32>
    }
    %scan3A_38 = arith.constant 512 : i32
    return
  }
}

</mosaic_0001>

<sc_bundles>
// kernel: kernel.4.cloned.1.call-start
scs
__scs_entry_jumppad:
0x0: {  	(pc) =	sbr.rel $0x88, $3  }
0x1: {  	(tag) =	ssettag $0x0;
	lr =	simm.s32 $0x1  }
0x2: {  	[smem:$0x3FA0] =	sst lr;
	_ =	strace $0xD0000000  }
0x3: {  	_ = 	snop  }
0x4: {  	_ = 	snop  }
0x5: {  	_ = 	snop  }
0x6: {  	_ = 	snop  }
0x7: {  	_ = 	snop  }
__scs_overlays_trampoline_lowered:
0x8: {  	[smem:$0x3FAF] =	sst s0  }
0x9: {  	[smem:$0x3FB0] =	sst s1  }
0xa: {  	[smem:$0x3FB1] =	sst s2  }
0xb: {  	[smem:$0x3FB2] =	sst s3  }
0xc: {  	[smem:$0x3FB3] =	sst s4  }
0xd: {  	[smem:$0x3FB4] =	sst s5  }
0xe: {  	[smem:$0x3FB5] =	sst s6  }
0xf: {  	[smem:$0x3FB6] =	sst s7  }
0x10: {  	[smem:$0x3FB7] =	sst s8  }
0x11: {  	[smem:$0x3FB8] =	sst s9;
	s0 =	simm.s32 @!p0 $0x0  }
0x12: {  	s1 =	sld [smem:$0x3F9E];
	s0 =	simm.s32 @p0 $0x1  }
0x13: {  	[smem:$0x3FB9] =	sst s0;
	s0 =	simm.s32 @!p1 $0x0  }
0x14: {  	s2 =	sld [smem:$0x3F9D];
	s0 =	simm.s32 @p1 $0x1  }
0x15: {  	[smem:$0x3FBA] =	sst s0;
	s0 =	simm.s32 @!p2 $0x0  }
0x16: {  	s3 =	sld [smem:$0x3FDB];
	s0 =	simm.s32 @p2 $0x1  }
0x17: {  	s4 =	simm.s32 $0x1BF5;
	[smem:$0x3FBC] =	sst s0  }
0x18: {  	s0 =	sld [smem:$0x3F9F];
	_ =	swait.ge [sflag:s4], $0x0  }
0x19: {  	s7 =	sld [smem:$0x3FA0]  }
0x1a: {  	s8 =	sadd.s32 $0xFFFFE003, lr  }
0x1b: {  	s9 =	sadd.s32 $0xFFFFFEF7, lr;
	s5 =	simm.s32 $0xFFFFFFFF;
	p2 =	slt.u32 s8, $0xFFFFF086  }
0x1c: {  	p1 =	slt.u32 s9, $0xF7A;
	s5 =	simm.s32 @!p2 $0x0  }
0x1d: {  	s5 =	simm.s32 @p1 $0x1;
	p0 =	seq.s32 s7, s2  }
0x1e: {  	s7 =	smul.u32 @!p0 $0xF7A, s2;
	p2 =	seq.s32 @!p0 s5, $0x0  }
0x1f: {  	s9 =	smul.u32 $0xF7A, s1;
	s8 =	simm.s32 @!p0 $0x1BF5;
	p2 =	por !p2, p0  }
0x20: {  	[sflag:s8] =	ssyncset.s32 @!p0 $0xFFFFF086;
	s6 =	sadd.s32 @!p0 s3, s7;
	s7 =	simm.s32 @!p0 $0x108  }
0x21: {  	s3 =	sadd.s32 s3, s9;
	s6 =	sadd.s32 @!p0 $0x88, s6;
	s7 =	simm.s32 @p2 $0x1082  }
0x22: {  	[simem:s7], [sflag:s8] =	dma.local @!p0 [hbm:s6], $0xF7A  }
0x23: {  	s9 =	sor.u32 $0xD0000000, s2;
	s6 =	simm.s32 $0x108;
	_ =	swait.ge @!p0 [sflag:s8], $0x0  }
0x24: {  	s3 =	sadd.s32 $0x88, s3;
	s6 =	simm.s32 @!p1 $0x1082;
	[sflag:s4] =	ssyncset.s32 $0xFFFFF086  }
0x25: {  	[simem:s6], [sflag:s4] =	dma.local [hbm:s3], $0xF7A  }
0x26: {  	[smem:$0x3FA0] =	sst s1;
	(tag) =	ssettag s2;
	_ =	strace s9  }
0x27: {  	s1 =	sld [smem:$0x3FB0]  }
0x28: {  	s2 =	sld [smem:$0x3FB1]  }
0x29: {  	s4 =	sld [smem:$0x3FB3]  }
0x2a: {  	p0 =	seq.s32 s5, $0x0;
	s5 =	sld [smem:$0x3FB4]  }
0x2b: {  	s6 =	sld [smem:$0x3FB5]  }
0x2c: {  	s7 =	sld [smem:$0x3FB6]  }
0x2d: {  	s3 =	simm.s32 $0x108;
	s8 =	sld [smem:$0x3FB7]  }
0x2e: {  	s3 =	simm.s32 @!p0 $0x1082;
	s9 =	sld [smem:$0x3FB8]  }
0x2f: {  	lr =	sadd.s32 s0, s3;
	s0 =	sld [smem:$0x3FAF]  }
0x30: {  	s3 =	sld [smem:$0x3FB2]  }
0x31: {  	[smem:$0x3FBB] =	sst s10  }
0x32: {  	s10 =	sld [smem:$0x3FB9];
	_ =	sdelay $0x3  }
0x33: {  	p0 =	seq.s32 s10, $0x1;
	s10 =	sld [smem:$0x3FBB];
	_ =	sdelay $0x3  }
0x34: {  	[smem:$0x3FBB] =	sst s10  }
0x35: {  	s10 =	sld [smem:$0x3FBA];
	_ =	sdelay $0x3  }
0x36: {  	p1 =	seq.s32 s10, $0x1;
	s10 =	sld [smem:$0x3FBB];
	_ =	sdelay $0x3  }
0x37: {  	[smem:$0x3FBB] =	sst s10  }
0x38: {  	s10 =	sld [smem:$0x3FBC]  }
0x39: {  	_ = 	snop;
	(pc) =	sbr.ind lr, $3  }
0x3a: {  	_ = 	snop  }
0x3b: {  	_ = 	snop  }
0x3c: {  	p2 =	seq.s32 s10, $0x1;
	s10 =	sld [smem:$0x3FBB]  }
0x3d: {  	_ =	shalt  }
0x3e: {  	_ =	shalt  }
0x3f: {  	_ =	shalt  }
0x40: {  	_ =	shalt  }
0x41: {  	_ =	shalt  }
0x42: {  	_ =	shalt  }
0x43: {  	_ =	shalt  }
0x44: {  	_ =	shalt  }
0x45: {  	_ =	shalt  }
0x46: {  	_ =	shalt  }
0x47: {  	_ =	shalt  }
0x48: {  	_ =	shalt  }
0x49: {  	_ =	shalt  }
0x4a: {  	_ =	shalt  }
0x4b: {  	_ =	shalt  }
0x4c: {  	_ =	shalt  }
0x4d: {  	_ =	shalt  }
0x4e: {  	_ =	shalt  }
0x4f: {  	_ =	shalt  }
0x50: {  	_ =	shalt  }
0x51: {  	_ =	shalt  }
0x52: {  	_ =	shalt  }
0x53: {  	_ =	shalt  }
0x54: {  	_ =	shalt  }
0x55: {  	_ =	shalt  }
0x56: {  	_ =	shalt  }
0x57: {  	_ =	shalt  }
0x58: {  	_ =	shalt  }
0x59: {  	_ =	shalt  }
0x5a: {  	_ =	shalt  }
0x5b: {  	_ =	shalt  }
0x5c: {  	_ =	shalt  }
0x5d: {  	_ =	shalt  }
0x5e: {  	_ =	shalt  }
0x5f: {  	_ =	shalt  }
0x60: {  	_ =	shalt  }
0x61: {  	_ =	shalt  }
0x62: {  	_ =	shalt  }
0x63: {  	_ =	shalt  }
0x64: {  	_ =	shalt  }
0x65: {  	_ =	shalt  }
0x66: {  	_ =	shalt  }
0x67: {  	_ =	shalt  }
0x68: {  	_ =	shalt  }
0x69: {  	_ =	shalt  }
0x6a: {  	_ =	shalt  }
0x6b: {  	_ =	shalt  }
0x6c: {  	_ =	shalt  }
0x6d: {  	_ =	shalt  }
0x6e: {  	_ =	shalt  }
0x6f: {  	_ =	shalt  }
0x70: {  	_ =	shalt  }
0x71: {  	_ =	shalt  }
0x72: {  	_ =	shalt  }
0x73: {  	_ =	shalt  }
0x74: {  	_ =	shalt  }
0x75: {  	_ =	shalt  }
0x76: {  	_ =	shalt  }
0x77: {  	_ =	shalt  }
0x78: {  	_ =	shalt  }
0x79: {  	_ =	shalt  }
0x7a: {  	_ =	shalt  }
0x7b: {  	_ =	shalt  }
0x7c: {  	_ =	shalt  }
0x7d: {  	_ =	shalt  }
0x7e: {  	_ =	shalt  }
0x7f: {  	_ =	shalt  }
0x80: {  	_ =	shalt  }
0x81: {  	_ =	shalt  }
0x82: {  	_ =	shalt  }
0x83: {  	_ =	shalt  }
0x84: {  	_ =	shalt  }
0x85: {  	_ =	shalt  }
0x86: {  	_ =	shalt  }
0x87: {  	_ =	shalt  }
.Lfunc_end0:
.L_simem_size_0:
called_computation_lowered:
.L_overlay_start_0:
0x88: {  	s2 =	sld [smem:$0x3FD9]  }
0x89: {  	s3 =	sld [smem:$0x3FFE];
	_ =	sdelay $0x1  }
0x8a: {  	s1 =	srdreg.scid  }
0x8b: {  	s0 =	sand.u32 $0x1, s1  }
0x8c: {  	s14 =	sshll.u32 s0, $0xA;
	s2 =	sadd.s32 s3, s2  }
0x8d: {  	s2 =	sadd.s32 s2, s14  }
0x8e: {  	[smem:$0x3FC7] =	sst s2  }
0x8f: {  	_ = 	snop  }
0x90: {  	s2 =	sld [smem:$0x3FD0];
	_ =	sdelay $0x2  }
0x91: {  	s15 =	simm.s32 $0xA;
	s4 =	simm.s32 $0x10  }
0x92: {  	[smem:s4], [sflag:s15] =	dma.local [hbm:s2], $0x1  }
0x93: {  	_ =	swait.eq [sflag:s15], $0x1  }
0x94: {  	[sflag:s15] =	ssyncset.done $0x0  }
0x95: {  	s16 =	sld [smem:$0x10];
	[sflag:s15] =	ssyncadd.s32 $0xFFFFFFFF  }
0x96: {  	s17 =	sld [smem:$0x12];
	(tm) =	ssettm $0x1  }
0x97: {  	s18 =	sld [smem:$0x3FFB];
	_ =	sdelay $0x3  }
0x98: {  	_ =	strace s18  }
0x99: {  	s4 =	sld [smem:$0x3FFC];
	_ =	sdelay $0x3  }
0x9a: {  	_ =	strace s4  }
0x9b: {  	s4 =	sld [smem:$0x3FFD];
	_ =	sdelay $0x3  }
0x9c: {  	_ =	strace s4  }
0x9d: {  	_ =	strace $0x8FFFFFFF  }
0x9e: {  	s19 =	sld [smem:$0x3FDB];
	_ =	sdelay $0x1  }
0x9f: {  	s5 =	simm.s32 $_scs_section_size  }
0xa0: {  	s6 =	simm.s32 $_size__tile_overlayer_lowered;
	s7 =	simm.s32 $_tile_overlayer_lowered  }
0xa1: {  	s22 =	simm.s32 $0x1BFF;
	s21 =	sshll.u32 s7, $0x1;
	s4 =	sadd.s32 s5, s19  }
0xa2: {  	s8 =	simm.s32 $0x0;
	s20 =	sshll.u32 s6, $0x1;
	s6 =	sadd.s32 s21, s4  }
0xa3: {  	[timem:s8], [sflag:s22] =	dma.local [hbm:s6], s20  }
0xa4: {  	_ =	swait.ge [sflag:s22], s20  }
0xa5: {  	s5 =	ssub.s32 $0x0, s20;
	[sflag:s22] =	ssyncset.done $0x0  }
0xa6: {  	[sflag:s22] =	ssyncadd.s32 s5;
	_ =	sdelay $0x1  }
0xa7: {  	s23 =	simm.s32 $0x1B8B  }
0xa8: {  	_ =	swait.ge [sflag:s23], $0x1  }
0xa9: {  	[sflag:s23] =	ssyncset.done $0x0  }
0xaa: {  	s25 =	simm.s32 $0x1B8E;
	s24 =	sld [smem:$0x3FFE];
	[sflag:s23] =	ssyncadd.s32 $0xFFFFFFFF  }
0xab: {  	s26 =	simm.s32 $execute0_lowered;
	[smem:$0x3FD2] =	sst s25  }
0xac: {  	s6 =	sshll.u32 s26, $0x1;
	_ =	strace $0x80000046;
	[dreg:$0x1] =	wrdreg $0xFFFFFFFF  }
0xad: {  	s28 =	simm.s32 $_size_execute0_lowered;
	s4 =	sadd.s32 s4, s6;
	[dreg:$0x0] =	wrdreg $0x0  }
0xae: {  	s6 =	sshll.u32 s28, $0x1;
	[dreg:$0x2] =	wrdreg s4  }
0xaf: {  	[dreg:$0x3] =	wrdreg s6  }
0xb0: {  	[dreg:$0x4] =	wrdreg $0xC0  }
0xb1: {  	_ =	task [dreg:s8], $0x5FFFF  }
0xb2: {  	[dreg:$0x1] =	wrdreg $0xFFFFFFFF  }
0xb3: {  	[dreg:$0x0] =	wrdreg $0x60  }
0xb4: {  	[dreg:$0x2] =	wrdreg s24  }
0xb5: {  	[dreg:$0x3] =	wrdreg s17  }
0xb6: {  	[dreg:$0x4] =	wrdreg s16  }
0xb7: {  	[dreg:$0x5] =	wrdreg $0x9  }
0xb8: {  	_ =	task.clear_ibuf [dreg:s8], $0x6FFFF;
	_ =	strace $0x90000046  }
0xb9: {  	s29 =	simm.s32 $0x9;
	_ =	strace $0x80000048  }
0xba: {  	_ =	swait.ge [sflag:s29], $0x1  }
0xbb: {  	[sflag:s29] =	ssyncadd.s32 $0xFFFFFFFF  }
0xbc: {  	_ =	strace $0x90000048  }
0xbd: {  	_ =	sfence  }
0xbe: {  	s30 =	sld [smem:$0x0];
	_ =	sdelay $0x2  }
0xbf: {  	s31 =	sshll.u32 s1, $0xD;
	s1 =	sshrl.u32 s1, $0x2  }
0xc0: {  	s3 =	sand.u32 $0x4000, s31;
	s1 =	sadd.s32 s1, s30  }
0xc1: {  	s0 =	sor.u32 s3, s0;
	s1 =	sshll.u32 s1, $0x11  }
0xc2: {  	s0 =	sor.u32 s1, s0  }
0xc3: {  	s0 =	sadd.s32 $0x8F2B, s0  }
0xc4: {  	[sflag:s0] =	ssyncadd.remote.s32 $0x1  }
0xc5: {  	_ =	sfence.sel $0xFFFF  }
0xc6: {  	[dreg:$0x0] =	wrdreg $0xFFFFFFFF;
	(pc) =	sbr.abs _section_cstart, $3  }
0xc7: {  	[dreg:$0x1] =	wrdreg $0xFFFFFFFF  }
0xc8: {  	_ =	task.clear_ibuf [dreg:s8], $0x2FFFF;
	_ =	strace $0x9FFFFFFF  }
0xc9: {  	(tm) =	ssettm $0x7FFFFFFF  }
tec
execute0_lowered:
.L_overlay_start_1:
0x0: {  	(tag) =	ssettag $0x1  }
0x1: {  	s0 =	rddreg [dreg:$0x0]  }
0x2: {  	s1 =	rddreg [dreg:$0x1]  }
0x3: {  	s10 =	rddreg [dreg:$0x2]  }
0x4: {  	s5 =	stileid.u32;
	s3 =	srdreg.scid  }
0x5: {  	s2 =	simm.s32 $0x0;
	s14 =	simm.s32 $0x80;
	s15 =	simm.s32 $0x400  }
0x6: {  	s16 =	simm.s32 $0x1;
	s18 =	simm.s32 $0x4000;
	s19 =	simm.s32 $0x10000  }
0x7: {  	v0 =	vimm.s32 $0xEFCDAB89;
	s20 =	simm.s32 $0x10080;
	s21 =	simm.s32 $0x10100;
	s22 =	simm.s32 $0x10400  }
0x8: {  	v1 =	vimm.s32 $0x67452301;
	s23 =	simm.s32 $0x11400;
	s24 =	simm.s32 $0x12400;
	s25 =	simm.s32 $0x13400  }
0x9: {  	v2 =	vimm.s32 $0xDCFE98BA;
	v3 =	vimm.s32 $0x54761032;
	v4 =	vimm.s32 $0xBA98FEDC;
	s26 =	simm.s32 $0x0;
	s4 =	sshll.u32 s5, $0x1;
	s3 =	sand.u32 $0x1, s3  }
0xa: {  	v5 =	vimm.s32 $0x32107654;
	v6 =	vimm.s32 $0xFEDCBA98;
	[smem:$0x7FF] =	sst s2;
	s5 =	sshll.u32 s5, $0x6;
	s4 =	sand.u32 $0x2, s4  }
0xb: {  	v7 =	vimm.s32 $0x76543210;
	v0 =	vunpack.c.l.s4.s8 v0;
	v1 =	vunpack.c.l.s4.s8 v1;
	_ =	strace $0x80000047;
	s5 =	sand.u32 $0x380, s5;
	s30 =	ssub.s32 $0x2, s3  }
0xc: {  	v2 =	vunpack.c.l.s4.s8 v2;
	v3 =	vunpack.c.l.s4.s8 v3;
	v4 =	vunpack.c.l.s4.s8 v4;
	s4 =	sor.u32 s3, s4;
	s7 =	sshrl.u32 s5, $0x3;
	s31 =	sshrl.u32 s30, $0x1  }
0xd: {  	v5 =	vunpack.c.l.s4.s8 v5;
	v6 =	vunpack.c.l.s4.s8 v6;
	v0 =	vunpack.c.0.s8.s32 v0;
	s6 =	sshll.u32 s4, $0xA;
	s4 =	sshll.u32 s4, $0xF;
	s7 =	sadd.s32 s7, s0  }
0xe: {  	v1 =	vunpack.c.0.s8.s32 v1;
	v2 =	vunpack.c.0.s8.s32 v2;
	v3 =	vunpack.c.0.s8.s32 v3;
	s13 =	ssub.s32 s30, s31;
	s6 =	sor.u32 s5, s6;
	s4 =	sor.u32 s5, s4  }
0xf: {  	v7 =	vunpack.c.l.s4.s8 v7;
	v4 =	vunpack.c.0.s8.s32 v4;
	v5 =	vunpack.c.0.s8.s32 v5;
	s3 =	sadd.s32 $0x2400, s7;
	s5 =	sadd.s32 $0x4400, s7;
	s13 =	smax.u32 s13, $0x1  }
0x10: {  	v0 =	vcombine.low v1, v0;
	v1 =	vcombine.low v3, v2;
	v2 =	vunpack.c.0.s8.s32 v6;
	s6 =	sshrl.u32 s6, $0x3;
	s11 =	sshrl.u32 s4, $0x3;
	s4 =	sadd.s32 $0x6400, s7  }
0x11: {  	v3 =	vcombine.low v5, v4;
	v4 =	vunpack.c.0.s8.s32 v7;
	s8 =	sadd.s32 s6, s0;
	s0 =	sadd.s32 s11, s0;
	s9 =	sadd.s32 s1, s11  }
0x12: {  	s10 =	sadd.s32 s10, s11;
	v0 =	vand.u32 $0xF, v0;
	v1 =	vand.u32 $0xF, v1;
	v5 =	vand.u32 $0xF, v2;
	s6 =	sadd.s32 $0x8400, s8;
	s7 =	sadd.s32 $0x8600, s8  }
0x13: {  	v2 =	vand.u32 $0xF, v3;
	s8 =	sadd.s32 $0x8800, s8;
	s11 =	sadd.s32 $0x8A00, s0;
	s12 =	sadd.s32 $0xCA00, s0;
	v3 =	vcombine.low v5, v4;
	v4 =	vlaneseq.u32  }
.LBB2_1:
0x14: {  	[tilespmem:s2], [sflag:$0x1] =	stream.strided.gather [hbm4b:s3+s14], $0x2000, s15, s14, $0x38;
	[tilespmem:$0x14400] =	vst v63  }
0x15: {  	_ =	swait.ge [sflag:s16], $0x2000  }
0x16: {  	[sflag:s16] =	ssyncset.done $0x0  }
0x17: {  	s0 =	simm.s32 $0x2000;
	[sflag:s16] =	ssyncadd.s32 $0xFFFFE000  }
0x18: {  	[tilespmem:s0], [sflag:$0x1] =	stream.strided.gather [hbm4b:s4+s14], $0x2000, s15, s14, $0x38;
	[tilespmem:$0x14400] =	vst v63  }
0x19: {  	_ =	swait.ge [sflag:s16], $0x2000  }
0x1a: {  	[sflag:s16] =	ssyncset.done $0x0  }
0x1b: {  	[sflag:s16] =	ssyncadd.s32 $0xFFFFE000  }
0x1c: {  	[tilespmem:s18], [sflag:$0x1] =	stream.strided.gather [hbm4b:s5+s14], $0x2000, s15, s14, $0x38;
	[tilespmem:$0x14400] =	vst v63  }
0x1d: {  	_ =	swait.ge [sflag:s16], $0x2000  }
0x1e: {  	[sflag:s16] =	ssyncset.done $0x0  }
0x1f: {  	[sflag:s16] =	ssyncadd.s32 $0xFFFFE000  }
0x20: {  	[tilespmem:s19], [sflag:$0x1] =	stream.linear.gather [hbm4b:s6+s2], $0x80, $0x38;
	[tilespmem:$0x14400] =	vst v63  }
0x21: {  	_ =	swait.ge [sflag:s16], $0x80  }
0x22: {  	[sflag:s16] =	ssyncset.done $0x0  }
0x23: {  	[sflag:s16] =	ssyncadd.s32 $0xFFFFFF80  }
0x24: {  	[tilespmem:s20], [sflag:$0x1] =	stream.linear.gather [hbm4b:s7+s2], $0x80, $0x38;
	[tilespmem:$0x14400] =	vst v63  }
0x25: {  	_ =	swait.ge [sflag:s16], $0x80  }
0x26: {  	[sflag:s16] =	ssyncset.done $0x0  }
0x27: {  	[sflag:s16] =	ssyncadd.s32 $0xFFFFFF80  }
0x28: {  	[tilespmem:s21], [sflag:$0x1] =	stream.linear.gather [hbm4b:s8+s2], $0x80, $0x38;
	[tilespmem:$0x14400] =	vst v63  }
0x29: {  	_ =	swait.ge [sflag:s16], $0x80  }
0x2a: {  	[sflag:s16] =	ssyncset.done $0x0  }
0x2b: {  	s0 =	simm.s32 $0x0;
	[sflag:s16] =	ssyncadd.s32 $0xFFFFFF80  }
0x2c: {  	v9 =	vld [tilespmem:s0+$0x20]  }
0x2d: {  	v12 =	vld [tilespmem:s0+$0x4030]  }
0x2e: {  	v10 =	vld [tilespmem:s0+$0x2030]  }
0x2f: {  	v5 =	vld [tilespmem:s0+$0x4010]  }
0x30: {  	v24 =	vld [tilespmem:s0+$0x2000]  }
0x31: {  	v31 =	vld [tilespmem:s0+$0x2020]  }
0x32: {  	v7 =	vld [tilespmem:s0+$0x10]  }
0x33: {  	v14 =	vld [tilespmem:s0+$0x2010];
	v16 =	vmul.f32 $6.553700000e+04, v12;
	v6 =	vmul.f32 v12, v12  }
0x34: {  	v20 =	vld [tilespmem:s0+$0x4020];
	v11 =	vmul.f32 $6.553700000e+04, v5;
	v13 =	vmul.f32 v10, v10  }
0x35: {  	v19 =	vld [tilespmem:s0+$0x0];
	v8 =	vmul.f32 $6.553700000e+04, v10;
	v21 =	vmul.f32 v9, v9;
	v12 =	vsub.f32 v16, v12  }
0x36: {  	v27 =	vmul.f32 $6.553700000e+04, v9;
	v22 =	vmul.f32 $6.553700000e+04, v24  }
0x37: {  	v29 =	vmul.f32 $6.553700000e+04, v31;
	v17 =	vmul.f32 v24, v24;
	v30 =	vsub.f32 v16, v12;
	v16 =	vld [tilespmem:s0+$0x4000]  }
0x38: {  	v25 =	vmul.f32 $6.553700000e+04, v7;
	v18 =	vmul.f32 v14, v14;
	v12 =	vsub.f32 v27, v9;
	v9 =	vld [tilespmem:s0+$0x30]  }
0x39: {  	v26 =	vmul.f32 $6.553700000e+04, v20;
	v15 =	vsub.f32 v11, v5;
	v32 =	vsub.f32 v29, v31  }
0x3a: {  	v23 =	vmul.f32 $6.553700000e+04, v19;
	v28 =	vsub.f32 v25, v7;
	v33 =	vsub.f32 v27, v12  }
0x3b: {  	v31 =	vmul.f32 v31, v31;
	v12 =	vmul.f32 $6.553700000e+04, v14;
	v27 =	vsub.f32 v29, v32;
	[tilespmem:s0+$0xA030] =	vst v30  }
0x3c: {  	s1 =	simm.s32 $0x100;
	v29 =	vsub.f32 v26, v20;
	v30 =	vsub.f32 v22, v24;
	[tilespmem:s0+$0x6020] =	vst v33;
	v24 =	vmul.f32 $6.553700000e+04, v16  }
.LBB2_2:
0x3d: {  	s28 =	sshra.s32 s1, $0x2;
	p0 =	sne.s32 s1, $0x7F00;
	s1 =	sadd.s32 $0x100, s1;
	v32 =	vsub.f32 v23, v19;
	v33 =	vsub.f32 v12, v14;
	v14 =	vmul.f32 v9, v9  }
0x3e: {  	v25 =	vsub.f32 v25, v28;
	v20 =	vmul.f32 v20, v20;
	v34 =	vld [tilespmem:s28+$0x20];
	v21 =	vadd.f32 v31, v21  }
0x3f: {  	v26 =	vsub.f32 v26, v29;
	v29 =	vmul.f32 $6.553700000e+04, v9;
	v22 =	vsub.f32 v22, v30;
	v28 =	vld [tilespmem:s28+$0x4030]  }
0x40: {  	v30 =	vld [tilespmem:s28+$0x2030];
	v20 =	vadd.f32 v20, v21;
	[tilespmem:s0+$0x8020] =	vst v27;
	v27 =	vadd.f32 v13, v14  }
0x41: {  	v10 =	vsub.f32 v8, v10;
	v13 =	vmul.f32 v19, v19;
	v14 =	vsub.f32 v24, v16;
	v31 =	vld [tilespmem:s28+$0x4010];
	[tilespmem:s0+$0x6010] =	vst v25  }
0x42: {  	v15 =	vsub.f32 v11, v15;
	v19 =	vsub.f32 v23, v32;
	v21 =	vmul.f32 v7, v7;
	v35 =	vld [tilespmem:s28+$0x2000];
	[tilespmem:s0+$0x8000] =	vst v22  }
0x43: {  	v16 =	vmul.f32 v16, v16;
	v11 =	vsub.f32 v24, v14;
	v22 =	vsub.f32 v8, v10;
	v32 =	vld [tilespmem:s28+$0x2020];
	[tilespmem:s0+$0xA020] =	vst v26  }
0x44: {  	v17 =	vadd.f32 v17, v13;
	v18 =	vadd.f32 v18, v21;
	v7 =	vld [tilespmem:s28+$0x10];
	v23 =	vmul.f32 v28, v28;
	[tilespmem:s0+$0x6000] =	vst v19  }
0x45: {  	v24 =	vmul.f32 $6.553700000e+04, v28;
	v19 =	vsub.f32 v29, v9;
	v13 =	vmul.f32 v30, v30;
	[tilespmem:s0+$0xA000] =	vst v11;
	v9 =	vld [tilespmem:s28+$0x30];
	v10 =	vmovc v30  }
0x46: {  	v26 =	vadd.f32 v16, v17;
	v14 =	vld [tilespmem:s28+$0x2010];
	v11 =	vmul.f32 $6.553700000e+04, v31;
	v8 =	vmul.f32 $6.553700000e+04, v10;
	[tilespmem:s0+$0xC020] =	vst v20  }
0x47: {  	v25 =	vmul.f32 v5, v5;
	v16 =	vsub.f32 v24, v28;
	v17 =	vsub.f32 v29, v19;
	v20 =	vld [tilespmem:s28+$0x4020];
	[tilespmem:s0+$0xA010] =	vst v15  }
0x48: {  	v21 =	vmul.f32 v34, v34;
	v28 =	vadd.f32 v6, v27;
	v19 =	vld [tilespmem:s28+$0x0];
	v15 =	vsub.f32 v11, v31;
	[tilespmem:s0+$0x8030] =	vst v22  }
0x49: {  	v27 =	vmul.f32 $6.553700000e+04, v34;
	v29 =	vadd.f32 v25, v18;
	v5 =	vmovc v31;
	v24 =	vsub.f32 v24, v16;
	[tilespmem:s0+$0x6030] =	vst v17  }
0x4a: {  	v12 =	vsub.f32 v12, v33;
	v6 =	vmovc v23;
	v22 =	vmul.f32 $6.553700000e+04, v35;
	v30 =	vmul.f32 $6.553700000e+04, v32;
	v16 =	vld [tilespmem:s28+$0x4000];
	[tilespmem:s0+$0xC030] =	vst v28  }
.Ltmp0:
0x4b: {  	v31 =	vsub.f32 v27, v34;
	v17 =	vmul.f32 v35, v35;
	v25 =	vmul.f32 $6.553700000e+04, v7;
	[tilespmem:s0+$0xC000] =	vst v26;
	(pc) =	sbr.rel @p0 .LBB2_2-.Ltmp0, $4  }
0x4c: {  	v33 =	vsub.f32 v30, v32;
	v18 =	vmul.f32 v14, v14;
	v26 =	vmul.f32 $6.553700000e+04, v20;
	[tilespmem:s0+$0x8010] =	vst v12  }
0x4d: {  	v34 =	vsub.f32 v27, v31;
	v28 =	vsub.f32 v25, v7;
	v23 =	vmul.f32 $6.553700000e+04, v19;
	[tilespmem:s0+$0xC010] =	vst v29;
	s0 =	smov.u32 s28  }
0x4e: {  	v12 =	vmul.f32 $6.553700000e+04, v14;
	v27 =	vsub.f32 v30, v33;
	v29 =	vsub.f32 v26, v20;
	[tilespmem:s0+$0xA030] =	vst v24  }
0x4f: {  	v31 =	vmul.f32 v32, v32;
	v30 =	vsub.f32 v22, v35;
	v24 =	vmul.f32 $6.553700000e+04, v16;
	[tilespmem:s0+$0x6020] =	vst v34  }
0x50: {  	v25 =	vsub.f32 v25, v28  }
0x51: {  	[tilespmem:s0+$0x8020] =	vst v27;
	v26 =	vsub.f32 v26, v29  }
0x52: {  	v60 =	vsub.f32 v23, v19;
	v11 =	vsub.f32 v11, v15;
	[tilespmem:s0+$0x6010] =	vst v25  }
0x53: {  	v20 =	vmul.f32 v20, v20;
	v10 =	vsub.f32 v8, v10;
	v22 =	vsub.f32 v22, v30;
	[tilespmem:s0+$0xA020] =	vst v26  }
0x54: {  	v62 =	vmul.f32 $6.553700000e+04, v9;
	v27 =	vsub.f32 v12, v14;
	v23 =	vsub.f32 v23, v60;
	[tilespmem:s0+$0xA010] =	vst v11  }
0x55: {  	v63 =	vmul.f32 v9, v9;
	v61 =	vsub.f32 v24, v16;
	v8 =	vsub.f32 v8, v10;
	[tilespmem:s0+$0x8000] =	vst v22  }
0x56: {  	v7 =	vmul.f32 v7, v7;
	v21 =	vadd.f32 v31, v21;
	v29 =	vsub.f32 v12, v27;
	[tilespmem:s0+$0x6000] =	vst v23  }
0x57: {  	v5 =	vmul.f32 v5, v5;
	v13 =	vadd.f32 v13, v63;
	v24 =	vsub.f32 v24, v61;
	[tilespmem:s0+$0x8030] =	vst v8  }
0x58: {  	v7 =	vadd.f32 v18, v7;
	v20 =	vadd.f32 v20, v21;
	v23 =	vmul.f32 v19, v19;
	[tilespmem:s0+$0x8010] =	vst v29  }
0x59: {  	v6 =	vadd.f32 v6, v13;
	[tilespmem:s0+$0xA000] =	vst v24;
	v24 =	vsub.f32 v62, v9  }
0x5a: {  	v25 =	vmul.f32 v16, v16;
	v5 =	vadd.f32 v5, v7;
	[tilespmem:s0+$0xC020] =	vst v20;
	v26 =	vadd.f32 v17, v23  }
0x5b: {  	[tilespmem:s0+$0xC030] =	vst v6;
	v9 =	vsub.f32 v62, v24  }
0x5c: {  	[tilespmem:s0+$0xC010] =	vst v5;
	v28 =	vadd.f32 v25, v26  }
0x5d: {  	[tilespmem:s0+$0x6030] =	vst v9  }
0x5e: {  	[tilespmem:s0+$0xC000] =	vst v28  }
0x5f: {  	v5 =	vld [tilespmem:$0x10000]  }
0x60: {  	v6 =	vld [tilespmem:$0x10080]  }
0x61: {  	v7 =	vld [tilespmem:$0x10100]  }
0x62: {  	v8 =	vld [tilespmem:$0x10010]  }
0x63: {  	v9 =	vld [tilespmem:$0x10090]  }
0x64: {  	v30 =	vld [tilespmem:$0x10110]  }
0x65: {  	v31 =	vld [tilespmem:$0x10020]  }
0x66: {  	v32 =	vld [tilespmem:$0x100A0]  }
0x67: {  	v33 =	vld [tilespmem:$0x10120]  }
0x68: {  	v34 =	vld [tilespmem:$0x10030]  }
0x69: {  	v35 =	vld [tilespmem:$0x100B0]  }
0x6a: {  	v36 =	vld [tilespmem:$0x10130]  }
0x6b: {  	v37 =	vld [tilespmem:$0x10040]  }
0x6c: {  	v38 =	vld [tilespmem:$0x100C0]  }
0x6d: {  	v39 =	vld [tilespmem:$0x10140];
	v5 =	vmul.f32 v5, v5  }
0x6e: {  	v20 =	vld [tilespmem:$0x10050];
	v6 =	vmul.f32 v6, v6;
	v8 =	vmul.f32 v8, v8  }
0x6f: {  	v40 =	vld [tilespmem:$0x100D0];
	v9 =	vmul.f32 v9, v9;
	v41 =	vmul.f32 v30, v30  }
0x70: {  	v42 =	vld [tilespmem:$0x10060];
	v43 =	vmul.f32 v32, v32;
	v45 =	vmul.f32 v34, v34  }
0x71: {  	v44 =	vld [tilespmem:$0x100E0];
	v46 =	vmul.f32 v35, v35;
	v48 =	vmul.f32 v33, v33  }
0x72: {  	v47 =	vld [tilespmem:$0x10070];
	v49 =	vmul.f32 v36, v36;
	v5 =	vadd.f32 v6, v5;
	v6 =	vmul.f32 v7, v7  }
0x73: {  	v50 =	vld [tilespmem:$0x100F0];
	v51 =	vmul.f32 v37, v37;
	v52 =	vmul.f32 v38, v38  }
0x74: {  	v54 =	vmul.f32 v39, v39;
	v7 =	vld [tilespmem:$0x10150];
	v5 =	vadd.f32 v6, v5;
	v6 =	vmul.f32 v31, v31  }
0x75: {  	v53 =	vld [tilespmem:$0x10160];
	v55 =	vmul.f32 v20, v20;
	v57 =	vmul.f32 v40, v40;
	v8 =	vadd.f32 v9, v8  }
0x76: {  	v56 =	vld [tilespmem:$0x10170];
	v10 =	vmul.f32 v42, v42;
	v12 =	vmul.f32 v44, v44;
	v6 =	vadd.f32 v43, v6  }
0x77: {  	v59 =	vmul.f32 v47, v47;
	v9 =	vadd.f32 v46, v45;
	v8 =	vadd.f32 v41, v8  }
0x78: {  	v60 =	vmul.f32 v50, v50;
	[tilespmem:$0x10180] =	vst v5;
	v5 =	vadd.f32 v52, v51;
	v6 =	vadd.f32 v48, v6  }
0x79: {  	v58 =	vadd.f32 v57, v55;
	v9 =	vadd.f32 v49, v9;
	[tilespmem:$0x10190] =	vst v8;
	v7 =	vmul.f32 v7, v7  }
0x7a: {  	v61 =	vmul.f32 v53, v53;
	v5 =	vadd.f32 v54, v5;
	[tilespmem:$0x101A0] =	vst v6;
	v6 =	vadd.f32 v12, v10  }
0x7b: {  	v63 =	vmul.f32 v56, v56;
	v62 =	vadd.f32 v60, v59;
	[tilespmem:$0x101B0] =	vst v9;
	v7 =	vadd.f32 v7, v58  }
0x7c: {  	[tilespmem:$0x101C0] =	vst v5;
	v5 =	vadd.f32 v61, v6  }
0x7d: {  	[tilespmem:$0x101D0] =	vst v7;
	v6 =	vadd.f32 v63, v62  }
0x7e: {  	[tilespmem:$0x101E0] =	vst v5  }
0x7f: {  	s28 =	simm.s32 $0x0;
	[tilespmem:$0x101F0] =	vst v6  }
.LBB2_4:
0x80: {  	s0 =	sand.u32 $0x70, s28  }
0x81: {  	v5 =	vld [tilespmem:s0+$0x10000]  }
0x82: {  	v6 =	vld [tilespmem:s0+$0x10080]  }
0x83: {  	v7 =	vld [tilespmem:s0+$0x10100]  }
0x84: {  	s29 =	simm.s32 $0x0;
	v8 =	vld [tilespmem:s0+$0x10180]  }
0x85: {  	v17 =	vld [tilespmem:s29+$0x60A0]  }
0x86: {  	v19 =	vld [tilespmem:s29+$0xC0D0]  }
0x87: {  	v20 =	vld [tilespmem:s29+$0x80A0]  }
0x88: {  	v16 =	vld [tilespmem:s29+$0xA0A0]  }
0x89: {  	v23 =	vld [tilespmem:s29+$0xA060]  }
0x8a: {  	v26 =	vld [tilespmem:s29+$0xA070]  }
0x8b: {  	v27 =	vld [tilespmem:s29+$0x60B0]  }
0x8c: {  	v25 =	vld [tilespmem:s29+$0xA0B0]  }
0x8d: {  	v22 =	vld [tilespmem:s29+$0xC050]  }
0x8e: {  	v39 =	vld [tilespmem:s29+$0x6070]  }
0x8f: {  	v13 =	vld [tilespmem:s29+$0x80B0]  }
0x90: {  	v24 =	vld [tilespmem:s29+$0x6060]  }
0x91: {  	v18 =	vld [tilespmem:s29+$0x8060]  }
0x92: {  	v31 =	vld [tilespmem:s29+$0xC020]  }
0x93: {  	v28 =	vld [tilespmem:s29+$0xA050]  }
0x94: {  	s17 =	sand.u32 $0xF, s28;
	v12 =	vld [tilespmem:s29+$0x8050]  }
0x95: {  	v9 =	vmov s17;
	v15 =	vld [tilespmem:s29+$0xC040]  }
0x96: {  	v21 =	vld [tilespmem:s29+$0xA010];
	v5 =	vperm.xlane v5, v9;
	v6 =	vperm.xlane v6, v9  }
0x97: {  	v30 =	vld [tilespmem:s29+$0xC030];
	v7 =	vperm.xlane v7, v9  }
0x98: {  	v32 =	vld [tilespmem:s29+$0x6050];
	v10 =	vmul.f32 $6.553700000e+04, v5;
	v14 =	vmul.f32 $6.553700000e+04, v6  }
0x99: {  	v33 =	vld [tilespmem:s29+$0x8070];
	v29 =	vmul.f32 $6.553700000e+04, v7  }
0x9a: {  	v38 =	vld [tilespmem:s29+$0xA040];
	v11 =	vsub.f32 v10, v5;
	v34 =	vsub.f32 v14, v6  }
0x9b: {  	v40 =	vld [tilespmem:s29+$0xA030];
	v36 =	vsub.f32 v29, v7  }
0x9c: {  	v35 =	vld [tilespmem:s29+$0x6040];
	v8 =	vperm.xlane v8, v9;
	v11 =	vsub.f32 v10, v11;
	v10 =	vsub.f32 v14, v34  }
0x9d: {  	v37 =	vld [tilespmem:s29+$0x8040];
	v9 =	vsub.f32 v29, v36  }
0x9e: {  	v14 =	vld [tilespmem:s29+$0x8030];
	v29 =	vadd.f32 v15, v8;
	v34 =	vmul.f32 v12, v10;
	v32 =	vmul.f32 v32, v11  }
0x9f: {  	v15 =	vld [tilespmem:s29+$0x6030];
	v12 =	vadd.f32 v30, v8;
	v30 =	vmul.f32 v13, v10;
	v41 =	vmul.f32 v28, v9  }
0xa0: {  	v33 =	vmul.f32 v33, v10;
	v28 =	vld [tilespmem:s29+$0xA000];
	v13 =	vmul.f32 v40, v9;
	v32 =	vadd.f32 v34, v32  }
0xa1: {  	v36 =	vmul.f32 v24, v11;
	v34 =	vmul.f32 v18, v10;
	v18 =	vadd.f32 v31, v8;
	v31 =	vld [tilespmem:s29+$0xA020]  }
0xa2: {  	s31 =	simm.s32 $0x10200;
	s30 =	simm.s32 $0x10200;
	s0 =	simm.s32 $0x400;
	v38 =	vmul.f32 v38, v9;
	v39 =	vmul.f32 v39, v11;
	v24 =	vadd.f32 v41, v32;
	v32 =	vld [tilespmem:s29+$0x8020]  }
.LBB2_5:
0xa3: {  	p0 =	sne.s32 s0, $0x7C00  }
0xa4: {  	v40 =	vld [tilespmem:s29+$0x6020];
	v35 =	vmul.f32 v35, v11;
	v22 =	vadd.f32 v22, v8;
	v19 =	vadd.f32 v19, v8;
	s31 =	sadd.s32 $0x10, s31;
	s1 =	smov.u32 s0;
	s0 =	sadd.s32 $0x400, s0  }
0xa5: {  	v27 =	vmul.f32 v27, v11;
	v25 =	vmul.f32 v25, v9;
	v41 =	vld [tilespmem:s29+$0x8010]  }
0xa6: {  	v26 =	vmul.f32 v26, v9;
	v37 =	vmul.f32 v37, v10;
	v33 =	vadd.f32 v33, v39;
	v42 =	vld [tilespmem:s29+$0x8000]  }
0xa7: {  	v34 =	vadd.f32 v34, v36;
	v23 =	vmul.f32 v23, v9;
	v39 =	vld [tilespmem:s29+$0x6000]  }
0xa8: {  	v35 =	vadd.f32 v37, v35;
	v26 =	vadd.f32 v26, v33;
	v33 =	vld [tilespmem:s29+$0x8090]  }
0xa9: {  	v20 =	vmul.f32 v20, v10;
	v23 =	vadd.f32 v23, v34;
	v34 =	vld [tilespmem:s29+$0x8080]  }
0xaa: {  	v31 =	vmul.f32 v31, v9;
	v32 =	vmul.f32 v32, v10;
	v35 =	vadd.f32 v38, v35;
	v36 =	vld [tilespmem:s29+$0xC000]  }
0xab: {  	v21 =	vmul.f32 v21, v9;
	v23 =	vadd.f32 v23, v23;
	v37 =	vmul.f32 v40, v11;
	v38 =	vld [tilespmem:s29+$0x6080]  }
0xac: {  	v17 =	vmul.f32 v17, v11;
	v27 =	vadd.f32 v30, v27;
	v39 =	vmul.f32 v39, v11;
	v40 =	vld [tilespmem:s29+$0x6090]  }
0xad: {  	v43 =	vmul.f32 v16, v9;
	v30 =	vmul.f32 v42, v10;
	v35 =	vadd.f32 v35, v35;
	v42 =	vld [tilespmem:s29+$0xA080]  }
0xae: {  	v17 =	vadd.f32 v20, v17;
	v32 =	vadd.f32 v32, v37;
	v34 =	vmul.f32 v34, v10;
	v37 =	vld [tilespmem:s29+$0xA090]  }
0xaf: {  	v20 =	vmul.f32 v28, v9;
	v25 =	vadd.f32 v25, v27;
	v28 =	vadd.f32 v36, v8;
	v36 =	vld [tilespmem:s29+$0x6010]  }
0xb0: {  	v16 =	vsub.f32 v29, v35;
	v33 =	vmul.f32 v33, v10;
	v27 =	vmul.f32 v38, v11;
	v29 =	vld [tilespmem:s29+$0xC080]  }
0xb1: {  	v17 =	vadd.f32 v43, v17;
	v30 =	vadd.f32 v30, v39;
	v35 =	vld [tilespmem:s29+$0xC010];
	v38 =	vmul.f32 v40, v11  }
0xb2: {  	v31 =	vadd.f32 v31, v32;
	[tilespmem:s29+$0xE040] =	vst v16;
	v27 =	vadd.f32 v34, v27;
	v32 =	vmul.f32 v42, v9;
	v34 =	vld [tilespmem:s29+$0xA0E0]  }
0xb3: {  	v17 =	vadd.f32 v17, v17;
	v33 =	vadd.f32 v33, v38;
	v37 =	vmul.f32 v37, v9;
	v38 =	vld [tilespmem:s29+$0xC0A0]  }
0xb4: {  	v20 =	vadd.f32 v20, v30;
	v30 =	vmul.f32 v36, v11;
	v27 =	vadd.f32 v32, v27;
	v32 =	vld [tilespmem:s29+$0xC0B0]  }
0xb5: {  	v31 =	vadd.f32 v31, v31;
	v29 =	vadd.f32 v29, v8;
	v36 =	vld [tilespmem:s29+$0x60F0]  }
0xb6: {  	v39 =	vmul.f32 v41, v10;
	v20 =	vadd.f32 v20, v20;
	v27 =	vadd.f32 v27, v27;
	v40 =	vld [tilespmem:s29+$0x80E0]  }
0xb7: {  	v24 =	vadd.f32 v24, v24;
	v26 =	vadd.f32 v26, v26;
	v41 =	vld [tilespmem:s29+$0xC090]  }
0xb8: {  	v30 =	vadd.f32 v39, v30;
	v39 =	vld [tilespmem:s29+$0xC060];
	v27 =	vsub.f32 v29, v27  }
0xb9: {  	v22 =	vsub.f32 v22, v24;
	v25 =	vadd.f32 v25, v25;
	v24 =	vld [tilespmem:s29+$0xC070]  }
0xba: {  	v21 =	vadd.f32 v21, v30;
	v29 =	vadd.f32 v37, v33;
	[tilespmem:s29+$0xE080] =	vst v27;
	v30 =	vld [tilespmem:s29+$0x60E0];
	v33 =	vmul.f32 v36, v11  }
0xbb: {  	v15 =	vmul.f32 v15, v11;
	v18 =	vsub.f32 v18, v31;
	v35 =	vadd.f32 v35, v8;
	[tilespmem:s29+$0xE050] =	vst v22;
	v31 =	vld [tilespmem:s29+$0x80D0]  }
0xbc: {  	v14 =	vmul.f32 v14, v10;
	v32 =	vadd.f32 v32, v8;
	v21 =	vadd.f32 v21, v21;
	v36 =	vld [tilespmem:s29+$0x60C0]  }
0xbd: {  	[tilespmem:s29+$0xE020] =	vst v18;
	v37 =	vadd.f32 v39, v8;
	v39 =	vadd.f32 v41, v8;
	v41 =	vld [tilespmem:s29+$0x80C0]  }
0xbe: {  	v14 =	vadd.f32 v14, v15;
	v15 =	vadd.f32 v29, v29;
	v40 =	vmul.f32 v40, v10;
	v29 =	vld [tilespmem:s29+$0x60D0]  }
0xbf: {  	v25 =	vsub.f32 v32, v25;
	v23 =	vsub.f32 v37, v23;
	v32 =	vld [tilespmem:s29+$0xA0C0];
	v30 =	vmul.f32 v30, v11  }
0xc0: {  	v21 =	vsub.f32 v35, v21;
	v15 =	vsub.f32 v39, v15;
	v35 =	vld [tilespmem:s29+$0xA0D0];
	v31 =	vmul.f32 v31, v10  }
0xc1: {  	v20 =	vsub.f32 v28, v20;
	v28 =	vmul.f32 v34, v9;
	v24 =	vadd.f32 v24, v8;
	[tilespmem:s29+$0xE060] =	vst v23;
	v34 =	vld [tilespmem:s29+$0x80F0]  }
0xc2: {  	v13 =	vadd.f32 v13, v14;
	v14 =	vmul.f32 v36, v11;
	[tilespmem:s29+$0xE090] =	vst v15;
	v36 =	vmul.f32 v41, v10  }
0xc3: {  	v24 =	vsub.f32 v24, v26;
	v26 =	vadd.f32 v38, v8;
	[tilespmem:s29+$0xE000] =	vst v20;
	v37 =	vld [tilespmem:s29+$0xC0C0];
	v29 =	vmul.f32 v29, v11  }
0xc4: {  	v13 =	vadd.f32 v13, v13;
	[tilespmem:s29+$0xE0B0] =	vst v25;
	v14 =	vadd.f32 v36, v14;
	v32 =	vmul.f32 v32, v9  }
0xc5: {  	v17 =	vsub.f32 v26, v17;
	v26 =	vadd.f32 v40, v30;
	v20 =	vmin.f32 v20, v21;
	[tilespmem:s29+$0xE070] =	vst v24;
	v30 =	vld [tilespmem:s29+$0xC0E0]  }
0xc6: {  	v18 =	vmin.f32 v20, v18;
	v20 =	vadd.f32 v31, v29;
	[tilespmem:s29+$0xE010] =	vst v21;
	v14 =	vadd.f32 v32, v14  }
0xc7: {  	v12 =	vsub.f32 v12, v13;
	v13 =	vmul.f32 v35, v9;
	v21 =	vadd.f32 v28, v26;
	[tilespmem:s29+$0xE0A0] =	vst v17;
	v26 =	vld [tilespmem:s29+$0xA0F0]  }
0xc8: {  	v28 =	vadd.f32 v37, v8;
	v14 =	vadd.f32 v14, v14  }
0xc9: {  	v13 =	vadd.f32 v13, v20;
	[tilespmem:s29+$0xE030] =	vst v12;
	v12 =	vmin.f32 v18, v12;
	v18 =	vadd.f32 v21, v21  }
0xca: {  	v12 =	vmin.f32 v12, v16;
	v14 =	vsub.f32 v28, v14;
	v16 =	vadd.f32 v30, v8  }
0xcb: {  	v20 =	vmul.f32 v34, v10;
	v13 =	vadd.f32 v13, v13;
	v12 =	vmin.f32 v12, v22;
	v21 =	vld [tilespmem:s29+$0xC0F0]  }
0xcc: {  	v12 =	vmin.f32 v12, v23;
	[tilespmem:s29+$0xE0C0] =	vst v14;
	v16 =	vsub.f32 v16, v18;
	v18 =	vmul.f32 v26, v9  }
0xcd: {  	v13 =	vsub.f32 v19, v13;
	v19 =	vadd.f32 v20, v33;
	v12 =	vmin.f32 v12, v24  }
0xce: {  	v12 =	vmin.f32 v12, v27  }
0xcf: {  	v12 =	vmin.f32 v12, v15;
	[tilespmem:s29+$0xE0E0] =	vst v16;
	v15 =	vadd.f32 v18, v19  }
0xd0: {  	v12 =	vmin.f32 v12, v17;
	[tilespmem:s29+$0xE0D0] =	vst v13;
	v17 =	vadd.f32 v21, v8  }
0xd1: {  	v12 =	vmin.f32 v12, v25;
	v15 =	vadd.f32 v15, v15  }
0xd2: {  	v12 =	vmin.f32 v12, v14  }
0xd3: {  	v12 =	vmin.f32 v12, v13;
	v13 =	vsub.f32 v17, v15  }
0xd4: {  	v12 =	vmin.f32 v12, v16  }
0xd5: {  	[tilespmem:s29+$0xE0F0] =	vst v13;
	v12 =	vmin.f32 v12, v13  }
0xd6: {  	s29 =	sshra.s32 s1, $0x2;
	[tilespmem:s30+$0x0] =	vst v12;
	s30 =	smov.u32 s31  }
0xd7: {  	v17 =	vld [tilespmem:s29+$0x60A0]  }
0xd8: {  	v19 =	vld [tilespmem:s29+$0xC0D0]  }
0xd9: {  	v20 =	vld [tilespmem:s29+$0x80A0]  }
0xda: {  	v16 =	vld [tilespmem:s29+$0xA0A0]  }
0xdb: {  	v23 =	vld [tilespmem:s29+$0xA060]  }
0xdc: {  	v26 =	vld [tilespmem:s29+$0xA070]  }
0xdd: {  	v27 =	vld [tilespmem:s29+$0x60B0]  }
0xde: {  	v25 =	vld [tilespmem:s29+$0xA0B0]  }
0xdf: {  	v22 =	vld [tilespmem:s29+$0xC050]  }
0xe0: {  	v39 =	vld [tilespmem:s29+$0x6070]  }
0xe1: {  	v13 =	vld [tilespmem:s29+$0x80B0]  }
0xe2: {  	v32 =	vld [tilespmem:s29+$0x6060]  }
0xe3: {  	v24 =	vld [tilespmem:s29+$0x8060]  }
0xe4: {  	v18 =	vld [tilespmem:s29+$0xC020]  }
0xe5: {  	v28 =	vld [tilespmem:s29+$0xA050]  }
0xe6: {  	v12 =	vld [tilespmem:s29+$0x8050]  }
0xe7: {  	v14 =	vld [tilespmem:s29+$0xC040]  }
0xe8: {  	v21 =	vld [tilespmem:s29+$0xA010]  }
0xe9: {  	v15 =	vld [tilespmem:s29+$0xC030]  }
0xea: {  	v30 =	vld [tilespmem:s29+$0x6050]  }
0xeb: {  	v31 =	vld [tilespmem:s29+$0x8070]  }
0xec: {  	v38 =	vld [tilespmem:s29+$0xA040]  }
0xed: {  	v36 =	vld [tilespmem:s29+$0xA030]  }
0xee: {  	v34 =	vmul.f32 v12, v10;
	v29 =	vadd.f32 v14, v8;
	v35 =	vld [tilespmem:s29+$0x6040]  }
0xef: {  	v12 =	vadd.f32 v15, v8;
	v14 =	vld [tilespmem:s29+$0x8030];
	v40 =	vmul.f32 v30, v11;
	v30 =	vmul.f32 v13, v10  }
.Ltmp1:
0xf0: {  	v41 =	vmul.f32 v28, v9;
	v15 =	vld [tilespmem:s29+$0x6030];
	v33 =	vmul.f32 v31, v10;
	(pc) =	sbr.rel @p0 .LBB2_5-.Ltmp1, $4  }
0xf1: {  	v18 =	vadd.f32 v18, v8;
	v37 =	vld [tilespmem:s29+$0x8040];
	v40 =	vadd.f32 v34, v40;
	v34 =	vmul.f32 v24, v10  }
0xf2: {  	v28 =	vld [tilespmem:s29+$0xA000];
	v13 =	vmul.f32 v36, v9  }
0xf3: {  	v36 =	vmul.f32 v32, v11;
	v31 =	vld [tilespmem:s29+$0xA020];
	v24 =	vadd.f32 v41, v40  }
0xf4: {  	v39 =	vmul.f32 v39, v11;
	v38 =	vmul.f32 v38, v9;
	v32 =	vld [tilespmem:s29+$0x8020]  }
0xf5: {  	v40 =	vld [tilespmem:s29+$0x6020]  }
0xf6: {  	v41 =	vld [tilespmem:s29+$0x8010];
	v35 =	vmul.f32 v35, v11  }
0xf7: {  	v42 =	vld [tilespmem:s29+$0x8000];
	v26 =	vmul.f32 v26, v9;
	v27 =	vmul.f32 v27, v11  }
0xf8: {  	v43 =	vld [tilespmem:s29+$0x6000];
	v34 =	vadd.f32 v34, v36;
	v23 =	vmul.f32 v23, v9;
	v20 =	vmul.f32 v20, v10  }
0xf9: {  	v44 =	vld [tilespmem:s29+$0x8090];
	v17 =	vmul.f32 v17, v11;
	v22 =	vadd.f32 v22, v8;
	v24 =	vadd.f32 v24, v24  }
0xfa: {  	v45 =	vld [tilespmem:s29+$0x8080];
	v19 =	vadd.f32 v19, v8;
	v15 =	vmul.f32 v15, v11;
	v14 =	vmul.f32 v14, v10  }
0xfb: {  	v46 =	vld [tilespmem:s29+$0x6080];
	v37 =	vmul.f32 v37, v10;
	v33 =	vadd.f32 v33, v39;
	v23 =	vadd.f32 v23, v34  }
0xfc: {  	v59 =	vld [tilespmem:s29+$0x6090];
	v25 =	vmul.f32 v25, v9;
	v27 =	vadd.f32 v30, v27;
	v17 =	vadd.f32 v20, v17  }
0xfd: {  	v61 =	vld [tilespmem:s29+$0xC080];
	v16 =	vmul.f32 v16, v9;
	v14 =	vadd.f32 v14, v15;
	v35 =	vadd.f32 v37, v35  }
0xfe: {  	v47 =	vld [tilespmem:s29+$0xA080];
	v56 =	vmul.f32 v28, v9;
	v26 =	vadd.f32 v26, v33;
	v20 =	vadd.f32 v25, v27  }
0xff: {  	v39 =	vld [tilespmem:s29+$0xC0B0];
	v32 =	vmul.f32 v32, v10;
	v16 =	vadd.f32 v16, v17;
	v17 =	vsub.f32 v22, v24  }
0x100: {  	v48 =	vld [tilespmem:s29+$0xA090];
	v23 =	vadd.f32 v23, v23;
	v13 =	vadd.f32 v13, v14;
	v62 =	vmul.f32 v45, v10  }
0x101: {  	v52 =	vld [tilespmem:s29+$0xC090];
	v35 =	vadd.f32 v38, v35;
	v63 =	vmul.f32 v46, v11;
	v46 =	vmul.f32 v40, v11  }
0x102: {  	v30 =	vld [tilespmem:s29+$0xC0A0];
	v50 =	vmul.f32 v43, v11;
	v51 =	vadd.f32 v61, v8;
	v26 =	vadd.f32 v26, v26  }
0x103: {  	v37 =	vld [tilespmem:s29+$0xC000];
	v42 =	vmul.f32 v42, v10;
	v16 =	vadd.f32 v16, v16;
	v20 =	vadd.f32 v20, v20  }
0x104: {  	v60 =	vld [tilespmem:s29+$0x6010];
	v54 =	vmul.f32 v44, v10;
	v39 =	vadd.f32 v39, v8;
	v13 =	vadd.f32 v13, v13  }
0x105: {  	v53 =	vld [tilespmem:s29+$0xC060];
	v38 =	vmul.f32 v59, v11;
	v35 =	vadd.f32 v35, v35;
	v33 =	vadd.f32 v62, v63  }
0x106: {  	v55 =	vld [tilespmem:s29+$0xC070];
	v31 =	vmul.f32 v31, v9;
	v32 =	vadd.f32 v32, v46;
	v34 =	vadd.f32 v42, v50  }
0x107: {  	v25 =	vld [tilespmem:s29+$0x60F0];
	v57 =	vadd.f32 v54, v38;
	v62 =	vmul.f32 v48, v9;
	v48 =	vadd.f32 v52, v8  }
0x108: {  	v45 =	vld [tilespmem:s29+$0xC010];
	v49 =	vmul.f32 v47, v9;
	v14 =	vadd.f32 v30, v8;
	v37 =	vadd.f32 v37, v8  }
0x109: {  	v40 =	vld [tilespmem:s29+$0xA0E0];
	v60 =	vmul.f32 v60, v11;
	v15 =	vsub.f32 v39, v20;
	v12 =	vsub.f32 v12, v13  }
0x10a: {  	v59 =	vld [tilespmem:s29+$0x60E0];
	v61 =	vmul.f32 v41, v10;
	v29 =	vsub.f32 v29, v35;
	v33 =	vadd.f32 v49, v33  }
0x10b: {  	v47 =	vld [tilespmem:s29+$0x80C0];
	v31 =	vadd.f32 v31, v32;
	v22 =	vadd.f32 v56, v34  }
0x10c: {  	v63 =	vld [tilespmem:s29+$0x80D0];
	v34 =	vadd.f32 v61, v60;
	v24 =	vadd.f32 v62, v57  }
0x10d: {  	v21 =	vmul.f32 v21, v9;
	v46 =	vld [tilespmem:s29+$0x60C0];
	v32 =	vadd.f32 v55, v8;
	v14 =	vsub.f32 v14, v16  }
0x10e: {  	v35 =	vld [tilespmem:s29+$0x80E0];
	v33 =	vadd.f32 v33, v33;
	v58 =	vadd.f32 v31, v31  }
0x10f: {  	v49 =	vld [tilespmem:s29+$0x60D0];
	v54 =	vmul.f32 v25, v11;
	v21 =	vadd.f32 v21, v34;
	v24 =	vadd.f32 v24, v24  }
0x110: {  	v56 =	vld [tilespmem:s29+$0xC0C0];
	v13 =	vmul.f32 v40, v9;
	v22 =	vadd.f32 v22, v22;
	v55 =	vsub.f32 v32, v26  }
0x111: {  	v52 =	vld [tilespmem:s29+$0x80F0];
	v34 =	vmul.f32 v47, v10;
	v27 =	vsub.f32 v51, v33;
	v33 =	vadd.f32 v53, v8  }
0x112: {  	v50 =	vld [tilespmem:s29+$0xA0C0];
	v31 =	vmul.f32 v59, v11;
	v53 =	vadd.f32 v45, v8;
	v21 =	vadd.f32 v21, v21  }
0x113: {  	v28 =	vmul.f32 v63, v10;
	v18 =	vsub.f32 v18, v58;
	v24 =	vsub.f32 v48, v24  }
0x114: {  	v51 =	vld [tilespmem:s29+$0xA0D0];
	v22 =	vsub.f32 v37, v22;
	v58 =	vmul.f32 v46, v11;
	v21 =	vsub.f32 v53, v21  }
0x115: {  	[tilespmem:s29+$0xE050] =	vst v17;
	v60 =	vld [tilespmem:s29+$0xA0F0];
	v57 =	vmul.f32 v35, v10;
	v11 =	vmul.f32 v49, v11;
	v62 =	vadd.f32 v56, v8  }
0x116: {  	v10 =	vmul.f32 v52, v10;
	v23 =	vsub.f32 v33, v23;
	[tilespmem:s29+$0xE010] =	vst v21;
	v21 =	vmin.f32 v22, v21  }
0x117: {  	[tilespmem:s29+$0xE020] =	vst v18;
	v30 =	vadd.f32 v34, v58;
	v33 =	vmul.f32 v50, v9;
	v18 =	vmin.f32 v21, v18  }
0x118: {  	v16 =	vld [tilespmem:s29+$0xC0E0];
	[tilespmem:s29+$0xE0B0] =	vst v15;
	v59 =	vadd.f32 v57, v31;
	v11 =	vadd.f32 v28, v11;
	v18 =	vmin.f32 v18, v12  }
0x119: {  	[tilespmem:s29+$0xE030] =	vst v12;
	v63 =	vld [tilespmem:s29+$0xC0F0];
	v10 =	vadd.f32 v10, v54;
	v61 =	vmul.f32 v51, v9;
	v18 =	vmin.f32 v18, v29  }
0x11a: {  	[tilespmem:s29+$0xE040] =	vst v29;
	v13 =	vadd.f32 v13, v59;
	v9 =	vmul.f32 v60, v9;
	v12 =	vmin.f32 v18, v17  }
0x11b: {  	[tilespmem:s29+$0xE0A0] =	vst v14;
	v30 =	vadd.f32 v33, v30;
	v11 =	vadd.f32 v61, v11;
	v12 =	vmin.f32 v12, v23  }
0x11c: {  	[tilespmem:s29+$0xE070] =	vst v55;
	v13 =	vadd.f32 v13, v13;
	v9 =	vadd.f32 v9, v10;
	v12 =	vmin.f32 v12, v55  }
0x11d: {  	[tilespmem:s29+$0xE080] =	vst v27;
	v10 =	vadd.f32 v16, v8;
	v17 =	vadd.f32 v30, v30;
	v12 =	vmin.f32 v12, v27  }
0x11e: {  	[tilespmem:s29+$0xE090] =	vst v24;
	v8 =	vadd.f32 v63, v8;
	v11 =	vadd.f32 v11, v11;
	v12 =	vmin.f32 v12, v24  }
0x11f: {  	[tilespmem:s29+$0xE000] =	vst v22;
	v10 =	vsub.f32 v10, v13;
	v17 =	vsub.f32 v62, v17;
	v12 =	vmin.f32 v12, v14  }
0x120: {  	[tilespmem:s29+$0xE060] =	vst v23;
	v9 =	vadd.f32 v9, v9;
	v11 =	vsub.f32 v19, v11;
	v12 =	vmin.f32 v12, v15  }
0x121: {  	[tilespmem:s29+$0xE0E0] =	vst v10;
	v12 =	vmin.f32 v12, v17  }
0x122: {  	v9 =	vsub.f32 v8, v9;
	[tilespmem:s29+$0xE0C0] =	vst v17;
	v14 =	vimm.f32 $0.0e+00;
	v12 =	vmin.f32 v12, v11  }
0x123: {  	[tilespmem:s29+$0xE0D0] =	vst v11;
	v15 =	vimm.s32 $0x0;
	v11 =	vimm.s32 $0x0;
	v8 =	vmin.f32 v12, v10  }
0x124: {  	[tilespmem:s29+$0xE0F0] =	vst v9;
	v10 =	vimm.f32 $0.0e+00;
	v12 =	vimm.f32 $0.0e+00;
	v13 =	vmin.f32 v8, v9  }
0x125: {  	s0 =	simm.s32 $0x0;
	v8 =	vimm.f32 $0.0e+00;
	v9 =	vimm.f32 $0.0e+00;
	[tilespmem:s30+$0x0] =	vst v13;
	v13 =	vimm.f32 $0.0e+00  }
.LBB2_7:
0x126: {  	s1 =	simm.s32 $0x10210  }
0x127: {  	v16 =	vld [tilespmem:s1+$0xFFFFFFF0];
	_ =	sdelay $0x1  }
0x128: {  	v17 =	vld [tilespmem:s1+$0x0];
	_ =	sdelay $0x1  }
0x129: {  	v19 =	vimm.f32 $+Inf  }
0x12a: {  	s29 =	simm.s32 $0x2;
	s30 =	simm.s32 $0x10230;
	v18 =	vimm.s32 $0x0;
	s1 =	simm.s32 $0x0;
	vm0 =	vlt.f32 v16, v19  }
.LBB2_8:
0x12b: {  	p0 =	sne.s32 s29, $0x1E;
	v19 =	vsel vm0, v16, v19;
	v16 =	vld [tilespmem:s30+$0xFFFFFFF0];
	v18 =	vsel vm0, s1, v18;
	s31 =	smov.u32 s29;
	s29 =	sadd.s32 $0x2, s29  }
.Ltmp2:
0x12c: {  	s17 =	sadd.s32 $0x1, s1;
	vm0 =	vlt.f32 v17, v19;
	s1 =	smov.u32 s31;
	(pc) =	sbr.rel @p0 .LBB2_8-.Ltmp2, $2  }
0x12d: {  	v19 =	vsel vm0, v17, v19;
	v17 =	vld [tilespmem:s30+$0x0];
	v18 =	vsel vm0, s17, v18;
	_ =	sdelay $0x2  }
0x12e: {  	s30 =	sadd.s32 $0x20, s30;
	vm0 =	vlt.f32 v16, v19  }
0x12f: {  	v16 =	vsel vm0, v16, v19  }
0x130: {  	vm1 =	vlt.f32 v17, v16  }
0x131: {  	v17 =	vsel vm1, v17, v16  }
0x132: {  	v16 =	vperm.xlane v17, v0;
	_ =	sdelay $0x1  }
0x133: {  	v16 =	vmin.f32 v17, v16  }
0x134: {  	v29 =	vperm.xlane v16, v1;
	_ =	sdelay $0x1  }
0x135: {  	v16 =	vmin.f32 v16, v29  }
0x136: {  	v19 =	vperm.xlane v16, v2;
	_ =	sdelay $0x1  }
0x137: {  	v16 =	vmin.f32 v16, v19  }
0x138: {  	v18 =	vsel vm0, s1, v18;
	s17 =	sadd.s32 $0x1, s1;
	v19 =	vperm.xlane v16, v3  }
0x139: {  	v18 =	vsel vm1, s17, v18  }
0x13a: {  	v18 =	vshll.u32 v18, $0x4;
	v16 =	vmin.f32 v16, v19  }
0x13b: {  	vm4 =	veq.f32 v17, v16;
	v17 =	vor.u32 v4, v18  }
0x13c: {  	v17 =	vnsel vm4, $0x40000000, v17  }
0x13d: {  	v30 =	vperm.xlane v17, v0;
	_ =	sdelay $0x1  }
0x13e: {  	vm0 =	vlt.s32 v17, v30  }
0x13f: {  	v17 =	vsel vm0, v17, v30  }
0x140: {  	v18 =	vperm.xlane v17, v1;
	_ =	sdelay $0x1  }
0x141: {  	vm0 =	vlt.s32 v17, v18  }
0x142: {  	v17 =	vsel vm0, v17, v18  }
0x143: {  	v18 =	vperm.xlane v17, v2;
	_ =	sdelay $0x1  }
0x144: {  	vm0 =	vlt.s32 v17, v18  }
0x145: {  	v17 =	vsel vm0, v17, v18  }
0x146: {  	v18 =	vperm.xlane v17, v3;
	_ =	sdelay $0x1  }
0x147: {  	vm0 =	vlt.s32 v17, v18  }
0x148: {  	v17 =	vsel vm0, v17, v18  }
0x149: {  	(v2sf) =	vpush v17, $0x0;
	_ =	sdelay $0xe  }
0x14a: {  	s29 =	spop (v2sf)  }
0x14b: {  	s30 =	sshll.u32 s29, $0x4  }
0x14c: {  	s31 =	sand.u32 $0xFFFFFF00, s30  }
0x14d: {  	v17 =	vld [tilespmem:s31+$0xE000]  }
0x14e: {  	v31 =	vld [tilespmem:s31+$0xE010]  }
0x14f: {  	s1 =	sand.u32 $0xFFFFFFF0, s29;
	v20 =	vld [tilespmem:s31+$0xE020]  }
0x150: {  	s29 =	sshll.u32 s1, $0x4;
	v21 =	vld [tilespmem:s31+$0xE030]  }
0x151: {  	s17 =	sor.u32 $0x10, s29;
	v23 =	vld [tilespmem:s31+$0xE040]  }
0x152: {  	v34 =	vld [tilespmem:s31+$0xE050];
	v22 =	vor.u32 s17, v4;
	s17 =	sor.u32 $0x20, s29  }
0x153: {  	v32 =	vor.u32 s31, v4;
	v36 =	vld [tilespmem:s31+$0xE060];
	v24 =	vor.u32 s17, v4;
	s17 =	sor.u32 $0x30, s29  }
0x154: {  	v38 =	vld [tilespmem:s31+$0xE070];
	vm5 =	vlt.s32 v32, $0x40000000;
	v25 =	vor.u32 s17, v4;
	s17 =	sor.u32 $0x40, s29  }
0x155: {  	v40 =	vld [tilespmem:s31+$0xE080];
	v19 =	vnsel vm5, $0x40000000, v32;
	v26 =	vor.u32 s17, v4  }
0x156: {  	vm6 =	veq.f32 v17, v16;
	vm7 =	veq.f32 v31, v16;
	vm8 =	veq.f32 v20, v16  }
0x157: {  	s17 =	sor.u32 $0x50, s29;
	vm3 =	veq.f32 v21, v16;
	vm11 =	veq.f32 v23, v16;
	v19 =	vnsel vm6, $0x40000000, v19  }
0x158: {  	vm12 =	veq.f32 v34, v16;
	v27 =	vor.u32 s17, v4;
	vm2 =	vlt.s32 v19, v22  }
0x159: {  	vm13 =	veq.f32 v36, v16;
	vm14 =	veq.f32 v38, v16;
	v22 =	vsel vm2, v19, v22  }
0x15a: {  	vm15 =	veq.f32 v40, v16;
	v33 =	vnsel vm8, $0x40000000, v24;
	v19 =	vsel vm7, v22, v19  }
0x15b: {  	v42 =	vld [tilespmem:s31+$0xE090];
	v17 =	vsel vm6, $0x7F800000, v17;
	v18 =	vsel vm7, $0x7F800000, v31;
	vm9 =	vlt.s32 v19, v33  }
0x15c: {  	v35 =	vnsel vm3, $0x40000000, v25;
	v20 =	vsel vm8, $0x7F800000, v20;
	v19 =	vsel vm9, v19, v33  }
0x15d: {  	v46 =	vld [tilespmem:s31+$0xE0B0];
	s17 =	sor.u32 $0x60, s29;
	v37 =	vnsel vm11, $0x40000000, v26;
	v21 =	vsel vm3, $0x7F800000, v21;
	vm10 =	vlt.s32 v19, v35  }
0x15e: {  	v48 =	vld [tilespmem:s31+$0xE0D0];
	v39 =	vnsel vm12, $0x40000000, v27;
	v28 =	vor.u32 s17, v4;
	v19 =	vsel vm10, v19, v35  }
0x15f: {  	v23 =	vsel vm11, $0x7F800000, v23;
	v24 =	vsel vm12, $0x7F800000, v34;
	[tilespmem:s31+$0xE000] =	vst v17;
	vm0 =	vlt.s32 v19, v37  }
0x160: {  	v25 =	vsel vm13, $0x7F800000, v36;
	vm6 =	veq.f32 v42, v16;
	[tilespmem:s31+$0xE010] =	vst v18;
	v19 =	vsel vm0, v19, v37  }
0x161: {  	v26 =	vsel vm14, $0x7F800000, v38;
	v27 =	vsel vm15, $0x7F800000, v40;
	[tilespmem:s31+$0xE020] =	vst v20;
	vm0 =	vlt.s32 v19, v39  }
0x162: {  	v30 =	vld [tilespmem:s31+$0xE0A0];
	s17 =	sor.u32 $0x70, s29;
	vm8 =	veq.f32 v46, v16;
	v41 =	vnsel vm13, $0x40000000, v28;
	[tilespmem:s31+$0xE030] =	vst v21;
	v19 =	vsel vm0, v19, v39  }
0x163: {  	vm11 =	veq.f32 v48, v16;
	v29 =	vor.u32 s17, v4;
	[tilespmem:s31+$0xE040] =	vst v23;
	vm0 =	vlt.s32 v19, v41  }
0x164: {  	s17 =	sor.u32 $0x80, s29;
	[tilespmem:s31+$0xE050] =	vst v24;
	v49 =	vsel vm6, $0x7F800000, v42;
	v43 =	vnsel vm14, $0x40000000, v29;
	v19 =	vsel vm0, v19, v41  }
0x165: {  	v32 =	vld [tilespmem:s31+$0xE0C0];
	[tilespmem:s31+$0xE060] =	vst v25;
	v44 =	vor.u32 s17, v4;
	s17 =	sor.u32 $0x90, s29;
	v29 =	vsel vm8, $0x7F800000, v46;
	vm0 =	vlt.s32 v19, v43  }
0x166: {  	[tilespmem:s31+$0xE070] =	vst v26;
	v45 =	vnsel vm15, $0x40000000, v44;
	v31 =	vor.u32 s17, v4;
	v33 =	vld [tilespmem:s31+$0xE0E0];
	v19 =	vsel vm0, v19, v43  }
0x167: {  	[tilespmem:s31+$0xE080] =	vst v27;
	vm7 =	veq.f32 v30, v16;
	s17 =	sor.u32 $0xA0, s29;
	v47 =	vnsel vm6, $0x40000000, v31;
	vm0 =	vlt.s32 v19, v45  }
0x168: {  	[tilespmem:s31+$0xE090] =	vst v49;
	v50 =	vor.u32 s17, v4;
	v30 =	vsel vm7, $0x7F800000, v30;
	v19 =	vsel vm0, v19, v45  }
0x169: {  	[tilespmem:s31+$0xE0B0] =	vst v29;
	s17 =	sor.u32 $0xB0, s29;
	v31 =	vsel vm11, $0x7F800000, v48;
	v28 =	vnsel vm7, $0x40000000, v50;
	vm0 =	vlt.s32 v19, v47  }
0x16a: {  	[tilespmem:s31+$0xE0A0] =	vst v30;
	vm9 =	veq.f32 v32, v16;
	v34 =	vor.u32 s17, v4;
	v19 =	vsel vm0, v19, v47  }
0x16b: {  	[tilespmem:s31+$0xE0D0] =	vst v31;
	v32 =	vsel vm9, $0x7F800000, v32;
	vm4 =	veq.f32 v33, v16;
	vm10 =	vlt.s32 v19, v28  }
0x16c: {  	s17 =	sor.u32 $0xC0, s29;
	v51 =	vnsel vm8, $0x40000000, v34;
	[tilespmem:s31+$0xE0C0] =	vst v32;
	v33 =	vsel vm4, $0x7F800000, v33;
	v19 =	vsel vm10, v19, v28  }
0x16d: {  	v52 =	vor.u32 s17, v4;
	s17 =	sor.u32 $0xF0, s30;
	[tilespmem:s31+$0xE0E0] =	vst v33;
	vm1 =	vlt.s32 v19, v51  }
0x16e: {  	v53 =	vnsel vm9, $0x40000000, v52;
	s31 =	sor.u32 $0xD0, s29;
	v54 =	vld [tilespmem:s17+$0xE000];
	v19 =	vsel vm1, v19, v51  }
0x16f: {  	v35 =	vor.u32 s31, v4;
	vm0 =	vlt.s32 v19, v53  }
0x170: {  	s29 =	sor.u32 $0xE0, s29;
	v55 =	vnsel vm11, $0x40000000, v35;
	v19 =	vsel vm0, v19, v53  }
0x171: {  	v56 =	vor.u32 s29, v4;
	vm0 =	vlt.s32 v19, v55  }
0x172: {  	v57 =	vnsel vm4, $0x40000000, v56;
	v19 =	vsel vm0, v19, v55  }
0x173: {  	vm13 =	veq.f32 v54, v16;
	v16 =	vor.u32 s17, v4;
	vm12 =	vlt.s32 v19, v57  }
0x174: {  	v16 =	vnsel vm13, $0x40000000, v16;
	v19 =	vsel vm12, v19, v57  }
0x175: {  	vm1 =	vlt.s32 v19, v16  }
0x176: {  	v16 =	vsel vm1, v19, v16  }
0x177: {  	v19 =	vperm.xlane v16, v0;
	_ =	sdelay $0x1  }
0x178: {  	vm1 =	vlt.s32 v16, v19  }
0x179: {  	v16 =	vsel vm1, v16, v19  }
0x17a: {  	v19 =	vperm.xlane v16, v1;
	_ =	sdelay $0x1  }
0x17b: {  	vm1 =	vlt.s32 v16, v19  }
0x17c: {  	v16 =	vsel vm1, v16, v19  }
0x17d: {  	v19 =	vperm.xlane v16, v2;
	_ =	sdelay $0x1  }
0x17e: {  	vm1 =	vlt.s32 v16, v19  }
0x17f: {  	v16 =	vsel vm1, v16, v19  }
0x180: {  	v19 =	vperm.xlane v16, v3;
	_ =	sdelay $0x1  }
0x181: {  	vm1 =	vlt.s32 v16, v19  }
0x182: {  	v16 =	vsel vm1, v16, v19  }
0x183: {  	(v2sf) =	vpush v16, $0x0  }
0x184: {  	v17 =	vmin.f32 v17, v18  }
0x185: {  	v17 =	vmin.f32 v17, v20  }
0x186: {  	v17 =	vmin.f32 v17, v21  }
0x187: {  	v17 =	vmin.f32 v17, v23  }
0x188: {  	v17 =	vmin.f32 v17, v24  }
0x189: {  	v17 =	vmin.f32 v17, v25  }
0x18a: {  	v17 =	vmin.f32 v17, v26  }
0x18b: {  	v17 =	vmin.f32 v17, v27  }
0x18c: {  	v17 =	vmin.f32 v17, v49  }
0x18d: {  	v17 =	vmin.f32 v17, v30  }
0x18e: {  	v17 =	vmin.f32 v17, v29  }
0x18f: {  	v17 =	vmin.f32 v17, v32  }
0x190: {  	v17 =	vmin.f32 v17, v31  }
0x191: {  	v17 =	vmin.f32 v17, v33;
	v58 =	vsel vm13, $0x7F800000, v54  }
0x192: {  	[tilespmem:s17+$0xE000] =	vst v58;
	v17 =	vmin.f32 v17, v58;
	s29 =	spop (v2sf)  }
0x193: {  	[tilespmem:s1+$0x10200] =	vst v17;
	s30 =	sand.u32 $0xFFFFFFF0, s29  }
0x194: {  	v17 =	vld [tilespmem:s30+$0x0]  }
0x195: {  	v59 =	vld [tilespmem:s30+$0x2000]  }
0x196: {  	v60 =	vld [tilespmem:s30+$0x4000];
	_ =	sdelay $0x2  }
0x197: {  	v62 =	vmov s0;
	s31 =	sadd.s32 $0xFFFFFFF0, s0;
	s0 =	sadd.s32 $0x1, s0;
	v61 =	vand.u32 $0xF, v16  }
0x198: {  	p0 =	sne.s32 s0, $0x20;
	v17 =	vperm.xlane v17, v61;
	v18 =	vperm.xlane v59, v61  }
.Ltmp3:
0x199: {  	vm14 =	veq.s32 v62, v4;
	v63 =	vmov s31;
	v19 =	vperm.xlane v60, v61;
	(pc) =	sbr.rel @p0 .LBB2_7-.Ltmp3, $4  }
0x19a: {  	vm15 =	veq.s32 v63, v4;
	v17 =	vsub.f32 v17, v5;
	v18 =	vsub.f32 v18, v6  }
0x19b: {  	v15 =	vsel vm14, v16, v15;
	v11 =	vsel vm15, v16, v11;
	v19 =	vsub.f32 v19, v7  }
0x19c: {  	v14 =	vsel vm14, v17, v14;
	v13 =	vsel vm15, v17, v13;
	v12 =	vsel vm14, v18, v12  }
0x19d: {  	v10 =	vsel vm15, v18, v10;
	v9 =	vsel vm14, v19, v9;
	v8 =	vsel vm15, v19, v8  }
0x19e: {  	s0 =	sshll.u32 s28, $0x5  }
0x19f: {  	[tilespmem:s0+$0x10400] =	vst v15  }
0x1a0: {  	s28 =	sadd.s32 $0x1, s28;
	[tilespmem:s0+$0x10410] =	vst v11  }
0x1a1: {  	[tilespmem:s0+$0x11400] =	vst v14;
	p0 =	sne.s32 s28, $0x80  }
.Ltmp4:
0x1a2: {  	[tilespmem:s0+$0x11410] =	vst v13;
	(pc) =	sbr.rel @p0 .LBB2_4-.Ltmp4, $4  }
0x1a3: {  	[tilespmem:s0+$0x12400] =	vst v12  }
0x1a4: {  	[tilespmem:s0+$0x12410] =	vst v10  }
0x1a5: {  	[tilespmem:s0+$0x13400] =	vst v9  }
0x1a6: {  	[tilespmem:s0+$0x13410] =	vst v8  }
0x1a7: {  	[hbm4b:s9+s14] =	stream.strided.scatter [tilespmem:s22], [sflag:$0x1], $0x1000, s15, s14, $0x38;
	[tilespmem:$0x14400] =	vst v63  }
0x1a8: {  	_ =	swait.ge [sflag:s16], $0x1000  }
0x1a9: {  	[sflag:s16] =	ssyncset.done $0x0  }
0x1aa: {  	[sflag:s16] =	ssyncadd.s32 $0xFFFFF000  }
0x1ab: {  	[hbm4b:s10+s14] =	stream.strided.scatter [tilespmem:s23], [sflag:$0x1], $0x1000, s15, s14, $0x38;
	[tilespmem:$0x14400] =	vst v63  }
0x1ac: {  	_ =	swait.ge [sflag:s16], $0x1000  }
0x1ad: {  	[sflag:s16] =	ssyncset.done $0x0  }
0x1ae: {  	[sflag:s16] =	ssyncadd.s32 $0xFFFFF000  }
0x1af: {  	[hbm4b:s11+s14] =	stream.strided.scatter [tilespmem:s24], [sflag:$0x1], $0x1000, s15, s14, $0x38;
	[tilespmem:$0x14400] =	vst v63  }
0x1b0: {  	s26 =	sadd.s32 $0x1, s26;
	_ =	swait.ge [sflag:s16], $0x1000  }
0x1b1: {  	p0 =	sne.s32 s26, s13;
	[sflag:s16] =	ssyncset.done $0x0  }
.Ltmp5:
0x1b2: {  	[sflag:s16] =	ssyncadd.s32 $0xFFFFF000;
	(pc) =	sbr.rel @p0 .LBB2_1-.Ltmp5, $4  }
0x1b3: {  	[hbm4b:s12+s14] =	stream.strided.scatter [tilespmem:s25], [sflag:$0x1], $0x1000, s15, s14, $0x38;
	[tilespmem:$0x14400] =	vst v63  }
0x1b4: {  	_ =	swait.ge [sflag:s16], $0x1000  }
0x1b5: {  	[sflag:s16] =	ssyncset.done $0x0  }
0x1b6: {  	[sflag:s16] =	ssyncadd.s32 $0xFFFFF000  }
0x1b7: {  	_ =	sfence.sel $0x180000  }
0x1b8: {  	[bflag:$0x0] =	sbarrier.arrive $0xFFFF  }
0x1b9: {  	_ =	strace $0x90000047  }
0x1ba: {  	s0 =	stileid.u32;
	[bflag:$0x2] =	sbarrier.arrive $0xFFFF  }
0x1bb: {  	p0 =	sne.s32 s0, $0x0;
	s0 =	rddreg [dreg:$0x3]  }
0x1bc: {  	s0 =	sadd.s32 @!p0 $0x100000, s0  }
0x1bd: {  	[sflag:s0] =	ssyncadd.tile.s32 @!p0 $0x1;
	_ =	shalt  }
.Lfunc_end2:
_tile_overlayer_lowered:
.L_overlay_start_2:
0x1be: {  	(tag) =	ssettag $0x2  }
0x1bf: {  	s0 =	rddreg [dreg:$0x0];
	s2 =	stileid.u32  }
0x1c0: {  	s1 =	rddreg [dreg:$0x1];
	p0 =	sne.s32 s2, $0x0  }
0x1c1: {  	s3 =	rddreg [dreg:$0x2];
	[bflag:$0x3] =	sbarrier.arrive $0xFFFF;
	s2 =	simm.s32 @!p0 $0x1C01  }
0x1c2: {  	[timem:s3], [sflag:s2] =	dma.local @!p0 [hbm:s0], s1  }
0x1c3: {  	s0 =	simm.s32 @!p0 $0x1  }
0x1c4: {  	_ =	swait.ge @!p0 [sflag:s0], s1  }
0x1c5: {  	s1 =	ssub.s32 @!p0 $0x0, s1;
	[sflag:s0] =	ssyncset.done @!p0 $0x0  }
0x1c6: {  	[sflag:s0] =	ssyncadd.s32 @!p0 s1  }
0x1c7: {  	[bflag:$0x3] =	sbarrier.arrive $0xFFFF  }
0x1c8: {  	_ =	shalt  }

</sc_bundles>
